<compile_context>
chip_gen: v7x
topology: tpu7x:2x2x1
jax: 0.10.2.dev20260603
libtpu: 0.0.44.dev20260713+nightly
codegen_flags: <defaults>
</compile_context>

<pallas_src>
import functools

import jax
import jax.numpy as jnp
from jax import lax
from jax.experimental import pallas as pl
from jax.experimental.pallas import tpu as pltpu
from jax.experimental.pallas import tpu_sc as plsc

_NC = 2
_NS = 16
_NW = _NC * _NS
_K = 128
_D = 128
_H = _D // _NC



def _mm_kernel(x_ref, w_ref, o_ref):
    o_ref[...] = lax.dot_general(
        x_ref[...], w_ref[...], (((1,), (1,)), ((), ())),
        preferred_element_type=jnp.float32)


def _tc_matmul(x, W):
    return pl.pallas_call(
        _mm_kernel,
        out_shape=jax.ShapeDtypeStruct((x.shape[0], W.shape[0]), jnp.float32),
    )(x, W)


def _scale_kernel(dp_ref, xp_ref, y_ref, s_ref):
    deg = dp_ref[:, 0:1] + dp_ref[:, 1:2] + 1.0
    s = lax.rsqrt(deg)
    s_ref[...] = s
    y_ref[...] = s * xp_ref[...]


def _tc_scale(dp, xp):
    n = xp.shape[0]
    return pl.pallas_call(
        _scale_kernel,
        out_shape=(jax.ShapeDtypeStruct((n, _D), jnp.float32),
                   jax.ShapeDtypeStruct((n, 1), jnp.float32)),
    )(dp, xp)


def _mid_kernel(ap_ref, y1_ref, s_ref, b1_ref, g_ref, be_ref, w2_ref,
                y2_ref):
    s = s_ref[...]
    agg = jnp.concatenate([ap_ref[0], ap_ref[1]], axis=1)
    pre = s * agg + s * y1_ref[...] + b1_ref[...]
    mu = jnp.mean(pre, axis=0, keepdims=True)
    var = jnp.mean((pre - mu) ** 2, axis=0, keepdims=True)
    h = (pre - mu) * lax.rsqrt(var + 1e-5) * g_ref[...] + be_ref[...]
    h = jnp.maximum(h, 0.0)
    xp2 = lax.dot_general(h, w2_ref[...], (((1,), (1,)), ((), ())),
                          preferred_element_type=jnp.float32)
    y2_ref[...] = s * xp2


def _tc_mid(ap, y1, s, b1, gamma, beta, W2):
    n = s.shape[0]
    return pl.pallas_call(
        _mid_kernel,
        out_shape=jax.ShapeDtypeStruct((n, _D), jnp.float32),
    )(ap, y1, s, b1, gamma, beta, W2)


def _fin_kernel(ap_ref, y2_ref, s_ref, b2_ref, o_ref):
    s = s_ref[...]
    agg = jnp.concatenate([ap_ref[0], ap_ref[1]], axis=1)
    o_ref[...] = s * agg + s * y2_ref[...] + b2_ref[...]


def _tc_fin(ap, y2, s, b2):
    n = s.shape[0]
    return pl.pallas_call(
        _fin_kernel,
        out_shape=jax.ShapeDtypeStruct((n, _D), jnp.float32),
    )(ap, y2, s, b2)



def _sc_mesh():
    return plsc.VectorSubcoreMesh(core_axis_name="c", subcore_axis_name="s")


@functools.partial(jax.jit, static_argnames=("n_pad", "nb", "hb"))
def _sc_deg(col4, ew4, *, n_pad, nb, hb):
    rt = n_pad // _NS
    zr = 16
    ncp = rt // zr

    @functools.partial(
        pl.kernel,
        out_type=jax.ShapeDtypeStruct((_NC, n_pad, _D), jnp.float32),
        mesh=_sc_mesh(),
        scratch_types=[
            pltpu.VMEM((hb, _K), jnp.int32),
            pltpu.VMEM((hb, _K), jnp.float32),
            pltpu.VMEM((_K, _D), jnp.float32),
            pltpu.VMEM((zr, _D), jnp.float32),
            pltpu.VMEM_SHARED((n_pad, _D), jnp.float32),
        ],
    )
    def k(col_hbm, ew_hbm, out_hbm, colv, ewv, stg, zb, acc):
        c = lax.axis_index("c")
        t = lax.axis_index("s")
        wid = t * _NC + c

        @pl.loop(0, zr)
        def _(i):
            for kk in range(_D // 16):
                zb[i, pl.ds(kk * 16, 16)] = jnp.zeros((16,), jnp.float32)

        for q in range(ncp):
            pltpu.sync_copy(zb, acc.at[pl.ds(t * rt + q * zr, zr)])

        @pl.loop(0, _K)
        def _(i):
            for kk in range(_D // 16):
                stg[i, pl.ds(kk * 16, 16)] = jnp.zeros((16,), jnp.float32)

        plsc.subcore_barrier()

        for blk in range(nb):
            pltpu.sync_copy(col_hbm.at[wid, blk], colv)
            pltpu.sync_copy(ew_hbm.at[wid, blk], ewv)

            @pl.loop(0, hb)
            def _(j):
                @pl.loop(0, _K, step=16)
                def _(i16):
                    w16 = ewv[j, pl.ds(i16, 16)]
                    for l in range(16):
                        stg[i16 + l, pl.ds(0, 16)] = jnp.full(
                            (16,), w16[l], jnp.float32)
                pltpu.sync_copy(stg, acc.at[colv.at[j]], add=True)

        plsc.subcore_barrier()
        for q in range(ncp):
            r0 = t * rt + q * zr
            pltpu.sync_copy(acc.at[pl.ds(r0, zr)], out_hbm.at[c, pl.ds(r0, zr)])

    return k(col4, ew4)


@functools.partial(jax.jit, static_argnames=("n_pad2", "nb", "hb"))
def _sc_agg(row4, colp4, ewe4, ewo4, y, *, n_pad2, nb, hb):
    rt = n_pad2 // _NS
    zr = 16
    ncp = rt // zr
    pairs = hb // 2

    @functools.partial(
        pl.kernel,
        out_type=jax.ShapeDtypeStruct((_NC, n_pad2, _D), jnp.float32),
        mesh=_sc_mesh(),
        scratch_types=[
            pltpu.VMEM((hb, _K), jnp.int32),
            pltpu.VMEM((hb, _K), jnp.int32),
            pltpu.VMEM((hb, _K), jnp.float32),
            pltpu.VMEM((hb, _K), jnp.float32),
            pltpu.VMEM((_K, _D), jnp.float32),
            pltpu.VMEM((_K, _D), jnp.float32),
            pltpu.VMEM((_K, _D), jnp.float32),
            pltpu.VMEM((_K, _D), jnp.float32),
            pltpu.VMEM((16, _D), jnp.float32),
            pltpu.VMEM_SHARED((n_pad2, _D), jnp.float32),
            pltpu.SemaphoreType.DMA,
            pltpu.SemaphoreType.DMA,
            pltpu.SemaphoreType.DMA,
            pltpu.SemaphoreType.DMA,
        ],
    )
    def k(row_hbm, colp_hbm, ewe_hbm, ewo_hbm, y_hbm, out_hbm,
          rowv, colv, ewe, ewo, ra, rb, stga, stgb, zb, acc,
          sem_a, sem_b, sem_sa, sem_sb):
        c = lax.axis_index("c")
        t = lax.axis_index("s")
        coff = c * _H

        @pl.loop(0, zr)
        def _(i):
            for kk in range(_D // 16):
                zb[i, pl.ds(kk * 16, 16)] = jnp.zeros((16,), jnp.float32)

        for q in range(ncp):
            pltpu.sync_copy(zb, acc.at[pl.ds(t * rt + q * zr, zr)])

        def compute(buf, stg, j):
            @plsc.parallel_loop(0, _K, step=16, unroll=2)
            def _(i16):
                we16 = ewe[j, pl.ds(i16, 16)]
                wo16 = ewo[j, pl.ds(i16, 16)]
                for l in range(16):
                    wev = jnp.full((16,), we16[l], jnp.float32)
                    wov = jnp.full((16,), wo16[l], jnp.float32)
                    for kk in range(_H // 16):
                        v = buf[i16 + l, pl.ds(coff + kk * 16, 16)]
                        stg[i16 + l, pl.ds(kk * 16, 16)] = v * wev
                        stg[i16 + l, pl.ds(_H + kk * 16, 16)] = v * wov

        plsc.subcore_barrier()

        @pl.loop(0, nb)
        def _(blk):
            pltpu.sync_copy(row_hbm.at[t, blk], rowv)
            pltpu.sync_copy(colp_hbm.at[t, blk], colv)
            pltpu.sync_copy(ewe_hbm.at[t, blk], ewe)
            pltpu.sync_copy(ewo_hbm.at[t, blk], ewo)

            pltpu.async_copy(y_hbm.at[rowv.at[0]], ra, sem_a)

            @pl.loop(0, pairs)
            def _(g):
                j0 = 2 * g
                j1 = j0 + 1
                pltpu.make_async_copy(y_hbm.at[rowv.at[j0]], ra, sem_a).wait()
                pltpu.async_copy(y_hbm.at[rowv.at[j1]], rb, sem_b)

                @pl.when(j0 > 0)
                def _():
                    pltpu.make_async_copy(
                        stga, acc.at[colv.at[j0 - 2]], sem_sa).wait()

                compute(ra, stga, j0)
                pltpu.async_copy(stga, acc.at[colv.at[j0]], sem_sa, add=True)
                pltpu.make_async_copy(y_hbm.at[rowv.at[j1]], rb, sem_b).wait()

                @pl.when(j1 + 1 < hb)
                def _():
                    pltpu.async_copy(y_hbm.at[rowv.at[j1 + 1]], ra, sem_a)

                @pl.when(j1 > 1)
                def _():
                    pltpu.make_async_copy(
                        stgb, acc.at[colv.at[j1 - 2]], sem_sb).wait()

                compute(rb, stgb, j1)
                pltpu.async_copy(stgb, acc.at[colv.at[j1]], sem_sb, add=True)

            pltpu.make_async_copy(stga, acc.at[colv.at[hb - 2]], sem_sa).wait()
            pltpu.make_async_copy(stgb, acc.at[colv.at[hb - 1]], sem_sb).wait()

        plsc.subcore_barrier()
        for q in range(ncp):
            r0 = t * rt + q * zr
            pltpu.sync_copy(acc.at[pl.ds(r0, zr)], out_hbm.at[c, pl.ds(r0, zr)])

    return k(row4, colp4, ewe4, ewo4, y)



def _ceil_to(v, q):
    return (v + q - 1) // q * q


def kernel(x, edge_index, edge_weight, W1, b1, gamma, beta, W2, b2):
    n = x.shape[0]
    e = edge_index.shape[1]

    row = edge_index[0].astype(jnp.int32)
    col = edge_index[1].astype(jnp.int32)
    ew = edge_weight.astype(jnp.float32)

    def pad_to(a, ln, dt):
        if a.shape[0] == ln:
            return a
        return jnp.concatenate([a, jnp.zeros((ln - a.shape[0],), dt)])

    nb_d = 2
    e_deg = _ceil_to(e, _NW * _K * nb_d)
    hb_d = e_deg // (_NW * _K * nb_d)
    col4 = pad_to(col, e_deg, jnp.int32).reshape(_NW, nb_d, hb_d, _K)
    ew4 = pad_to(ew, e_deg, jnp.float32).reshape(_NW, nb_d, hb_d, _K)

    hb_a = 8
    e_agg = _ceil_to(e, _NS * _K * hb_a)
    nb_a = e_agg // (_NS * _K * hb_a)
    rowp = pad_to(row, e_agg, jnp.int32)
    colp = pad_to(col, e_agg, jnp.int32)
    ewp = pad_to(ew, e_agg, jnp.float32)
    par = (colp & 1).astype(jnp.float32)
    row4 = rowp.reshape(_NS, nb_a, hb_a, _K)
    colp4 = (colp >> 1).reshape(_NS, nb_a, hb_a, _K)
    ewe4 = (ewp * (1.0 - par)).reshape(_NS, nb_a, hb_a, _K)
    ewo4 = (ewp * par).reshape(_NS, nb_a, hb_a, _K)

    n_deg = _ceil_to(n, 256)
    n_pad2 = _ceil_to(_ceil_to(n, 2) // 2, 256)

    degp = _sc_deg(col4, ew4, n_pad=n_deg, nb=nb_d, hb=hb_d)
    xp1 = _tc_matmul(x, W1)

    dp = jnp.stack([degp[0, :n, 0], degp[1, :n, 0]], axis=1)
    y1, s = _tc_scale(dp, xp1)

    def unpack(aggp):
        return aggp.reshape(_NC, n_pad2 * 2, _H)[:, :n]

    agg1 = unpack(_sc_agg(row4, colp4, ewe4, ewo4, y1,
                          n_pad2=n_pad2, nb=nb_a, hb=hb_a))
    y2 = _tc_mid(agg1, y1, s, b1.reshape(1, _D), gamma.reshape(1, _D),
                 beta.reshape(1, _D), W2)
    agg2 = unpack(_sc_agg(row4, colp4, ewe4, ewo4, y2,
                          n_pad2=n_pad2, nb=nb_a, hb=hb_a))
    return _tc_fin(agg2, y2, s, b2.reshape(1, _D))

# --- scband reference (transcript-rebuilt; emitter-appended) ---
"""Pipeline reference for scband-gcn-25555055411697 (READ-ONLY COPY).

The authoritative reference and input builder live on the scoring server;
editing this copy changes nothing except your own understanding.
"""

import jax, jax.numpy as jnp
import numpy as np

N = 10000
E = 320000
IN = 128
HID = 128
OUT = 128


def setup_inputs(seed: int = 0) -> dict:
    key = jax.random.key(seed)
    ks = jax.random.split(key, 10)
    x = jax.random.normal(ks[0], (N, IN), dtype=jnp.float32)
    edge_index = jax.random.randint(ks[1], (2, E), 0, N, dtype=jnp.int64)
    edge_weight = jax.random.uniform(ks[2], (E,), dtype=jnp.float32)
    W1 = jax.random.normal(ks[3], (HID, IN), dtype=jnp.float32) * (1.0 / np.sqrt(IN))
    b1 = jnp.zeros((HID,), dtype=jnp.float32)
    gamma = jnp.ones((HID,), dtype=jnp.float32)
    beta = jnp.zeros((HID,), dtype=jnp.float32)
    W2 = jax.random.normal(ks[4], (OUT, HID), dtype=jnp.float32) * (1.0 / np.sqrt(HID))
    b2 = jnp.zeros((OUT,), dtype=jnp.float32)
    return {"x": x, "edge_index": edge_index, "edge_weight": edge_weight,
            "W1": W1, "b1": b1, "gamma": gamma, "beta": beta, "W2": W2, "b2": b2}


def _gcn_conv(x, edge_index, edge_weight, W, b):
    # GCNConv with add_self_loops=True, normalize=True (PyG semantics)
    n = x.shape[0]
    row = edge_index[0]
    col = edge_index[1]
    loop = jnp.arange(n, dtype=row.dtype)
    row = jnp.concatenate([row, loop])
    col = jnp.concatenate([col, loop])
    ew = jnp.concatenate([edge_weight, jnp.ones((n,), dtype=x.dtype)])
    deg = jax.ops.segment_sum(ew, col, num_segments=n)
    deg_inv_sqrt = jnp.where(deg > 0, 1.0 / jnp.sqrt(deg), 0.0)
    norm = deg_inv_sqrt[row] * ew * deg_inv_sqrt[col]
    xp = x @ W.T  # linear (no bias inside lin)
    msg = norm[:, None] * jnp.take(xp, row, axis=0)
    out = jax.ops.segment_sum(msg, col, num_segments=n)
    return out + b


def reference(x, edge_index, edge_weight, W1, b1, gamma, beta, W2, b2):
    h = _gcn_conv(x, edge_index, edge_weight, W1, b1)
    # BatchNorm1d in training mode (batch statistics, biased variance)
    mean = jnp.mean(h, axis=0)
    var = jnp.mean((h - mean) ** 2, axis=0)
    h = (h - mean) / jnp.sqrt(var + 1e-5) * gamma + beta
    h = jax.nn.relu(h)
    # dropout p=0.0 -> identity
    out = _gcn_conv(h, edge_index, edge_weight, W2, b2)
    return out

if __name__ == "__main__":
    import jax
    _d = setup_inputs()
    print(jax.jit(kernel)(*tuple(_d.values())))

</pallas_src>

<mosaic_0001>
#map = affine_map<(d0, d1) -> (0, 0, 0, 0)>
#map1 = affine_map<(d0, d1) -> (0, 0, 0)>
module attributes {stable_mosaic.version = 14 : i64} {
  func.func @k(%arg0: i32, %arg1: i32, %arg2: memref<32x2x40x128xi32, #tpu.memory_space<hbm>>, %arg3: memref<32x2x40x128xf32, #tpu.memory_space<hbm>>, %arg4: memref<2x10240x128xf32, #tpu.memory_space<hbm>>, %arg5: memref<40x128xi32, #tpu.memory_space<vmem>>, %arg6: memref<40x128xf32, #tpu.memory_space<vmem>>, %arg7: memref<128x128xf32, #tpu.memory_space<vmem>>, %arg8: memref<16x128xf32, #tpu.memory_space<vmem>>, %arg9: memref<10240x128xf32, #tpu.memory_space<vmem_shared>>) attributes {dimension_semantics = [#tpu.dimension_semantics<core_parallel>, #tpu.dimension_semantics<subcore_parallel>], iteration_bounds = array<i64: 2, 16>, scalar_prefetch = 0 : i64, scratch_operands = 5 : i64, tpu.core_type = #tpu.core_type<sc_vector_subcore>, window_params = [{transform_indices = #map}, {transform_indices = #map}, {transform_indices = #map1}]} {
    %mul3A = arith.constant 2 : i32
    %mul3A_0 = arith.muli %arg1, %mul3A : i32
    %add3A = arith.addi %mul3A_0, %arg0 : i32
    %scan3A = arith.constant 0 : i32
    %scan3A_1 = arith.constant 16 : i32
    %scan3A_2 = arith.addi %scan3A, %scan3A_1 : i32
    %scan3A_3 = arith.constant 1 : i32
    scf.for %scan3A_344 = %scan3A to %scan3A_2 step %scan3A_3  : i32 {
      %mul3A_345 = arith.constant 1 : i32
      %mul3A_346 = arith.muli %scan3A_344, %mul3A_345 : i32
      %add3A_347 = arith.constant 0 : i32
      %add3A_348 = arith.addi %add3A_347, %mul3A_346 : i32
      %broadcast_in_dim3A = arith.constant 0.000000e+00 : f32
      %broadcast_in_dim3A_349 = vector.broadcast %broadcast_in_dim3A : f32 to vector<16xf32>
      %swap3A = arith.index_cast %add3A_348 : i32 to index
      %swap3A_350 = arith.constant 0 : index
      %swap3A_351 = tpu.vector_load %arg8[%swap3A, %swap3A_350] {strides = array<i32>} : memref<16x128xf32, #tpu.memory_space<vmem>>, vector<1x16xf32>,
      %swap3A_352 = vector.shape_cast %swap3A_351 : vector<1x16xf32> to vector<16xf32>
      %swap3A_353 = vector.shape_cast %broadcast_in_dim3A_349 : vector<16xf32> to vector<1x16xf32>
      tpu.vector_store %arg8[%swap3A, %swap3A_350], %swap3A_353 {strides = array<i32>} : memref<16x128xf32, #tpu.memory_space<vmem>>, vector<1x16xf32>,
      %broadcast_in_dim3A_354 = arith.constant 0.000000e+00 : f32
      %broadcast_in_dim3A_355 = vector.broadcast %broadcast_in_dim3A_354 : f32 to vector<16xf32>
      %swap3A_356 = arith.index_cast %add3A_348 : i32 to index
      %swap3A_357 = arith.constant 16 : index
      %swap3A_358 = tpu.vector_load %arg8[%swap3A_356, %swap3A_357] {strides = array<i32>} : memref<16x128xf32, #tpu.memory_space<vmem>>, vector<1x16xf32>,
      %swap3A_359 = vector.shape_cast %swap3A_358 : vector<1x16xf32> to vector<16xf32>
      %swap3A_360 = vector.shape_cast %broadcast_in_dim3A_355 : vector<16xf32> to vector<1x16xf32>
      tpu.vector_store %arg8[%swap3A_356, %swap3A_357], %swap3A_360 {strides = array<i32>} : memref<16x128xf32, #tpu.memory_space<vmem>>, vector<1x16xf32>,
      %broadcast_in_dim3A_361 = arith.constant 0.000000e+00 : f32
      %broadcast_in_dim3A_362 = vector.broadcast %broadcast_in_dim3A_361 : f32 to vector<16xf32>
      %swap3A_363 = arith.index_cast %add3A_348 : i32 to index
      %swap3A_364 = arith.constant 32 : index
      %swap3A_365 = tpu.vector_load %arg8[%swap3A_363, %swap3A_364] {strides = array<i32>} : memref<16x128xf32, #tpu.memory_space<vmem>>, vector<1x16xf32>,
      %swap3A_366 = vector.shape_cast %swap3A_365 : vector<1x16xf32> to vector<16xf32>
      %swap3A_367 = vector.shape_cast %broadcast_in_dim3A_362 : vector<16xf32> to vector<1x16xf32>
      tpu.vector_store %arg8[%swap3A_363, %swap3A_364], %swap3A_367 {strides = array<i32>} : memref<16x128xf32, #tpu.memory_space<vmem>>, vector<1x16xf32>,
      %broadcast_in_dim3A_368 = arith.constant 0.000000e+00 : f32
      %broadcast_in_dim3A_369 = vector.broadcast %broadcast_in_dim3A_368 : f32 to vector<16xf32>
      %swap3A_370 = arith.index_cast %add3A_348 : i32 to index
      %swap3A_371 = arith.constant 48 : index
      %swap3A_372 = tpu.vector_load %arg8[%swap3A_370, %swap3A_371] {strides = array<i32>} : memref<16x128xf32, #tpu.memory_space<vmem>>, vector<1x16xf32>,
      %swap3A_373 = vector.shape_cast %swap3A_372 : vector<1x16xf32> to vector<16xf32>
      %swap3A_374 = vector.shape_cast %broadcast_in_dim3A_369 : vector<16xf32> to vector<1x16xf32>
      tpu.vector_store %arg8[%swap3A_370, %swap3A_371], %swap3A_374 {strides = array<i32>} : memref<16x128xf32, #tpu.memory_space<vmem>>, vector<1x16xf32>,
      %broadcast_in_dim3A_375 = arith.constant 0.000000e+00 : f32
      %broadcast_in_dim3A_376 = vector.broadcast %broadcast_in_dim3A_375 : f32 to vector<16xf32>
      %swap3A_377 = arith.index_cast %add3A_348 : i32 to index
      %swap3A_378 = arith.constant 64 : index
      %swap3A_379 = tpu.vector_load %arg8[%swap3A_377, %swap3A_378] {strides = array<i32>} : memref<16x128xf32, #tpu.memory_space<vmem>>, vector<1x16xf32>,
      %swap3A_380 = vector.shape_cast %swap3A_379 : vector<1x16xf32> to vector<16xf32>
      %swap3A_381 = vector.shape_cast %broadcast_in_dim3A_376 : vector<16xf32> to vector<1x16xf32>
      tpu.vector_store %arg8[%swap3A_377, %swap3A_378], %swap3A_381 {strides = array<i32>} : memref<16x128xf32, #tpu.memory_space<vmem>>, vector<1x16xf32>,
      %broadcast_in_dim3A_382 = arith.constant 0.000000e+00 : f32
      %broadcast_in_dim3A_383 = vector.broadcast %broadcast_in_dim3A_382 : f32 to vector<16xf32>
      %swap3A_384 = arith.index_cast %add3A_348 : i32 to index
      %swap3A_385 = arith.constant 80 : index
      %swap3A_386 = tpu.vector_load %arg8[%swap3A_384, %swap3A_385] {strides = array<i32>} : memref<16x128xf32, #tpu.memory_space<vmem>>, vector<1x16xf32>,
      %swap3A_387 = vector.shape_cast %swap3A_386 : vector<1x16xf32> to vector<16xf32>
      %swap3A_388 = vector.shape_cast %broadcast_in_dim3A_383 : vector<16xf32> to vector<1x16xf32>
      tpu.vector_store %arg8[%swap3A_384, %swap3A_385], %swap3A_388 {strides = array<i32>} : memref<16x128xf32, #tpu.memory_space<vmem>>, vector<1x16xf32>,
      %broadcast_in_dim3A_389 = arith.constant 0.000000e+00 : f32
      %broadcast_in_dim3A_390 = vector.broadcast %broadcast_in_dim3A_389 : f32 to vector<16xf32>
      %swap3A_391 = arith.index_cast %add3A_348 : i32 to index
      %swap3A_392 = arith.constant 96 : index
      %swap3A_393 = tpu.vector_load %arg8[%swap3A_391, %swap3A_392] {strides = array<i32>} : memref<16x128xf32, #tpu.memory_space<vmem>>, vector<1x16xf32>,
      %swap3A_394 = vector.shape_cast %swap3A_393 : vector<1x16xf32> to vector<16xf32>
      %swap3A_395 = vector.shape_cast %broadcast_in_dim3A_390 : vector<16xf32> to vector<1x16xf32>
      tpu.vector_store %arg8[%swap3A_391, %swap3A_392], %swap3A_395 {strides = array<i32>} : memref<16x128xf32, #tpu.memory_space<vmem>>, vector<1x16xf32>,
      %broadcast_in_dim3A_396 = arith.constant 0.000000e+00 : f32
      %broadcast_in_dim3A_397 = vector.broadcast %broadcast_in_dim3A_396 : f32 to vector<16xf32>
      %swap3A_398 = arith.index_cast %add3A_348 : i32 to index
      %swap3A_399 = arith.constant 112 : index
      %swap3A_400 = tpu.vector_load %arg8[%swap3A_398, %swap3A_399] {strides = array<i32>} : memref<16x128xf32, #tpu.memory_space<vmem>>, vector<1x16xf32>,
      %swap3A_401 = vector.shape_cast %swap3A_400 : vector<1x16xf32> to vector<16xf32>
      %swap3A_402 = vector.shape_cast %broadcast_in_dim3A_397 : vector<16xf32> to vector<1x16xf32>
      tpu.vector_store %arg8[%swap3A_398, %swap3A_399], %swap3A_402 {strides = array<i32>} : memref<16x128xf32, #tpu.memory_space<vmem>>, vector<1x16xf32>,
    }
    %scan3A_4 = arith.constant 16 : i32
    %mul3A_5 = arith.constant 640 : i32
    %mul3A_6 = arith.muli %arg1, %mul3A_5 : i32
    %add3A_7 = arith.constant 0 : i32
    %add3A_8 = arith.addi %mul3A_6, %add3A_7 : i32
    "tpu.region"() ({
      %run_scoped3A_344 = tpu.sem_alloc : memref<!tpu.dma_semaphore, #tpu.memory_space<semaphore_mem>>
      %dma_start3A = arith.constant 0 : i32
      %dma_start3A_345 = tpu.memref_slice %arg9[%add3A_8, %dma_start3A] : memref<10240x128xf32, #tpu.memory_space<vmem_shared>> -> memref<16x128xf32, #tpu.memory_space<vmem_shared>>
      %dma_start3A_346 = arith.constant 0 : i32
      %dma_start3A_347 = tpu.memref_slice %arg9[%add3A_8, %dma_start3A_346] : memref<10240x128xf32, #tpu.memory_space<vmem_shared>> -> memref<16x128xf32, #tpu.memory_space<vmem_shared>>
      tpu.enqueue_dma source(%arg8 : memref<16x128xf32, #tpu.memory_space<vmem>>) target(%dma_start3A_347 : memref<16x128xf32, #tpu.memory_space<vmem_shared>>) target_semaphore(%run_scoped3A_344 : memref<!tpu.dma_semaphore, #tpu.memory_space<semaphore_mem>>)
      %dma_wait3A = arith.constant 0 : i32
      %dma_wait3A_348 = tpu.memref_slice %arg9[%add3A_8, %dma_wait3A] : memref<10240x128xf32, #tpu.memory_space<vmem_shared>> -> memref<16x128xf32, #tpu.memory_space<vmem_shared>>
      %dma_wait3A_349 = arith.constant 0 : i32
      %dma_wait3A_350 = tpu.memref_slice %arg9[%add3A_8, %dma_wait3A_349] : memref<10240x128xf32, #tpu.memory_space<vmem_shared>> -> memref<16x128xf32, #tpu.memory_space<vmem_shared>>
      tpu.wait_dma2 semaphore(%run_scoped3A_344 : memref<!tpu.dma_semaphore, #tpu.memory_space<semaphore_mem>>) src(%arg8 : memref<16x128xf32, #tpu.memory_space<vmem>>) dst(%dma_wait3A_350 : memref<16x128xf32, #tpu.memory_space<vmem_shared>>)
      tpu.yield
    }) : () -> ()
    %mul3A_9 = arith.constant 640 : i32
    %mul3A_10 = arith.muli %arg1, %mul3A_9 : i32
    %add3A_11 = arith.constant 16 : i32
    %add3A_12 = arith.addi %mul3A_10, %add3A_11 : i32
    "tpu.region"() ({
      %run_scoped3A_344 = tpu.sem_alloc : memref<!tpu.dma_semaphore, #tpu.memory_space<semaphore_mem>>
      %dma_start3A = arith.constant 0 : i32
      %dma_start3A_345 = tpu.memref_slice %arg9[%add3A_12, %dma_start3A] : memref<10240x128xf32, #tpu.memory_space<vmem_shared>> -> memref<16x128xf32, #tpu.memory_space<vmem_shared>>
      %dma_start3A_346 = arith.constant 0 : i32
      %dma_start3A_347 = tpu.memref_slice %arg9[%add3A_12, %dma_start3A_346] : memref<10240x128xf32, #tpu.memory_space<vmem_shared>> -> memref<16x128xf32, #tpu.memory_space<vmem_shared>>
      tpu.enqueue_dma source(%arg8 : memref<16x128xf32, #tpu.memory_space<vmem>>) target(%dma_start3A_347 : memref<16x128xf32, #tpu.memory_space<vmem_shared>>) target_semaphore(%run_scoped3A_344 : memref<!tpu.dma_semaphore, #tpu.memory_space<semaphore_mem>>)
      %dma_wait3A = arith.constant 0 : i32
      %dma_wait3A_348 = tpu.memref_slice %arg9[%add3A_12, %dma_wait3A] : memref<10240x128xf32, #tpu.memory_space<vmem_shared>> -> memref<16x128xf32, #tpu.memory_space<vmem_shared>>
      %dma_wait3A_349 = arith.constant 0 : i32
      %dma_wait3A_350 = tpu.memref_slice %arg9[%add3A_12, %dma_wait3A_349] : memref<10240x128xf32, #tpu.memory_space<vmem_shared>> -> memref<16x128xf32, #tpu.memory_space<vmem_shared>>
      tpu.wait_dma2 semaphore(%run_scoped3A_344 : memref<!tpu.dma_semaphore, #tpu.memory_space<semaphore_mem>>) src(%arg8 : memref<16x128xf32, #tpu.memory_space<vmem>>) dst(%dma_wait3A_350 : memref<16x128xf32, #tpu.memory_space<vmem_shared>>)
      tpu.yield
    }) : () -> ()
    %mul3A_13 = arith.constant 640 : i32
    %mul3A_14 = arith.muli %arg1, %mul3A_13 : i32
    %add3A_15 = arith.constant 32 : i32
    %add3A_16 = arith.addi %mul3A_14, %add3A_15 : i32
    "tpu.region"() ({
      %run_scoped3A_344 = tpu.sem_alloc : memref<!tpu.dma_semaphore, #tpu.memory_space<semaphore_mem>>
      %dma_start3A = arith.constant 0 : i32
      %dma_start3A_345 = tpu.memref_slice %arg9[%add3A_16, %dma_start3A] : memref<10240x128xf32, #tpu.memory_space<vmem_shared>> -> memref<16x128xf32, #tpu.memory_space<vmem_shared>>
      %dma_start3A_346 = arith.constant 0 : i32
      %dma_start3A_347 = tpu.memref_slice %arg9[%add3A_16, %dma_start3A_346] : memref<10240x128xf32, #tpu.memory_space<vmem_shared>> -> memref<16x128xf32, #tpu.memory_space<vmem_shared>>
      tpu.enqueue_dma source(%arg8 : memref<16x128xf32, #tpu.memory_space<vmem>>) target(%dma_start3A_347 : memref<16x128xf32, #tpu.memory_space<vmem_shared>>) target_semaphore(%run_scoped3A_344 : memref<!tpu.dma_semaphore, #tpu.memory_space<semaphore_mem>>)
      %dma_wait3A = arith.constant 0 : i32
      %dma_wait3A_348 = tpu.memref_slice %arg9[%add3A_16, %dma_wait3A] : memref<10240x128xf32, #tpu.memory_space<vmem_shared>> -> memref<16x128xf32, #tpu.memory_space<vmem_shared>>
      %dma_wait3A_349 = arith.constant 0 : i32
      %dma_wait3A_350 = tpu.memref_slice %arg9[%add3A_16, %dma_wait3A_349] : memref<10240x128xf32, #tpu.memory_space<vmem_shared>> -> memref<16x128xf32, #tpu.memory_space<vmem_shared>>
      tpu.wait_dma2 semaphore(%run_scoped3A_344 : memref<!tpu.dma_semaphore, #tpu.memory_space<semaphore_mem>>) src(%arg8 : memref<16x128xf32, #tpu.memory_space<vmem>>) dst(%dma_wait3A_350 : memref<16x128xf32, #tpu.memory_space<vmem_shared>>)
      tpu.yield
    }) : () -> ()
    %mul3A_17 = arith.constant 640 : i32
    %mul3A_18 = arith.muli %arg1, %mul3A_17 : i32
    %add3A_19 = arith.constant 48 : i32
    %add3A_20 = arith.addi %mul3A_18, %add3A_19 : i32
    "tpu.region"() ({
      %run_scoped3A_344 = tpu.sem_alloc : memref<!tpu.dma_semaphore, #tpu.memory_space<semaphore_mem>>
      %dma_start3A = arith.constant 0 : i32
      %dma_start3A_345 = tpu.memref_slice %arg9[%add3A_20, %dma_start3A] : memref<10240x128xf32, #tpu.memory_space<vmem_shared>> -> memref<16x128xf32, #tpu.memory_space<vmem_shared>>
      %dma_start3A_346 = arith.constant 0 : i32
      %dma_start3A_347 = tpu.memref_slice %arg9[%add3A_20, %dma_start3A_346] : memref<10240x128xf32, #tpu.memory_space<vmem_shared>> -> memref<16x128xf32, #tpu.memory_space<vmem_shared>>
      tpu.enqueue_dma source(%arg8 : memref<16x128xf32, #tpu.memory_space<vmem>>) target(%dma_start3A_347 : memref<16x128xf32, #tpu.memory_space<vmem_shared>>) target_semaphore(%run_scoped3A_344 : memref<!tpu.dma_semaphore, #tpu.memory_space<semaphore_mem>>)
      %dma_wait3A = arith.constant 0 : i32
      %dma_wait3A_348 = tpu.memref_slice %arg9[%add3A_20, %dma_wait3A] : memref<10240x128xf32, #tpu.memory_space<vmem_shared>> -> memref<16x128xf32, #tpu.memory_space<vmem_shared>>
      %dma_wait3A_349 = arith.constant 0 : i32
      %dma_wait3A_350 = tpu.memref_slice %arg9[%add3A_20, %dma_wait3A_349] : memref<10240x128xf32, #tpu.memory_space<vmem_shared>> -> memref<16x128xf32, #tpu.memory_space<vmem_shared>>
      tpu.wait_dma2 semaphore(%run_scoped3A_344 : memref<!tpu.dma_semaphore, #tpu.memory_space<semaphore_mem>>) src(%arg8 : memref<16x128xf32, #tpu.memory_space<vmem>>) dst(%dma_wait3A_350 : memref<16x128xf32, #tpu.memory_space<vmem_shared>>)
      tpu.yield
    }) : () -> ()
    %mul3A_21 = arith.constant 640 : i32
    %mul3A_22 = arith.muli %arg1, %mul3A_21 : i32
    %add3A_23 = arith.constant 64 : i32
    %add3A_24 = arith.addi %mul3A_22, %add3A_23 : i32
    "tpu.region"() ({
      %run_scoped3A_344 = tpu.sem_alloc : memref<!tpu.dma_semaphore, #tpu.memory_space<semaphore_mem>>
      %dma_start3A = arith.constant 0 : i32
      %dma_start3A_345 = tpu.memref_slice %arg9[%add3A_24, %dma_start3A] : memref<10240x128xf32, #tpu.memory_space<vmem_shared>> -> memref<16x128xf32, #tpu.memory_space<vmem_shared>>
      %dma_start3A_346 = arith.constant 0 : i32
      %dma_start3A_347 = tpu.memref_slice %arg9[%add3A_24, %dma_start3A_346] : memref<10240x128xf32, #tpu.memory_space<vmem_shared>> -> memref<16x128xf32, #tpu.memory_space<vmem_shared>>
      tpu.enqueue_dma source(%arg8 : memref<16x128xf32, #tpu.memory_space<vmem>>) target(%dma_start3A_347 : memref<16x128xf32, #tpu.memory_space<vmem_shared>>) target_semaphore(%run_scoped3A_344 : memref<!tpu.dma_semaphore, #tpu.memory_space<semaphore_mem>>)
      %dma_wait3A = arith.constant 0 : i32
      %dma_wait3A_348 = tpu.memref_slice %arg9[%add3A_24, %dma_wait3A] : memref<10240x128xf32, #tpu.memory_space<vmem_shared>> -> memref<16x128xf32, #tpu.memory_space<vmem_shared>>
      %dma_wait3A_349 = arith.constant 0 : i32
      %dma_wait3A_350 = tpu.memref_slice %arg9[%add3A_24, %dma_wait3A_349] : memref<10240x128xf32, #tpu.memory_space<vmem_shared>> -> memref<16x128xf32, #tpu.memory_space<vmem_shared>>
      tpu.wait_dma2 semaphore(%run_scoped3A_344 : memref<!tpu.dma_semaphore, #tpu.memory_space<semaphore_mem>>) src(%arg8 : memref<16x128xf32, #tpu.memory_space<vmem>>) dst(%dma_wait3A_350 : memref<16x128xf32, #tpu.memory_space<vmem_shared>>)
      tpu.yield
    }) : () -> ()
    %mul3A_25 = arith.constant 640 : i32
    %mul3A_26 = arith.muli %arg1, %mul3A_25 : i32
    %add3A_27 = arith.constant 80 : i32
    %add3A_28 = arith.addi %mul3A_26, %add3A_27 : i32
    "tpu.region"() ({
      %run_scoped3A_344 = tpu.sem_alloc : memref<!tpu.dma_semaphore, #tpu.memory_space<semaphore_mem>>
      %dma_start3A = arith.constant 0 : i32
      %dma_start3A_345 = tpu.memref_slice %arg9[%add3A_28, %dma_start3A] : memref<10240x128xf32, #tpu.memory_space<vmem_shared>> -> memref<16x128xf32, #tpu.memory_space<vmem_shared>>
      %dma_start3A_346 = arith.constant 0 : i32
      %dma_start3A_347 = tpu.memref_slice %arg9[%add3A_28, %dma_start3A_346] : memref<10240x128xf32, #tpu.memory_space<vmem_shared>> -> memref<16x128xf32, #tpu.memory_space<vmem_shared>>
      tpu.enqueue_dma source(%arg8 : memref<16x128xf32, #tpu.memory_space<vmem>>) target(%dma_start3A_347 : memref<16x128xf32, #tpu.memory_space<vmem_shared>>) target_semaphore(%run_scoped3A_344 : memref<!tpu.dma_semaphore, #tpu.memory_space<semaphore_mem>>)
      %dma_wait3A = arith.constant 0 : i32
      %dma_wait3A_348 = tpu.memref_slice %arg9[%add3A_28, %dma_wait3A] : memref<10240x128xf32, #tpu.memory_space<vmem_shared>> -> memref<16x128xf32, #tpu.memory_space<vmem_shared>>
      %dma_wait3A_349 = arith.constant 0 : i32
      %dma_wait3A_350 = tpu.memref_slice %arg9[%add3A_28, %dma_wait3A_349] : memref<10240x128xf32, #tpu.memory_space<vmem_shared>> -> memref<16x128xf32, #tpu.memory_space<vmem_shared>>
      tpu.wait_dma2 semaphore(%run_scoped3A_344 : memref<!tpu.dma_semaphore, #tpu.memory_space<semaphore_mem>>) src(%arg8 : memref<16x128xf32, #tpu.memory_space<vmem>>) dst(%dma_wait3A_350 : memref<16x128xf32, #tpu.memory_space<vmem_shared>>)
      tpu.yield
    }) : () -> ()
    %mul3A_29 = arith.constant 640 : i32
    %mul3A_30 = arith.muli %arg1, %mul3A_29 : i32
    %add3A_31 = arith.constant 96 : i32
    %add3A_32 = arith.addi %mul3A_30, %add3A_31 : i32
    "tpu.region"() ({
      %run_scoped3A_344 = tpu.sem_alloc : memref<!tpu.dma_semaphore, #tpu.memory_space<semaphore_mem>>
      %dma_start3A = arith.constant 0 : i32
      %dma_start3A_345 = tpu.memref_slice %arg9[%add3A_32, %dma_start3A] : memref<10240x128xf32, #tpu.memory_space<vmem_shared>> -> memref<16x128xf32, #tpu.memory_space<vmem_shared>>
      %dma_start3A_346 = arith.constant 0 : i32
      %dma_start3A_347 = tpu.memref_slice %arg9[%add3A_32, %dma_start3A_346] : memref<10240x128xf32, #tpu.memory_space<vmem_shared>> -> memref<16x128xf32, #tpu.memory_space<vmem_shared>>
      tpu.enqueue_dma source(%arg8 : memref<16x128xf32, #tpu.memory_space<vmem>>) target(%dma_start3A_347 : memref<16x128xf32, #tpu.memory_space<vmem_shared>>) target_semaphore(%run_scoped3A_344 : memref<!tpu.dma_semaphore, #tpu.memory_space<semaphore_mem>>)
      %dma_wait3A = arith.constant 0 : i32
      %dma_wait3A_348 = tpu.memref_slice %arg9[%add3A_32, %dma_wait3A] : memref<10240x128xf32, #tpu.memory_space<vmem_shared>> -> memref<16x128xf32, #tpu.memory_space<vmem_shared>>
      %dma_wait3A_349 = arith.constant 0 : i32
      %dma_wait3A_350 = tpu.memref_slice %arg9[%add3A_32, %dma_wait3A_349] : memref<10240x128xf32, #tpu.memory_space<vmem_shared>> -> memref<16x128xf32, #tpu.memory_space<vmem_shared>>
      tpu.wait_dma2 semaphore(%run_scoped3A_344 : memref<!tpu.dma_semaphore, #tpu.memory_space<semaphore_mem>>) src(%arg8 : memref<16x128xf32, #tpu.memory_space<vmem>>) dst(%dma_wait3A_350 : memref<16x128xf32, #tpu.memory_space<vmem_shared>>)
      tpu.yield
    }) : () -> ()
    %mul3A_33 = arith.constant 640 : i32
    %mul3A_34 = arith.muli %arg1, %mul3A_33 : i32
    %add3A_35 = arith.constant 112 : i32
    %add3A_36 = arith.addi %mul3A_34, %add3A_35 : i32
    "tpu.region"() ({
      %run_scoped3A_344 = tpu.sem_alloc : memref<!tpu.dma_semaphore, #tpu.memory_space<semaphore_mem>>
      %dma_start3A = arith.constant 0 : i32
      %dma_start3A_345 = tpu.memref_slice %arg9[%add3A_36, %dma_start3A] : memref<10240x128xf32, #tpu.memory_space<vmem_shared>> -> memref<16x128xf32, #tpu.memory_space<vmem_shared>>
      %dma_start3A_346 = arith.constant 0 : i32
      %dma_start3A_347 = tpu.memref_slice %arg9[%add3A_36, %dma_start3A_346] : memref<10240x128xf32, #tpu.memory_space<vmem_shared>> -> memref<16x128xf32, #tpu.memory_space<vmem_shared>>
      tpu.enqueue_dma source(%arg8 : memref<16x128xf32, #tpu.memory_space<vmem>>) target(%dma_start3A_347 : memref<16x128xf32, #tpu.memory_space<vmem_shared>>) target_semaphore(%run_scoped3A_344 : memref<!tpu.dma_semaphore, #tpu.memory_space<semaphore_mem>>)
      %dma_wait3A = arith.constant 0 : i32
      %dma_wait3A_348 = tpu.memref_slice %arg9[%add3A_36, %dma_wait3A] : memref<10240x128xf32, #tpu.memory_space<vmem_shared>> -> memref<16x128xf32, #tpu.memory_space<vmem_shared>>
      %dma_wait3A_349 = arith.constant 0 : i32
      %dma_wait3A_350 = tpu.memref_slice %arg9[%add3A_36, %dma_wait3A_349] : memref<10240x128xf32, #tpu.memory_space<vmem_shared>> -> memref<16x128xf32, #tpu.memory_space<vmem_shared>>
      tpu.wait_dma2 semaphore(%run_scoped3A_344 : memref<!tpu.dma_semaphore, #tpu.memory_space<semaphore_mem>>) src(%arg8 : memref<16x128xf32, #tpu.memory_space<vmem>>) dst(%dma_wait3A_350 : memref<16x128xf32, #tpu.memory_space<vmem_shared>>)
      tpu.yield
    }) : () -> ()
    %mul3A_37 = arith.constant 640 : i32
    %mul3A_38 = arith.muli %arg1, %mul3A_37 : i32
    %add3A_39 = arith.constant 128 : i32
    %add3A_40 = arith.addi %mul3A_38, %add3A_39 : i32
    "tpu.region"() ({
      %run_scoped3A_344 = tpu.sem_alloc : memref<!tpu.dma_semaphore, #tpu.memory_space<semaphore_mem>>
      %dma_start3A = arith.constant 0 : i32
      %dma_start3A_345 = tpu.memref_slice %arg9[%add3A_40, %dma_start3A] : memref<10240x128xf32, #tpu.memory_space<vmem_shared>> -> memref<16x128xf32, #tpu.memory_space<vmem_shared>>
      %dma_start3A_346 = arith.constant 0 : i32
      %dma_start3A_347 = tpu.memref_slice %arg9[%add3A_40, %dma_start3A_346] : memref<10240x128xf32, #tpu.memory_space<vmem_shared>> -> memref<16x128xf32, #tpu.memory_space<vmem_shared>>
      tpu.enqueue_dma source(%arg8 : memref<16x128xf32, #tpu.memory_space<vmem>>) target(%dma_start3A_347 : memref<16x128xf32, #tpu.memory_space<vmem_shared>>) target_semaphore(%run_scoped3A_344 : memref<!tpu.dma_semaphore, #tpu.memory_space<semaphore_mem>>)
      %dma_wait3A = arith.constant 0 : i32
      %dma_wait3A_348 = tpu.memref_slice %arg9[%add3A_40, %dma_wait3A] : memref<10240x128xf32, #tpu.memory_space<vmem_shared>> -> memref<16x128xf32, #tpu.memory_space<vmem_shared>>
      %dma_wait3A_349 = arith.constant 0 : i32
      %dma_wait3A_350 = tpu.memref_slice %arg9[%add3A_40, %dma_wait3A_349] : memref<10240x128xf32, #tpu.memory_space<vmem_shared>> -> memref<16x128xf32, #tpu.memory_space<vmem_shared>>
      tpu.wait_dma2 semaphore(%run_scoped3A_344 : memref<!tpu.dma_semaphore, #tpu.memory_space<semaphore_mem>>) src(%arg8 : memref<16x128xf32, #tpu.memory_space<vmem>>) dst(%dma_wait3A_350 : memref<16x128xf32, #tpu.memory_space<vmem_shared>>)
      tpu.yield
    }) : () -> ()
    %mul3A_41 = arith.constant 640 : i32
    %mul3A_42 = arith.muli %arg1, %mul3A_41 : i32
    %add3A_43 = arith.constant 144 : i32
    %add3A_44 = arith.addi %mul3A_42, %add3A_43 : i32
    "tpu.region"() ({
      %run_scoped3A_344 = tpu.sem_alloc : memref<!tpu.dma_semaphore, #tpu.memory_space<semaphore_mem>>
      %dma_start3A = arith.constant 0 : i32
      %dma_start3A_345 = tpu.memref_slice %arg9[%add3A_44, %dma_start3A] : memref<10240x128xf32, #tpu.memory_space<vmem_shared>> -> memref<16x128xf32, #tpu.memory_space<vmem_shared>>
      %dma_start3A_346 = arith.constant 0 : i32
      %dma_start3A_347 = tpu.memref_slice %arg9[%add3A_44, %dma_start3A_346] : memref<10240x128xf32, #tpu.memory_space<vmem_shared>> -> memref<16x128xf32, #tpu.memory_space<vmem_shared>>
      tpu.enqueue_dma source(%arg8 : memref<16x128xf32, #tpu.memory_space<vmem>>) target(%dma_start3A_347 : memref<16x128xf32, #tpu.memory_space<vmem_shared>>) target_semaphore(%run_scoped3A_344 : memref<!tpu.dma_semaphore, #tpu.memory_space<semaphore_mem>>)
      %dma_wait3A = arith.constant 0 : i32
      %dma_wait3A_348 = tpu.memref_slice %arg9[%add3A_44, %dma_wait3A] : memref<10240x128xf32, #tpu.memory_space<vmem_shared>> -> memref<16x128xf32, #tpu.memory_space<vmem_shared>>
      %dma_wait3A_349 = arith.constant 0 : i32
      %dma_wait3A_350 = tpu.memref_slice %arg9[%add3A_44, %dma_wait3A_349] : memref<10240x128xf32, #tpu.memory_space<vmem_shared>> -> memref<16x128xf32, #tpu.memory_space<vmem_shared>>
      tpu.wait_dma2 semaphore(%run_scoped3A_344 : memref<!tpu.dma_semaphore, #tpu.memory_space<semaphore_mem>>) src(%arg8 : memref<16x128xf32, #tpu.memory_space<vmem>>) dst(%dma_wait3A_350 : memref<16x128xf32, #tpu.memory_space<vmem_shared>>)
      tpu.yield
    }) : () -> ()
    %mul3A_45 = arith.constant 640 : i32
    %mul3A_46 = arith.muli %arg1, %mul3A_45 : i32
    %add3A_47 = arith.constant 160 : i32
    %add3A_48 = arith.addi %mul3A_46, %add3A_47 : i32
    "tpu.region"() ({
      %run_scoped3A_344 = tpu.sem_alloc : memref<!tpu.dma_semaphore, #tpu.memory_space<semaphore_mem>>
      %dma_start3A = arith.constant 0 : i32
      %dma_start3A_345 = tpu.memref_slice %arg9[%add3A_48, %dma_start3A] : memref<10240x128xf32, #tpu.memory_space<vmem_shared>> -> memref<16x128xf32, #tpu.memory_space<vmem_shared>>
      %dma_start3A_346 = arith.constant 0 : i32
      %dma_start3A_347 = tpu.memref_slice %arg9[%add3A_48, %dma_start3A_346] : memref<10240x128xf32, #tpu.memory_space<vmem_shared>> -> memref<16x128xf32, #tpu.memory_space<vmem_shared>>
      tpu.enqueue_dma source(%arg8 : memref<16x128xf32, #tpu.memory_space<vmem>>) target(%dma_start3A_347 : memref<16x128xf32, #tpu.memory_space<vmem_shared>>) target_semaphore(%run_scoped3A_344 : memref<!tpu.dma_semaphore, #tpu.memory_space<semaphore_mem>>)
      %dma_wait3A = arith.constant 0 : i32
      %dma_wait3A_348 = tpu.memref_slice %arg9[%add3A_48, %dma_wait3A] : memref<10240x128xf32, #tpu.memory_space<vmem_shared>> -> memref<16x128xf32, #tpu.memory_space<vmem_shared>>
      %dma_wait3A_349 = arith.constant 0 : i32
      %dma_wait3A_350 = tpu.memref_slice %arg9[%add3A_48, %dma_wait3A_349] : memref<10240x128xf32, #tpu.memory_space<vmem_shared>> -> memref<16x128xf32, #tpu.memory_space<vmem_shared>>
      tpu.wait_dma2 semaphore(%run_scoped3A_344 : memref<!tpu.dma_semaphore, #tpu.memory_space<semaphore_mem>>) src(%arg8 : memref<16x128xf32, #tpu.memory_space<vmem>>) dst(%dma_wait3A_350 : memref<16x128xf32, #tpu.memory_space<vmem_shared>>)
      tpu.yield
    }) : () -> ()
    %mul3A_49 = arith.constant 640 : i32
    %mul3A_50 = arith.muli %arg1, %mul3A_49 : i32
    %add3A_51 = arith.constant 176 : i32
    %add3A_52 = arith.addi %mul3A_50, %add3A_51 : i32
    "tpu.region"() ({
      %run_scoped3A_344 = tpu.sem_alloc : memref<!tpu.dma_semaphore, #tpu.memory_space<semaphore_mem>>
      %dma_start3A = arith.constant 0 : i32
      %dma_start3A_345 = tpu.memref_slice %arg9[%add3A_52, %dma_start3A] : memref<10240x128xf32, #tpu.memory_space<vmem_shared>> -> memref<16x128xf32, #tpu.memory_space<vmem_shared>>
      %dma_start3A_346 = arith.constant 0 : i32
      %dma_start3A_347 = tpu.memref_slice %arg9[%add3A_52, %dma_start3A_346] : memref<10240x128xf32, #tpu.memory_space<vmem_shared>> -> memref<16x128xf32, #tpu.memory_space<vmem_shared>>
      tpu.enqueue_dma source(%arg8 : memref<16x128xf32, #tpu.memory_space<vmem>>) target(%dma_start3A_347 : memref<16x128xf32, #tpu.memory_space<vmem_shared>>) target_semaphore(%run_scoped3A_344 : memref<!tpu.dma_semaphore, #tpu.memory_space<semaphore_mem>>)
      %dma_wait3A = arith.constant 0 : i32
      %dma_wait3A_348 = tpu.memref_slice %arg9[%add3A_52, %dma_wait3A] : memref<10240x128xf32, #tpu.memory_space<vmem_shared>> -> memref<16x128xf32, #tpu.memory_space<vmem_shared>>
      %dma_wait3A_349 = arith.constant 0 : i32
      %dma_wait3A_350 = tpu.memref_slice %arg9[%add3A_52, %dma_wait3A_349] : memref<10240x128xf32, #tpu.memory_space<vmem_shared>> -> memref<16x128xf32, #tpu.memory_space<vmem_shared>>
      tpu.wait_dma2 semaphore(%run_scoped3A_344 : memref<!tpu.dma_semaphore, #tpu.memory_space<semaphore_mem>>) src(%arg8 : memref<16x128xf32, #tpu.memory_space<vmem>>) dst(%dma_wait3A_350 : memref<16x128xf32, #tpu.memory_space<vmem_shared>>)
      tpu.yield
    }) : () -> ()
    %mul3A_53 = arith.constant 640 : i32
    %mul3A_54 = arith.muli %arg1, %mul3A_53 : i32
    %add3A_55 = arith.constant 192 : i32
    %add3A_56 = arith.addi %mul3A_54, %add3A_55 : i32
    "tpu.region"() ({
      %run_scoped3A_344 = tpu.sem_alloc : memref<!tpu.dma_semaphore, #tpu.memory_space<semaphore_mem>>
      %dma_start3A = arith.constant 0 : i32
      %dma_start3A_345 = tpu.memref_slice %arg9[%add3A_56, %dma_start3A] : memref<10240x128xf32, #tpu.memory_space<vmem_shared>> -> memref<16x128xf32, #tpu.memory_space<vmem_shared>>
      %dma_start3A_346 = arith.constant 0 : i32
      %dma_start3A_347 = tpu.memref_slice %arg9[%add3A_56, %dma_start3A_346] : memref<10240x128xf32, #tpu.memory_space<vmem_shared>> -> memref<16x128xf32, #tpu.memory_space<vmem_shared>>
      tpu.enqueue_dma source(%arg8 : memref<16x128xf32, #tpu.memory_space<vmem>>) target(%dma_start3A_347 : memref<16x128xf32, #tpu.memory_space<vmem_shared>>) target_semaphore(%run_scoped3A_344 : memref<!tpu.dma_semaphore, #tpu.memory_space<semaphore_mem>>)
      %dma_wait3A = arith.constant 0 : i32
      %dma_wait3A_348 = tpu.memref_slice %arg9[%add3A_56, %dma_wait3A] : memref<10240x128xf32, #tpu.memory_space<vmem_shared>> -> memref<16x128xf32, #tpu.memory_space<vmem_shared>>
      %dma_wait3A_349 = arith.constant 0 : i32
      %dma_wait3A_350 = tpu.memref_slice %arg9[%add3A_56, %dma_wait3A_349] : memref<10240x128xf32, #tpu.memory_space<vmem_shared>> -> memref<16x128xf32, #tpu.memory_space<vmem_shared>>
      tpu.wait_dma2 semaphore(%run_scoped3A_344 : memref<!tpu.dma_semaphore, #tpu.memory_space<semaphore_mem>>) src(%arg8 : memref<16x128xf32, #tpu.memory_space<vmem>>) dst(%dma_wait3A_350 : memref<16x128xf32, #tpu.memory_space<vmem_shared>>)
      tpu.yield
    }) : () -> ()
    %mul3A_57 = arith.constant 640 : i32
    %mul3A_58 = arith.muli %arg1, %mul3A_57 : i32
    %add3A_59 = arith.constant 208 : i32
    %add3A_60 = arith.addi %mul3A_58, %add3A_59 : i32
    "tpu.region"() ({
      %run_scoped3A_344 = tpu.sem_alloc : memref<!tpu.dma_semaphore, #tpu.memory_space<semaphore_mem>>
      %dma_start3A = arith.constant 0 : i32
      %dma_start3A_345 = tpu.memref_slice %arg9[%add3A_60, %dma_start3A] : memref<10240x128xf32, #tpu.memory_space<vmem_shared>> -> memref<16x128xf32, #tpu.memory_space<vmem_shared>>
      %dma_start3A_346 = arith.constant 0 : i32
      %dma_start3A_347 = tpu.memref_slice %arg9[%add3A_60, %dma_start3A_346] : memref<10240x128xf32, #tpu.memory_space<vmem_shared>> -> memref<16x128xf32, #tpu.memory_space<vmem_shared>>
      tpu.enqueue_dma source(%arg8 : memref<16x128xf32, #tpu.memory_space<vmem>>) target(%dma_start3A_347 : memref<16x128xf32, #tpu.memory_space<vmem_shared>>) target_semaphore(%run_scoped3A_344 : memref<!tpu.dma_semaphore, #tpu.memory_space<semaphore_mem>>)
      %dma_wait3A = arith.constant 0 : i32
      %dma_wait3A_348 = tpu.memref_slice %arg9[%add3A_60, %dma_wait3A] : memref<10240x128xf32, #tpu.memory_space<vmem_shared>> -> memref<16x128xf32, #tpu.memory_space<vmem_shared>>
      %dma_wait3A_349 = arith.constant 0 : i32
      %dma_wait3A_350 = tpu.memref_slice %arg9[%add3A_60, %dma_wait3A_349] : memref<10240x128xf32, #tpu.memory_space<vmem_shared>> -> memref<16x128xf32, #tpu.memory_space<vmem_shared>>
      tpu.wait_dma2 semaphore(%run_scoped3A_344 : memref<!tpu.dma_semaphore, #tpu.memory_space<semaphore_mem>>) src(%arg8 : memref<16x128xf32, #tpu.memory_space<vmem>>) dst(%dma_wait3A_350 : memref<16x128xf32, #tpu.memory_space<vmem_shared>>)
      tpu.yield
    }) : () -> ()
    %mul3A_61 = arith.constant 640 : i32
    %mul3A_62 = arith.muli %arg1, %mul3A_61 : i32
    %add3A_63 = arith.constant 224 : i32
    %add3A_64 = arith.addi %mul3A_62, %add3A_63 : i32
    "tpu.region"() ({
      %run_scoped3A_344 = tpu.sem_alloc : memref<!tpu.dma_semaphore, #tpu.memory_space<semaphore_mem>>
      %dma_start3A = arith.constant 0 : i32
      %dma_start3A_345 = tpu.memref_slice %arg9[%add3A_64, %dma_start3A] : memref<10240x128xf32, #tpu.memory_space<vmem_shared>> -> memref<16x128xf32, #tpu.memory_space<vmem_shared>>
      %dma_start3A_346 = arith.constant 0 : i32
      %dma_start3A_347 = tpu.memref_slice %arg9[%add3A_64, %dma_start3A_346] : memref<10240x128xf32, #tpu.memory_space<vmem_shared>> -> memref<16x128xf32, #tpu.memory_space<vmem_shared>>
      tpu.enqueue_dma source(%arg8 : memref<16x128xf32, #tpu.memory_space<vmem>>) target(%dma_start3A_347 : memref<16x128xf32, #tpu.memory_space<vmem_shared>>) target_semaphore(%run_scoped3A_344 : memref<!tpu.dma_semaphore, #tpu.memory_space<semaphore_mem>>)
      %dma_wait3A = arith.constant 0 : i32
      %dma_wait3A_348 = tpu.memref_slice %arg9[%add3A_64, %dma_wait3A] : memref<10240x128xf32, #tpu.memory_space<vmem_shared>> -> memref<16x128xf32, #tpu.memory_space<vmem_shared>>
      %dma_wait3A_349 = arith.constant 0 : i32
      %dma_wait3A_350 = tpu.memref_slice %arg9[%add3A_64, %dma_wait3A_349] : memref<10240x128xf32, #tpu.memory_space<vmem_shared>> -> memref<16x128xf32, #tpu.memory_space<vmem_shared>>
      tpu.wait_dma2 semaphore(%run_scoped3A_344 : memref<!tpu.dma_semaphore, #tpu.memory_space<semaphore_mem>>) src(%arg8 : memref<16x128xf32, #tpu.memory_space<vmem>>) dst(%dma_wait3A_350 : memref<16x128xf32, #tpu.memory_space<vmem_shared>>)
      tpu.yield
    }) : () -> ()
    %mul3A_65 = arith.constant 640 : i32
    %mul3A_66 = arith.muli %arg1, %mul3A_65 : i32
    %add3A_67 = arith.constant 240 : i32
    %add3A_68 = arith.addi %mul3A_66, %add3A_67 : i32
    "tpu.region"() ({
      %run_scoped3A_344 = tpu.sem_alloc : memref<!tpu.dma_semaphore, #tpu.memory_space<semaphore_mem>>
      %dma_start3A = arith.constant 0 : i32
      %dma_start3A_345 = tpu.memref_slice %arg9[%add3A_68, %dma_start3A] : memref<10240x128xf32, #tpu.memory_space<vmem_shared>> -> memref<16x128xf32, #tpu.memory_space<vmem_shared>>
      %dma_start3A_346 = arith.constant 0 : i32
      %dma_start3A_347 = tpu.memref_slice %arg9[%add3A_68, %dma_start3A_346] : memref<10240x128xf32, #tpu.memory_space<vmem_shared>> -> memref<16x128xf32, #tpu.memory_space<vmem_shared>>
      tpu.enqueue_dma source(%arg8 : memref<16x128xf32, #tpu.memory_space<vmem>>) target(%dma_start3A_347 : memref<16x128xf32, #tpu.memory_space<vmem_shared>>) target_semaphore(%run_scoped3A_344 : memref<!tpu.dma_semaphore, #tpu.memory_space<semaphore_mem>>)
      %dma_wait3A = arith.constant 0 : i32
      %dma_wait3A_348 = tpu.memref_slice %arg9[%add3A_68, %dma_wait3A] : memref<10240x128xf32, #tpu.memory_space<vmem_shared>> -> memref<16x128xf32, #tpu.memory_space<vmem_shared>>
      %dma_wait3A_349 = arith.constant 0 : i32
      %dma_wait3A_350 = tpu.memref_slice %arg9[%add3A_68, %dma_wait3A_349] : memref<10240x128xf32, #tpu.memory_space<vmem_shared>> -> memref<16x128xf32, #tpu.memory_space<vmem_shared>>
      tpu.wait_dma2 semaphore(%run_scoped3A_344 : memref<!tpu.dma_semaphore, #tpu.memory_space<semaphore_mem>>) src(%arg8 : memref<16x128xf32, #tpu.memory_space<vmem>>) dst(%dma_wait3A_350 : memref<16x128xf32, #tpu.memory_space<vmem_shared>>)
      tpu.yield
    }) : () -> ()
    %mul3A_69 = arith.constant 640 : i32
    %mul3A_70 = arith.muli %arg1, %mul3A_69 : i32
    %add3A_71 = arith.constant 256 : i32
    %add3A_72 = arith.addi %mul3A_70, %add3A_71 : i32
    "tpu.region"() ({
      %run_scoped3A_344 = tpu.sem_alloc : memref<!tpu.dma_semaphore, #tpu.memory_space<semaphore_mem>>
      %dma_start3A = arith.constant 0 : i32
      %dma_start3A_345 = tpu.memref_slice %arg9[%add3A_72, %dma_start3A] : memref<10240x128xf32, #tpu.memory_space<vmem_shared>> -> memref<16x128xf32, #tpu.memory_space<vmem_shared>>
      %dma_start3A_346 = arith.constant 0 : i32
      %dma_start3A_347 = tpu.memref_slice %arg9[%add3A_72, %dma_start3A_346] : memref<10240x128xf32, #tpu.memory_space<vmem_shared>> -> memref<16x128xf32, #tpu.memory_space<vmem_shared>>
      tpu.enqueue_dma source(%arg8 : memref<16x128xf32, #tpu.memory_space<vmem>>) target(%dma_start3A_347 : memref<16x128xf32, #tpu.memory_space<vmem_shared>>) target_semaphore(%run_scoped3A_344 : memref<!tpu.dma_semaphore, #tpu.memory_space<semaphore_mem>>)
      %dma_wait3A = arith.constant 0 : i32
      %dma_wait3A_348 = tpu.memref_slice %arg9[%add3A_72, %dma_wait3A] : memref<10240x128xf32, #tpu.memory_space<vmem_shared>> -> memref<16x128xf32, #tpu.memory_space<vmem_shared>>
      %dma_wait3A_349 = arith.constant 0 : i32
      %dma_wait3A_350 = tpu.memref_slice %arg9[%add3A_72, %dma_wait3A_349] : memref<10240x128xf32, #tpu.memory_space<vmem_shared>> -> memref<16x128xf32, #tpu.memory_space<vmem_shared>>
      tpu.wait_dma2 semaphore(%run_scoped3A_344 : memref<!tpu.dma_semaphore, #tpu.memory_space<semaphore_mem>>) src(%arg8 : memref<16x128xf32, #tpu.memory_space<vmem>>) dst(%dma_wait3A_350 : memref<16x128xf32, #tpu.memory_space<vmem_shared>>)
      tpu.yield
    }) : () -> ()
    %mul3A_73 = arith.constant 640 : i32
    %mul3A_74 = arith.muli %arg1, %mul3A_73 : i32
    %add3A_75 = arith.constant 272 : i32
    %add3A_76 = arith.addi %mul3A_74, %add3A_75 : i32
    "tpu.region"() ({
      %run_scoped3A_344 = tpu.sem_alloc : memref<!tpu.dma_semaphore, #tpu.memory_space<semaphore_mem>>
      %dma_start3A = arith.constant 0 : i32
      %dma_start3A_345 = tpu.memref_slice %arg9[%add3A_76, %dma_start3A] : memref<10240x128xf32, #tpu.memory_space<vmem_shared>> -> memref<16x128xf32, #tpu.memory_space<vmem_shared>>
      %dma_start3A_346 = arith.constant 0 : i32
      %dma_start3A_347 = tpu.memref_slice %arg9[%add3A_76, %dma_start3A_346] : memref<10240x128xf32, #tpu.memory_space<vmem_shared>> -> memref<16x128xf32, #tpu.memory_space<vmem_shared>>
      tpu.enqueue_dma source(%arg8 : memref<16x128xf32, #tpu.memory_space<vmem>>) target(%dma_start3A_347 : memref<16x128xf32, #tpu.memory_space<vmem_shared>>) target_semaphore(%run_scoped3A_344 : memref<!tpu.dma_semaphore, #tpu.memory_space<semaphore_mem>>)
      %dma_wait3A = arith.constant 0 : i32
      %dma_wait3A_348 = tpu.memref_slice %arg9[%add3A_76, %dma_wait3A] : memref<10240x128xf32, #tpu.memory_space<vmem_shared>> -> memref<16x128xf32, #tpu.memory_space<vmem_shared>>
      %dma_wait3A_349 = arith.constant 0 : i32
      %dma_wait3A_350 = tpu.memref_slice %arg9[%add3A_76, %dma_wait3A_349] : memref<10240x128xf32, #tpu.memory_space<vmem_shared>> -> memref<16x128xf32, #tpu.memory_space<vmem_shared>>
      tpu.wait_dma2 semaphore(%run_scoped3A_344 : memref<!tpu.dma_semaphore, #tpu.memory_space<semaphore_mem>>) src(%arg8 : memref<16x128xf32, #tpu.memory_space<vmem>>) dst(%dma_wait3A_350 : memref<16x128xf32, #tpu.memory_space<vmem_shared>>)
      tpu.yield
    }) : () -> ()
    %mul3A_77 = arith.constant 640 : i32
    %mul3A_78 = arith.muli %arg1, %mul3A_77 : i32
    %add3A_79 = arith.constant 288 : i32
    %add3A_80 = arith.addi %mul3A_78, %add3A_79 : i32
    "tpu.region"() ({
      %run_scoped3A_344 = tpu.sem_alloc : memref<!tpu.dma_semaphore, #tpu.memory_space<semaphore_mem>>
      %dma_start3A = arith.constant 0 : i32
      %dma_start3A_345 = tpu.memref_slice %arg9[%add3A_80, %dma_start3A] : memref<10240x128xf32, #tpu.memory_space<vmem_shared>> -> memref<16x128xf32, #tpu.memory_space<vmem_shared>>
      %dma_start3A_346 = arith.constant 0 : i32
      %dma_start3A_347 = tpu.memref_slice %arg9[%add3A_80, %dma_start3A_346] : memref<10240x128xf32, #tpu.memory_space<vmem_shared>> -> memref<16x128xf32, #tpu.memory_space<vmem_shared>>
      tpu.enqueue_dma source(%arg8 : memref<16x128xf32, #tpu.memory_space<vmem>>) target(%dma_start3A_347 : memref<16x128xf32, #tpu.memory_space<vmem_shared>>) target_semaphore(%run_scoped3A_344 : memref<!tpu.dma_semaphore, #tpu.memory_space<semaphore_mem>>)
      %dma_wait3A = arith.constant 0 : i32
      %dma_wait3A_348 = tpu.memref_slice %arg9[%add3A_80, %dma_wait3A] : memref<10240x128xf32, #tpu.memory_space<vmem_shared>> -> memref<16x128xf32, #tpu.memory_space<vmem_shared>>
      %dma_wait3A_349 = arith.constant 0 : i32
      %dma_wait3A_350 = tpu.memref_slice %arg9[%add3A_80, %dma_wait3A_349] : memref<10240x128xf32, #tpu.memory_space<vmem_shared>> -> memref<16x128xf32, #tpu.memory_space<vmem_shared>>
      tpu.wait_dma2 semaphore(%run_scoped3A_344 : memref<!tpu.dma_semaphore, #tpu.memory_space<semaphore_mem>>) src(%arg8 : memref<16x128xf32, #tpu.memory_space<vmem>>) dst(%dma_wait3A_350 : memref<16x128xf32, #tpu.memory_space<vmem_shared>>)
      tpu.yield
    }) : () -> ()
    %mul3A_81 = arith.constant 640 : i32
    %mul3A_82 = arith.muli %arg1, %mul3A_81 : i32
    %add3A_83 = arith.constant 304 : i32
    %add3A_84 = arith.addi %mul3A_82, %add3A_83 : i32
    "tpu.region"() ({
      %run_scoped3A_344 = tpu.sem_alloc : memref<!tpu.dma_semaphore, #tpu.memory_space<semaphore_mem>>
      %dma_start3A = arith.constant 0 : i32
      %dma_start3A_345 = tpu.memref_slice %arg9[%add3A_84, %dma_start3A] : memref<10240x128xf32, #tpu.memory_space<vmem_shared>> -> memref<16x128xf32, #tpu.memory_space<vmem_shared>>
      %dma_start3A_346 = arith.constant 0 : i32
      %dma_start3A_347 = tpu.memref_slice %arg9[%add3A_84, %dma_start3A_346] : memref<10240x128xf32, #tpu.memory_space<vmem_shared>> -> memref<16x128xf32, #tpu.memory_space<vmem_shared>>
      tpu.enqueue_dma source(%arg8 : memref<16x128xf32, #tpu.memory_space<vmem>>) target(%dma_start3A_347 : memref<16x128xf32, #tpu.memory_space<vmem_shared>>) target_semaphore(%run_scoped3A_344 : memref<!tpu.dma_semaphore, #tpu.memory_space<semaphore_mem>>)
      %dma_wait3A = arith.constant 0 : i32
      %dma_wait3A_348 = tpu.memref_slice %arg9[%add3A_84, %dma_wait3A] : memref<10240x128xf32, #tpu.memory_space<vmem_shared>> -> memref<16x128xf32, #tpu.memory_space<vmem_shared>>
      %dma_wait3A_349 = arith.constant 0 : i32
      %dma_wait3A_350 = tpu.memref_slice %arg9[%add3A_84, %dma_wait3A_349] : memref<10240x128xf32, #tpu.memory_space<vmem_shared>> -> memref<16x128xf32, #tpu.memory_space<vmem_shared>>
      tpu.wait_dma2 semaphore(%run_scoped3A_344 : memref<!tpu.dma_semaphore, #tpu.memory_space<semaphore_mem>>) src(%arg8 : memref<16x128xf32, #tpu.memory_space<vmem>>) dst(%dma_wait3A_350 : memref<16x128xf32, #tpu.memory_space<vmem_shared>>)
      tpu.yield
    }) : () -> ()
    %mul3A_85 = arith.constant 640 : i32
    %mul3A_86 = arith.muli %arg1, %mul3A_85 : i32
    %add3A_87 = arith.constant 320 : i32
    %add3A_88 = arith.addi %mul3A_86, %add3A_87 : i32
    "tpu.region"() ({
      %run_scoped3A_344 = tpu.sem_alloc : memref<!tpu.dma_semaphore, #tpu.memory_space<semaphore_mem>>
      %dma_start3A = arith.constant 0 : i32
      %dma_start3A_345 = tpu.memref_slice %arg9[%add3A_88, %dma_start3A] : memref<10240x128xf32, #tpu.memory_space<vmem_shared>> -> memref<16x128xf32, #tpu.memory_space<vmem_shared>>
      %dma_start3A_346 = arith.constant 0 : i32
      %dma_start3A_347 = tpu.memref_slice %arg9[%add3A_88, %dma_start3A_346] : memref<10240x128xf32, #tpu.memory_space<vmem_shared>> -> memref<16x128xf32, #tpu.memory_space<vmem_shared>>
      tpu.enqueue_dma source(%arg8 : memref<16x128xf32, #tpu.memory_space<vmem>>) target(%dma_start3A_347 : memref<16x128xf32, #tpu.memory_space<vmem_shared>>) target_semaphore(%run_scoped3A_344 : memref<!tpu.dma_semaphore, #tpu.memory_space<semaphore_mem>>)
      %dma_wait3A = arith.constant 0 : i32
      %dma_wait3A_348 = tpu.memref_slice %arg9[%add3A_88, %dma_wait3A] : memref<10240x128xf32, #tpu.memory_space<vmem_shared>> -> memref<16x128xf32, #tpu.memory_space<vmem_shared>>
      %dma_wait3A_349 = arith.constant 0 : i32
      %dma_wait3A_350 = tpu.memref_slice %arg9[%add3A_88, %dma_wait3A_349] : memref<10240x128xf32, #tpu.memory_space<vmem_shared>> -> memref<16x128xf32, #tpu.memory_space<vmem_shared>>
      tpu.wait_dma2 semaphore(%run_scoped3A_344 : memref<!tpu.dma_semaphore, #tpu.memory_space<semaphore_mem>>) src(%arg8 : memref<16x128xf32, #tpu.memory_space<vmem>>) dst(%dma_wait3A_350 : memref<16x128xf32, #tpu.memory_space<vmem_shared>>)
      tpu.yield
    }) : () -> ()
    %mul3A_89 = arith.constant 640 : i32
    %mul3A_90 = arith.muli %arg1, %mul3A_89 : i32
    %add3A_91 = arith.constant 336 : i32
    %add3A_92 = arith.addi %mul3A_90, %add3A_91 : i32
    "tpu.region"() ({
      %run_scoped3A_344 = tpu.sem_alloc : memref<!tpu.dma_semaphore, #tpu.memory_space<semaphore_mem>>
      %dma_start3A = arith.constant 0 : i32
      %dma_start3A_345 = tpu.memref_slice %arg9[%add3A_92, %dma_start3A] : memref<10240x128xf32, #tpu.memory_space<vmem_shared>> -> memref<16x128xf32, #tpu.memory_space<vmem_shared>>
      %dma_start3A_346 = arith.constant 0 : i32
      %dma_start3A_347 = tpu.memref_slice %arg9[%add3A_92, %dma_start3A_346] : memref<10240x128xf32, #tpu.memory_space<vmem_shared>> -> memref<16x128xf32, #tpu.memory_space<vmem_shared>>
      tpu.enqueue_dma source(%arg8 : memref<16x128xf32, #tpu.memory_space<vmem>>) target(%dma_start3A_347 : memref<16x128xf32, #tpu.memory_space<vmem_shared>>) target_semaphore(%run_scoped3A_344 : memref<!tpu.dma_semaphore, #tpu.memory_space<semaphore_mem>>)
      %dma_wait3A = arith.constant 0 : i32
      %dma_wait3A_348 = tpu.memref_slice %arg9[%add3A_92, %dma_wait3A] : memref<10240x128xf32, #tpu.memory_space<vmem_shared>> -> memref<16x128xf32, #tpu.memory_space<vmem_shared>>
      %dma_wait3A_349 = arith.constant 0 : i32
      %dma_wait3A_350 = tpu.memref_slice %arg9[%add3A_92, %dma_wait3A_349] : memref<10240x128xf32, #tpu.memory_space<vmem_shared>> -> memref<16x128xf32, #tpu.memory_space<vmem_shared>>
      tpu.wait_dma2 semaphore(%run_scoped3A_344 : memref<!tpu.dma_semaphore, #tpu.memory_space<semaphore_mem>>) src(%arg8 : memref<16x128xf32, #tpu.memory_space<vmem>>) dst(%dma_wait3A_350 : memref<16x128xf32, #tpu.memory_space<vmem_shared>>)
      tpu.yield
    }) : () -> ()
    %mul3A_93 = arith.constant 640 : i32
    %mul3A_94 = arith.muli %arg1, %mul3A_93 : i32
    %add3A_95 = arith.constant 352 : i32
    %add3A_96 = arith.addi %mul3A_94, %add3A_95 : i32
    "tpu.region"() ({
      %run_scoped3A_344 = tpu.sem_alloc : memref<!tpu.dma_semaphore, #tpu.memory_space<semaphore_mem>>
      %dma_start3A = arith.constant 0 : i32
      %dma_start3A_345 = tpu.memref_slice %arg9[%add3A_96, %dma_start3A] : memref<10240x128xf32, #tpu.memory_space<vmem_shared>> -> memref<16x128xf32, #tpu.memory_space<vmem_shared>>
      %dma_start3A_346 = arith.constant 0 : i32
      %dma_start3A_347 = tpu.memref_slice %arg9[%add3A_96, %dma_start3A_346] : memref<10240x128xf32, #tpu.memory_space<vmem_shared>> -> memref<16x128xf32, #tpu.memory_space<vmem_shared>>
      tpu.enqueue_dma source(%arg8 : memref<16x128xf32, #tpu.memory_space<vmem>>) target(%dma_start3A_347 : memref<16x128xf32, #tpu.memory_space<vmem_shared>>) target_semaphore(%run_scoped3A_344 : memref<!tpu.dma_semaphore, #tpu.memory_space<semaphore_mem>>)
      %dma_wait3A = arith.constant 0 : i32
      %dma_wait3A_348 = tpu.memref_slice %arg9[%add3A_96, %dma_wait3A] : memref<10240x128xf32, #tpu.memory_space<vmem_shared>> -> memref<16x128xf32, #tpu.memory_space<vmem_shared>>
      %dma_wait3A_349 = arith.constant 0 : i32
      %dma_wait3A_350 = tpu.memref_slice %arg9[%add3A_96, %dma_wait3A_349] : memref<10240x128xf32, #tpu.memory_space<vmem_shared>> -> memref<16x128xf32, #tpu.memory_space<vmem_shared>>
      tpu.wait_dma2 semaphore(%run_scoped3A_344 : memref<!tpu.dma_semaphore, #tpu.memory_space<semaphore_mem>>) src(%arg8 : memref<16x128xf32, #tpu.memory_space<vmem>>) dst(%dma_wait3A_350 : memref<16x128xf32, #tpu.memory_space<vmem_shared>>)
      tpu.yield
    }) : () -> ()
    %mul3A_97 = arith.constant 640 : i32
    %mul3A_98 = arith.muli %arg1, %mul3A_97 : i32
    %add3A_99 = arith.constant 368 : i32
    %add3A_100 = arith.addi %mul3A_98, %add3A_99 : i32
    "tpu.region"() ({
      %run_scoped3A_344 = tpu.sem_alloc : memref<!tpu.dma_semaphore, #tpu.memory_space<semaphore_mem>>
      %dma_start3A = arith.constant 0 : i32
      %dma_start3A_345 = tpu.memref_slice %arg9[%add3A_100, %dma_start3A] : memref<10240x128xf32, #tpu.memory_space<vmem_shared>> -> memref<16x128xf32, #tpu.memory_space<vmem_shared>>
      %dma_start3A_346 = arith.constant 0 : i32
      %dma_start3A_347 = tpu.memref_slice %arg9[%add3A_100, %dma_start3A_346] : memref<10240x128xf32, #tpu.memory_space<vmem_shared>> -> memref<16x128xf32, #tpu.memory_space<vmem_shared>>
      tpu.enqueue_dma source(%arg8 : memref<16x128xf32, #tpu.memory_space<vmem>>) target(%dma_start3A_347 : memref<16x128xf32, #tpu.memory_space<vmem_shared>>) target_semaphore(%run_scoped3A_344 : memref<!tpu.dma_semaphore, #tpu.memory_space<semaphore_mem>>)
      %dma_wait3A = arith.constant 0 : i32
      %dma_wait3A_348 = tpu.memref_slice %arg9[%add3A_100, %dma_wait3A] : memref<10240x128xf32, #tpu.memory_space<vmem_shared>> -> memref<16x128xf32, #tpu.memory_space<vmem_shared>>
      %dma_wait3A_349 = arith.constant 0 : i32
      %dma_wait3A_350 = tpu.memref_slice %arg9[%add3A_100, %dma_wait3A_349] : memref<10240x128xf32, #tpu.memory_space<vmem_shared>> -> memref<16x128xf32, #tpu.memory_space<vmem_shared>>
      tpu.wait_dma2 semaphore(%run_scoped3A_344 : memref<!tpu.dma_semaphore, #tpu.memory_space<semaphore_mem>>) src(%arg8 : memref<16x128xf32, #tpu.memory_space<vmem>>) dst(%dma_wait3A_350 : memref<16x128xf32, #tpu.memory_space<vmem_shared>>)
      tpu.yield
    }) : () -> ()
    %mul3A_101 = arith.constant 640 : i32
    %mul3A_102 = arith.muli %arg1, %mul3A_101 : i32
    %add3A_103 = arith.constant 384 : i32
    %add3A_104 = arith.addi %mul3A_102, %add3A_103 : i32
    "tpu.region"() ({
      %run_scoped3A_344 = tpu.sem_alloc : memref<!tpu.dma_semaphore, #tpu.memory_space<semaphore_mem>>
      %dma_start3A = arith.constant 0 : i32
      %dma_start3A_345 = tpu.memref_slice %arg9[%add3A_104, %dma_start3A] : memref<10240x128xf32, #tpu.memory_space<vmem_shared>> -> memref<16x128xf32, #tpu.memory_space<vmem_shared>>
      %dma_start3A_346 = arith.constant 0 : i32
      %dma_start3A_347 = tpu.memref_slice %arg9[%add3A_104, %dma_start3A_346] : memref<10240x128xf32, #tpu.memory_space<vmem_shared>> -> memref<16x128xf32, #tpu.memory_space<vmem_shared>>
      tpu.enqueue_dma source(%arg8 : memref<16x128xf32, #tpu.memory_space<vmem>>) target(%dma_start3A_347 : memref<16x128xf32, #tpu.memory_space<vmem_shared>>) target_semaphore(%run_scoped3A_344 : memref<!tpu.dma_semaphore, #tpu.memory_space<semaphore_mem>>)
      %dma_wait3A = arith.constant 0 : i32
      %dma_wait3A_348 = tpu.memref_slice %arg9[%add3A_104, %dma_wait3A] : memref<10240x128xf32, #tpu.memory_space<vmem_shared>> -> memref<16x128xf32, #tpu.memory_space<vmem_shared>>
      %dma_wait3A_349 = arith.constant 0 : i32
      %dma_wait3A_350 = tpu.memref_slice %arg9[%add3A_104, %dma_wait3A_349] : memref<10240x128xf32, #tpu.memory_space<vmem_shared>> -> memref<16x128xf32, #tpu.memory_space<vmem_shared>>
      tpu.wait_dma2 semaphore(%run_scoped3A_344 : memref<!tpu.dma_semaphore, #tpu.memory_space<semaphore_mem>>) src(%arg8 : memref<16x128xf32, #tpu.memory_space<vmem>>) dst(%dma_wait3A_350 : memref<16x128xf32, #tpu.memory_space<vmem_shared>>)
      tpu.yield
    }) : () -> ()
    %mul3A_105 = arith.constant 640 : i32
    %mul3A_106 = arith.muli %arg1, %mul3A_105 : i32
    %add3A_107 = arith.constant 400 : i32
    %add3A_108 = arith.addi %mul3A_106, %add3A_107 : i32
    "tpu.region"() ({
      %run_scoped3A_344 = tpu.sem_alloc : memref<!tpu.dma_semaphore, #tpu.memory_space<semaphore_mem>>
      %dma_start3A = arith.constant 0 : i32
      %dma_start3A_345 = tpu.memref_slice %arg9[%add3A_108, %dma_start3A] : memref<10240x128xf32, #tpu.memory_space<vmem_shared>> -> memref<16x128xf32, #tpu.memory_space<vmem_shared>>
      %dma_start3A_346 = arith.constant 0 : i32
      %dma_start3A_347 = tpu.memref_slice %arg9[%add3A_108, %dma_start3A_346] : memref<10240x128xf32, #tpu.memory_space<vmem_shared>> -> memref<16x128xf32, #tpu.memory_space<vmem_shared>>
      tpu.enqueue_dma source(%arg8 : memref<16x128xf32, #tpu.memory_space<vmem>>) target(%dma_start3A_347 : memref<16x128xf32, #tpu.memory_space<vmem_shared>>) target_semaphore(%run_scoped3A_344 : memref<!tpu.dma_semaphore, #tpu.memory_space<semaphore_mem>>)
      %dma_wait3A = arith.constant 0 : i32
      %dma_wait3A_348 = tpu.memref_slice %arg9[%add3A_108, %dma_wait3A] : memref<10240x128xf32, #tpu.memory_space<vmem_shared>> -> memref<16x128xf32, #tpu.memory_space<vmem_shared>>
      %dma_wait3A_349 = arith.constant 0 : i32
      %dma_wait3A_350 = tpu.memref_slice %arg9[%add3A_108, %dma_wait3A_349] : memref<10240x128xf32, #tpu.memory_space<vmem_shared>> -> memref<16x128xf32, #tpu.memory_space<vmem_shared>>
      tpu.wait_dma2 semaphore(%run_scoped3A_344 : memref<!tpu.dma_semaphore, #tpu.memory_space<semaphore_mem>>) src(%arg8 : memref<16x128xf32, #tpu.memory_space<vmem>>) dst(%dma_wait3A_350 : memref<16x128xf32, #tpu.memory_space<vmem_shared>>)
      tpu.yield
    }) : () -> ()
    %mul3A_109 = arith.constant 640 : i32
    %mul3A_110 = arith.muli %arg1, %mul3A_109 : i32
    %add3A_111 = arith.constant 416 : i32
    %add3A_112 = arith.addi %mul3A_110, %add3A_111 : i32
    "tpu.region"() ({
      %run_scoped3A_344 = tpu.sem_alloc : memref<!tpu.dma_semaphore, #tpu.memory_space<semaphore_mem>>
      %dma_start3A = arith.constant 0 : i32
      %dma_start3A_345 = tpu.memref_slice %arg9[%add3A_112, %dma_start3A] : memref<10240x128xf32, #tpu.memory_space<vmem_shared>> -> memref<16x128xf32, #tpu.memory_space<vmem_shared>>
      %dma_start3A_346 = arith.constant 0 : i32
      %dma_start3A_347 = tpu.memref_slice %arg9[%add3A_112, %dma_start3A_346] : memref<10240x128xf32, #tpu.memory_space<vmem_shared>> -> memref<16x128xf32, #tpu.memory_space<vmem_shared>>
      tpu.enqueue_dma source(%arg8 : memref<16x128xf32, #tpu.memory_space<vmem>>) target(%dma_start3A_347 : memref<16x128xf32, #tpu.memory_space<vmem_shared>>) target_semaphore(%run_scoped3A_344 : memref<!tpu.dma_semaphore, #tpu.memory_space<semaphore_mem>>)
      %dma_wait3A = arith.constant 0 : i32
      %dma_wait3A_348 = tpu.memref_slice %arg9[%add3A_112, %dma_wait3A] : memref<10240x128xf32, #tpu.memory_space<vmem_shared>> -> memref<16x128xf32, #tpu.memory_space<vmem_shared>>
      %dma_wait3A_349 = arith.constant 0 : i32
      %dma_wait3A_350 = tpu.memref_slice %arg9[%add3A_112, %dma_wait3A_349] : memref<10240x128xf32, #tpu.memory_space<vmem_shared>> -> memref<16x128xf32, #tpu.memory_space<vmem_shared>>
      tpu.wait_dma2 semaphore(%run_scoped3A_344 : memref<!tpu.dma_semaphore, #tpu.memory_space<semaphore_mem>>) src(%arg8 : memref<16x128xf32, #tpu.memory_space<vmem>>) dst(%dma_wait3A_350 : memref<16x128xf32, #tpu.memory_space<vmem_shared>>)
      tpu.yield
    }) : () -> ()
    %mul3A_113 = arith.constant 640 : i32
    %mul3A_114 = arith.muli %arg1, %mul3A_113 : i32
    %add3A_115 = arith.constant 432 : i32
    %add3A_116 = arith.addi %mul3A_114, %add3A_115 : i32
    "tpu.region"() ({
      %run_scoped3A_344 = tpu.sem_alloc : memref<!tpu.dma_semaphore, #tpu.memory_space<semaphore_mem>>
      %dma_start3A = arith.constant 0 : i32
      %dma_start3A_345 = tpu.memref_slice %arg9[%add3A_116, %dma_start3A] : memref<10240x128xf32, #tpu.memory_space<vmem_shared>> -> memref<16x128xf32, #tpu.memory_space<vmem_shared>>
      %dma_start3A_346 = arith.constant 0 : i32
      %dma_start3A_347 = tpu.memref_slice %arg9[%add3A_116, %dma_start3A_346] : memref<10240x128xf32, #tpu.memory_space<vmem_shared>> -> memref<16x128xf32, #tpu.memory_space<vmem_shared>>
      tpu.enqueue_dma source(%arg8 : memref<16x128xf32, #tpu.memory_space<vmem>>) target(%dma_start3A_347 : memref<16x128xf32, #tpu.memory_space<vmem_shared>>) target_semaphore(%run_scoped3A_344 : memref<!tpu.dma_semaphore, #tpu.memory_space<semaphore_mem>>)
      %dma_wait3A = arith.constant 0 : i32
      %dma_wait3A_348 = tpu.memref_slice %arg9[%add3A_116, %dma_wait3A] : memref<10240x128xf32, #tpu.memory_space<vmem_shared>> -> memref<16x128xf32, #tpu.memory_space<vmem_shared>>
      %dma_wait3A_349 = arith.constant 0 : i32
      %dma_wait3A_350 = tpu.memref_slice %arg9[%add3A_116, %dma_wait3A_349] : memref<10240x128xf32, #tpu.memory_space<vmem_shared>> -> memref<16x128xf32, #tpu.memory_space<vmem_shared>>
      tpu.wait_dma2 semaphore(%run_scoped3A_344 : memref<!tpu.dma_semaphore, #tpu.memory_space<semaphore_mem>>) src(%arg8 : memref<16x128xf32, #tpu.memory_space<vmem>>) dst(%dma_wait3A_350 : memref<16x128xf32, #tpu.memory_space<vmem_shared>>)
      tpu.yield
    }) : () -> ()
    %mul3A_117 = arith.constant 640 : i32
    %mul3A_118 = arith.muli %arg1, %mul3A_117 : i32
    %add3A_119 = arith.constant 448 : i32
    %add3A_120 = arith.addi %mul3A_118, %add3A_119 : i32
    "tpu.region"() ({
      %run_scoped3A_344 = tpu.sem_alloc : memref<!tpu.dma_semaphore, #tpu.memory_space<semaphore_mem>>
      %dma_start3A = arith.constant 0 : i32
      %dma_start3A_345 = tpu.memref_slice %arg9[%add3A_120, %dma_start3A] : memref<10240x128xf32, #tpu.memory_space<vmem_shared>> -> memref<16x128xf32, #tpu.memory_space<vmem_shared>>
      %dma_start3A_346 = arith.constant 0 : i32
      %dma_start3A_347 = tpu.memref_slice %arg9[%add3A_120, %dma_start3A_346] : memref<10240x128xf32, #tpu.memory_space<vmem_shared>> -> memref<16x128xf32, #tpu.memory_space<vmem_shared>>
      tpu.enqueue_dma source(%arg8 : memref<16x128xf32, #tpu.memory_space<vmem>>) target(%dma_start3A_347 : memref<16x128xf32, #tpu.memory_space<vmem_shared>>) target_semaphore(%run_scoped3A_344 : memref<!tpu.dma_semaphore, #tpu.memory_space<semaphore_mem>>)
      %dma_wait3A = arith.constant 0 : i32
      %dma_wait3A_348 = tpu.memref_slice %arg9[%add3A_120, %dma_wait3A] : memref<10240x128xf32, #tpu.memory_space<vmem_shared>> -> memref<16x128xf32, #tpu.memory_space<vmem_shared>>
      %dma_wait3A_349 = arith.constant 0 : i32
      %dma_wait3A_350 = tpu.memref_slice %arg9[%add3A_120, %dma_wait3A_349] : memref<10240x128xf32, #tpu.memory_space<vmem_shared>> -> memref<16x128xf32, #tpu.memory_space<vmem_shared>>
      tpu.wait_dma2 semaphore(%run_scoped3A_344 : memref<!tpu.dma_semaphore, #tpu.memory_space<semaphore_mem>>) src(%arg8 : memref<16x128xf32, #tpu.memory_space<vmem>>) dst(%dma_wait3A_350 : memref<16x128xf32, #tpu.memory_space<vmem_shared>>)
      tpu.yield
    }) : () -> ()
    %mul3A_121 = arith.constant 640 : i32
    %mul3A_122 = arith.muli %arg1, %mul3A_121 : i32
    %add3A_123 = arith.constant 464 : i32
    %add3A_124 = arith.addi %mul3A_122, %add3A_123 : i32
    "tpu.region"() ({
      %run_scoped3A_344 = tpu.sem_alloc : memref<!tpu.dma_semaphore, #tpu.memory_space<semaphore_mem>>
      %dma_start3A = arith.constant 0 : i32
      %dma_start3A_345 = tpu.memref_slice %arg9[%add3A_124, %dma_start3A] : memref<10240x128xf32, #tpu.memory_space<vmem_shared>> -> memref<16x128xf32, #tpu.memory_space<vmem_shared>>
      %dma_start3A_346 = arith.constant 0 : i32
      %dma_start3A_347 = tpu.memref_slice %arg9[%add3A_124, %dma_start3A_346] : memref<10240x128xf32, #tpu.memory_space<vmem_shared>> -> memref<16x128xf32, #tpu.memory_space<vmem_shared>>
      tpu.enqueue_dma source(%arg8 : memref<16x128xf32, #tpu.memory_space<vmem>>) target(%dma_start3A_347 : memref<16x128xf32, #tpu.memory_space<vmem_shared>>) target_semaphore(%run_scoped3A_344 : memref<!tpu.dma_semaphore, #tpu.memory_space<semaphore_mem>>)
      %dma_wait3A = arith.constant 0 : i32
      %dma_wait3A_348 = tpu.memref_slice %arg9[%add3A_124, %dma_wait3A] : memref<10240x128xf32, #tpu.memory_space<vmem_shared>> -> memref<16x128xf32, #tpu.memory_space<vmem_shared>>
      %dma_wait3A_349 = arith.constant 0 : i32
      %dma_wait3A_350 = tpu.memref_slice %arg9[%add3A_124, %dma_wait3A_349] : memref<10240x128xf32, #tpu.memory_space<vmem_shared>> -> memref<16x128xf32, #tpu.memory_space<vmem_shared>>
      tpu.wait_dma2 semaphore(%run_scoped3A_344 : memref<!tpu.dma_semaphore, #tpu.memory_space<semaphore_mem>>) src(%arg8 : memref<16x128xf32, #tpu.memory_space<vmem>>) dst(%dma_wait3A_350 : memref<16x128xf32, #tpu.memory_space<vmem_shared>>)
      tpu.yield
    }) : () -> ()
    %mul3A_125 = arith.constant 640 : i32
    %mul3A_126 = arith.muli %arg1, %mul3A_125 : i32
    %add3A_127 = arith.constant 480 : i32
    %add3A_128 = arith.addi %mul3A_126, %add3A_127 : i32
    "tpu.region"() ({
      %run_scoped3A_344 = tpu.sem_alloc : memref<!tpu.dma_semaphore, #tpu.memory_space<semaphore_mem>>
      %dma_start3A = arith.constant 0 : i32
      %dma_start3A_345 = tpu.memref_slice %arg9[%add3A_128, %dma_start3A] : memref<10240x128xf32, #tpu.memory_space<vmem_shared>> -> memref<16x128xf32, #tpu.memory_space<vmem_shared>>
      %dma_start3A_346 = arith.constant 0 : i32
      %dma_start3A_347 = tpu.memref_slice %arg9[%add3A_128, %dma_start3A_346] : memref<10240x128xf32, #tpu.memory_space<vmem_shared>> -> memref<16x128xf32, #tpu.memory_space<vmem_shared>>
      tpu.enqueue_dma source(%arg8 : memref<16x128xf32, #tpu.memory_space<vmem>>) target(%dma_start3A_347 : memref<16x128xf32, #tpu.memory_space<vmem_shared>>) target_semaphore(%run_scoped3A_344 : memref<!tpu.dma_semaphore, #tpu.memory_space<semaphore_mem>>)
      %dma_wait3A = arith.constant 0 : i32
      %dma_wait3A_348 = tpu.memref_slice %arg9[%add3A_128, %dma_wait3A] : memref<10240x128xf32, #tpu.memory_space<vmem_shared>> -> memref<16x128xf32, #tpu.memory_space<vmem_shared>>
      %dma_wait3A_349 = arith.constant 0 : i32
      %dma_wait3A_350 = tpu.memref_slice %arg9[%add3A_128, %dma_wait3A_349] : memref<10240x128xf32, #tpu.memory_space<vmem_shared>> -> memref<16x128xf32, #tpu.memory_space<vmem_shared>>
      tpu.wait_dma2 semaphore(%run_scoped3A_344 : memref<!tpu.dma_semaphore, #tpu.memory_space<semaphore_mem>>) src(%arg8 : memref<16x128xf32, #tpu.memory_space<vmem>>) dst(%dma_wait3A_350 : memref<16x128xf32, #tpu.memory_space<vmem_shared>>)
      tpu.yield
    }) : () -> ()
    %mul3A_129 = arith.constant 640 : i32
    %mul3A_130 = arith.muli %arg1, %mul3A_129 : i32
    %add3A_131 = arith.constant 496 : i32
    %add3A_132 = arith.addi %mul3A_130, %add3A_131 : i32
    "tpu.region"() ({
      %run_scoped3A_344 = tpu.sem_alloc : memref<!tpu.dma_semaphore, #tpu.memory_space<semaphore_mem>>
      %dma_start3A = arith.constant 0 : i32
      %dma_start3A_345 = tpu.memref_slice %arg9[%add3A_132, %dma_start3A] : memref<10240x128xf32, #tpu.memory_space<vmem_shared>> -> memref<16x128xf32, #tpu.memory_space<vmem_shared>>
      %dma_start3A_346 = arith.constant 0 : i32
      %dma_start3A_347 = tpu.memref_slice %arg9[%add3A_132, %dma_start3A_346] : memref<10240x128xf32, #tpu.memory_space<vmem_shared>> -> memref<16x128xf32, #tpu.memory_space<vmem_shared>>
      tpu.enqueue_dma source(%arg8 : memref<16x128xf32, #tpu.memory_space<vmem>>) target(%dma_start3A_347 : memref<16x128xf32, #tpu.memory_space<vmem_shared>>) target_semaphore(%run_scoped3A_344 : memref<!tpu.dma_semaphore, #tpu.memory_space<semaphore_mem>>)
      %dma_wait3A = arith.constant 0 : i32
      %dma_wait3A_348 = tpu.memref_slice %arg9[%add3A_132, %dma_wait3A] : memref<10240x128xf32, #tpu.memory_space<vmem_shared>> -> memref<16x128xf32, #tpu.memory_space<vmem_shared>>
      %dma_wait3A_349 = arith.constant 0 : i32
      %dma_wait3A_350 = tpu.memref_slice %arg9[%add3A_132, %dma_wait3A_349] : memref<10240x128xf32, #tpu.memory_space<vmem_shared>> -> memref<16x128xf32, #tpu.memory_space<vmem_shared>>
      tpu.wait_dma2 semaphore(%run_scoped3A_344 : memref<!tpu.dma_semaphore, #tpu.memory_space<semaphore_mem>>) src(%arg8 : memref<16x128xf32, #tpu.memory_space<vmem>>) dst(%dma_wait3A_350 : memref<16x128xf32, #tpu.memory_space<vmem_shared>>)
      tpu.yield
    }) : () -> ()
    %mul3A_133 = arith.constant 640 : i32
    %mul3A_134 = arith.muli %arg1, %mul3A_133 : i32
    %add3A_135 = arith.constant 512 : i32
    %add3A_136 = arith.addi %mul3A_134, %add3A_135 : i32
    "tpu.region"() ({
      %run_scoped3A_344 = tpu.sem_alloc : memref<!tpu.dma_semaphore, #tpu.memory_space<semaphore_mem>>
      %dma_start3A = arith.constant 0 : i32
      %dma_start3A_345 = tpu.memref_slice %arg9[%add3A_136, %dma_start3A] : memref<10240x128xf32, #tpu.memory_space<vmem_shared>> -> memref<16x128xf32, #tpu.memory_space<vmem_shared>>
      %dma_start3A_346 = arith.constant 0 : i32
      %dma_start3A_347 = tpu.memref_slice %arg9[%add3A_136, %dma_start3A_346] : memref<10240x128xf32, #tpu.memory_space<vmem_shared>> -> memref<16x128xf32, #tpu.memory_space<vmem_shared>>
      tpu.enqueue_dma source(%arg8 : memref<16x128xf32, #tpu.memory_space<vmem>>) target(%dma_start3A_347 : memref<16x128xf32, #tpu.memory_space<vmem_shared>>) target_semaphore(%run_scoped3A_344 : memref<!tpu.dma_semaphore, #tpu.memory_space<semaphore_mem>>)
      %dma_wait3A = arith.constant 0 : i32
      %dma_wait3A_348 = tpu.memref_slice %arg9[%add3A_136, %dma_wait3A] : memref<10240x128xf32, #tpu.memory_space<vmem_shared>> -> memref<16x128xf32, #tpu.memory_space<vmem_shared>>
      %dma_wait3A_349 = arith.constant 0 : i32
      %dma_wait3A_350 = tpu.memref_slice %arg9[%add3A_136, %dma_wait3A_349] : memref<10240x128xf32, #tpu.memory_space<vmem_shared>> -> memref<16x128xf32, #tpu.memory_space<vmem_shared>>
      tpu.wait_dma2 semaphore(%run_scoped3A_344 : memref<!tpu.dma_semaphore, #tpu.memory_space<semaphore_mem>>) src(%arg8 : memref<16x128xf32, #tpu.memory_space<vmem>>) dst(%dma_wait3A_350 : memref<16x128xf32, #tpu.memory_space<vmem_shared>>)
      tpu.yield
    }) : () -> ()
    %mul3A_137 = arith.constant 640 : i32
    %mul3A_138 = arith.muli %arg1, %mul3A_137 : i32
    %add3A_139 = arith.constant 528 : i32
    %add3A_140 = arith.addi %mul3A_138, %add3A_139 : i32
    "tpu.region"() ({
      %run_scoped3A_344 = tpu.sem_alloc : memref<!tpu.dma_semaphore, #tpu.memory_space<semaphore_mem>>
      %dma_start3A = arith.constant 0 : i32
      %dma_start3A_345 = tpu.memref_slice %arg9[%add3A_140, %dma_start3A] : memref<10240x128xf32, #tpu.memory_space<vmem_shared>> -> memref<16x128xf32, #tpu.memory_space<vmem_shared>>
      %dma_start3A_346 = arith.constant 0 : i32
      %dma_start3A_347 = tpu.memref_slice %arg9[%add3A_140, %dma_start3A_346] : memref<10240x128xf32, #tpu.memory_space<vmem_shared>> -> memref<16x128xf32, #tpu.memory_space<vmem_shared>>
      tpu.enqueue_dma source(%arg8 : memref<16x128xf32, #tpu.memory_space<vmem>>) target(%dma_start3A_347 : memref<16x128xf32, #tpu.memory_space<vmem_shared>>) target_semaphore(%run_scoped3A_344 : memref<!tpu.dma_semaphore, #tpu.memory_space<semaphore_mem>>)
      %dma_wait3A = arith.constant 0 : i32
      %dma_wait3A_348 = tpu.memref_slice %arg9[%add3A_140, %dma_wait3A] : memref<10240x128xf32, #tpu.memory_space<vmem_shared>> -> memref<16x128xf32, #tpu.memory_space<vmem_shared>>
      %dma_wait3A_349 = arith.constant 0 : i32
      %dma_wait3A_350 = tpu.memref_slice %arg9[%add3A_140, %dma_wait3A_349] : memref<10240x128xf32, #tpu.memory_space<vmem_shared>> -> memref<16x128xf32, #tpu.memory_space<vmem_shared>>
      tpu.wait_dma2 semaphore(%run_scoped3A_344 : memref<!tpu.dma_semaphore, #tpu.memory_space<semaphore_mem>>) src(%arg8 : memref<16x128xf32, #tpu.memory_space<vmem>>) dst(%dma_wait3A_350 : memref<16x128xf32, #tpu.memory_space<vmem_shared>>)
      tpu.yield
    }) : () -> ()
    %mul3A_141 = arith.constant 640 : i32
    %mul3A_142 = arith.muli %arg1, %mul3A_141 : i32
    %add3A_143 = arith.constant 544 : i32
    %add3A_144 = arith.addi %mul3A_142, %add3A_143 : i32
    "tpu.region"() ({
      %run_scoped3A_344 = tpu.sem_alloc : memref<!tpu.dma_semaphore, #tpu.memory_space<semaphore_mem>>
      %dma_start3A = arith.constant 0 : i32
      %dma_start3A_345 = tpu.memref_slice %arg9[%add3A_144, %dma_start3A] : memref<10240x128xf32, #tpu.memory_space<vmem_shared>> -> memref<16x128xf32, #tpu.memory_space<vmem_shared>>
      %dma_start3A_346 = arith.constant 0 : i32
      %dma_start3A_347 = tpu.memref_slice %arg9[%add3A_144, %dma_start3A_346] : memref<10240x128xf32, #tpu.memory_space<vmem_shared>> -> memref<16x128xf32, #tpu.memory_space<vmem_shared>>
      tpu.enqueue_dma source(%arg8 : memref<16x128xf32, #tpu.memory_space<vmem>>) target(%dma_start3A_347 : memref<16x128xf32, #tpu.memory_space<vmem_shared>>) target_semaphore(%run_scoped3A_344 : memref<!tpu.dma_semaphore, #tpu.memory_space<semaphore_mem>>)
      %dma_wait3A = arith.constant 0 : i32
      %dma_wait3A_348 = tpu.memref_slice %arg9[%add3A_144, %dma_wait3A] : memref<10240x128xf32, #tpu.memory_space<vmem_shared>> -> memref<16x128xf32, #tpu.memory_space<vmem_shared>>
      %dma_wait3A_349 = arith.constant 0 : i32
      %dma_wait3A_350 = tpu.memref_slice %arg9[%add3A_144, %dma_wait3A_349] : memref<10240x128xf32, #tpu.memory_space<vmem_shared>> -> memref<16x128xf32, #tpu.memory_space<vmem_shared>>
      tpu.wait_dma2 semaphore(%run_scoped3A_344 : memref<!tpu.dma_semaphore, #tpu.memory_space<semaphore_mem>>) src(%arg8 : memref<16x128xf32, #tpu.memory_space<vmem>>) dst(%dma_wait3A_350 : memref<16x128xf32, #tpu.memory_space<vmem_shared>>)
      tpu.yield
    }) : () -> ()
    %mul3A_145 = arith.constant 640 : i32
    %mul3A_146 = arith.muli %arg1, %mul3A_145 : i32
    %add3A_147 = arith.constant 560 : i32
    %add3A_148 = arith.addi %mul3A_146, %add3A_147 : i32
    "tpu.region"() ({
      %run_scoped3A_344 = tpu.sem_alloc : memref<!tpu.dma_semaphore, #tpu.memory_space<semaphore_mem>>
      %dma_start3A = arith.constant 0 : i32
      %dma_start3A_345 = tpu.memref_slice %arg9[%add3A_148, %dma_start3A] : memref<10240x128xf32, #tpu.memory_space<vmem_shared>> -> memref<16x128xf32, #tpu.memory_space<vmem_shared>>
      %dma_start3A_346 = arith.constant 0 : i32
      %dma_start3A_347 = tpu.memref_slice %arg9[%add3A_148, %dma_start3A_346] : memref<10240x128xf32, #tpu.memory_space<vmem_shared>> -> memref<16x128xf32, #tpu.memory_space<vmem_shared>>
      tpu.enqueue_dma source(%arg8 : memref<16x128xf32, #tpu.memory_space<vmem>>) target(%dma_start3A_347 : memref<16x128xf32, #tpu.memory_space<vmem_shared>>) target_semaphore(%run_scoped3A_344 : memref<!tpu.dma_semaphore, #tpu.memory_space<semaphore_mem>>)
      %dma_wait3A = arith.constant 0 : i32
      %dma_wait3A_348 = tpu.memref_slice %arg9[%add3A_148, %dma_wait3A] : memref<10240x128xf32, #tpu.memory_space<vmem_shared>> -> memref<16x128xf32, #tpu.memory_space<vmem_shared>>
      %dma_wait3A_349 = arith.constant 0 : i32
      %dma_wait3A_350 = tpu.memref_slice %arg9[%add3A_148, %dma_wait3A_349] : memref<10240x128xf32, #tpu.memory_space<vmem_shared>> -> memref<16x128xf32, #tpu.memory_space<vmem_shared>>
      tpu.wait_dma2 semaphore(%run_scoped3A_344 : memref<!tpu.dma_semaphore, #tpu.memory_space<semaphore_mem>>) src(%arg8 : memref<16x128xf32, #tpu.memory_space<vmem>>) dst(%dma_wait3A_350 : memref<16x128xf32, #tpu.memory_space<vmem_shared>>)
      tpu.yield
    }) : () -> ()
    %mul3A_149 = arith.constant 640 : i32
    %mul3A_150 = arith.muli %arg1, %mul3A_149 : i32
    %add3A_151 = arith.constant 576 : i32
    %add3A_152 = arith.addi %mul3A_150, %add3A_151 : i32
    "tpu.region"() ({
      %run_scoped3A_344 = tpu.sem_alloc : memref<!tpu.dma_semaphore, #tpu.memory_space<semaphore_mem>>
      %dma_start3A = arith.constant 0 : i32
      %dma_start3A_345 = tpu.memref_slice %arg9[%add3A_152, %dma_start3A] : memref<10240x128xf32, #tpu.memory_space<vmem_shared>> -> memref<16x128xf32, #tpu.memory_space<vmem_shared>>
      %dma_start3A_346 = arith.constant 0 : i32
      %dma_start3A_347 = tpu.memref_slice %arg9[%add3A_152, %dma_start3A_346] : memref<10240x128xf32, #tpu.memory_space<vmem_shared>> -> memref<16x128xf32, #tpu.memory_space<vmem_shared>>
      tpu.enqueue_dma source(%arg8 : memref<16x128xf32, #tpu.memory_space<vmem>>) target(%dma_start3A_347 : memref<16x128xf32, #tpu.memory_space<vmem_shared>>) target_semaphore(%run_scoped3A_344 : memref<!tpu.dma_semaphore, #tpu.memory_space<semaphore_mem>>)
      %dma_wait3A = arith.constant 0 : i32
      %dma_wait3A_348 = tpu.memref_slice %arg9[%add3A_152, %dma_wait3A] : memref<10240x128xf32, #tpu.memory_space<vmem_shared>> -> memref<16x128xf32, #tpu.memory_space<vmem_shared>>
      %dma_wait3A_349 = arith.constant 0 : i32
      %dma_wait3A_350 = tpu.memref_slice %arg9[%add3A_152, %dma_wait3A_349] : memref<10240x128xf32, #tpu.memory_space<vmem_shared>> -> memref<16x128xf32, #tpu.memory_space<vmem_shared>>
      tpu.wait_dma2 semaphore(%run_scoped3A_344 : memref<!tpu.dma_semaphore, #tpu.memory_space<semaphore_mem>>) src(%arg8 : memref<16x128xf32, #tpu.memory_space<vmem>>) dst(%dma_wait3A_350 : memref<16x128xf32, #tpu.memory_space<vmem_shared>>)
      tpu.yield
    }) : () -> ()
    %mul3A_153 = arith.constant 640 : i32
    %mul3A_154 = arith.muli %arg1, %mul3A_153 : i32
    %add3A_155 = arith.constant 592 : i32
    %add3A_156 = arith.addi %mul3A_154, %add3A_155 : i32
    "tpu.region"() ({
      %run_scoped3A_344 = tpu.sem_alloc : memref<!tpu.dma_semaphore, #tpu.memory_space<semaphore_mem>>
      %dma_start3A = arith.constant 0 : i32
      %dma_start3A_345 = tpu.memref_slice %arg9[%add3A_156, %dma_start3A] : memref<10240x128xf32, #tpu.memory_space<vmem_shared>> -> memref<16x128xf32, #tpu.memory_space<vmem_shared>>
      %dma_start3A_346 = arith.constant 0 : i32
      %dma_start3A_347 = tpu.memref_slice %arg9[%add3A_156, %dma_start3A_346] : memref<10240x128xf32, #tpu.memory_space<vmem_shared>> -> memref<16x128xf32, #tpu.memory_space<vmem_shared>>
      tpu.enqueue_dma source(%arg8 : memref<16x128xf32, #tpu.memory_space<vmem>>) target(%dma_start3A_347 : memref<16x128xf32, #tpu.memory_space<vmem_shared>>) target_semaphore(%run_scoped3A_344 : memref<!tpu.dma_semaphore, #tpu.memory_space<semaphore_mem>>)
      %dma_wait3A = arith.constant 0 : i32
      %dma_wait3A_348 = tpu.memref_slice %arg9[%add3A_156, %dma_wait3A] : memref<10240x128xf32, #tpu.memory_space<vmem_shared>> -> memref<16x128xf32, #tpu.memory_space<vmem_shared>>
      %dma_wait3A_349 = arith.constant 0 : i32
      %dma_wait3A_350 = tpu.memref_slice %arg9[%add3A_156, %dma_wait3A_349] : memref<10240x128xf32, #tpu.memory_space<vmem_shared>> -> memref<16x128xf32, #tpu.memory_space<vmem_shared>>
      tpu.wait_dma2 semaphore(%run_scoped3A_344 : memref<!tpu.dma_semaphore, #tpu.memory_space<semaphore_mem>>) src(%arg8 : memref<16x128xf32, #tpu.memory_space<vmem>>) dst(%dma_wait3A_350 : memref<16x128xf32, #tpu.memory_space<vmem_shared>>)
      tpu.yield
    }) : () -> ()
    %mul3A_157 = arith.constant 640 : i32
    %mul3A_158 = arith.muli %arg1, %mul3A_157 : i32
    %add3A_159 = arith.constant 608 : i32
    %add3A_160 = arith.addi %mul3A_158, %add3A_159 : i32
    "tpu.region"() ({
      %run_scoped3A_344 = tpu.sem_alloc : memref<!tpu.dma_semaphore, #tpu.memory_space<semaphore_mem>>
      %dma_start3A = arith.constant 0 : i32
      %dma_start3A_345 = tpu.memref_slice %arg9[%add3A_160, %dma_start3A] : memref<10240x128xf32, #tpu.memory_space<vmem_shared>> -> memref<16x128xf32, #tpu.memory_space<vmem_shared>>
      %dma_start3A_346 = arith.constant 0 : i32
      %dma_start3A_347 = tpu.memref_slice %arg9[%add3A_160, %dma_start3A_346] : memref<10240x128xf32, #tpu.memory_space<vmem_shared>> -> memref<16x128xf32, #tpu.memory_space<vmem_shared>>
      tpu.enqueue_dma source(%arg8 : memref<16x128xf32, #tpu.memory_space<vmem>>) target(%dma_start3A_347 : memref<16x128xf32, #tpu.memory_space<vmem_shared>>) target_semaphore(%run_scoped3A_344 : memref<!tpu.dma_semaphore, #tpu.memory_space<semaphore_mem>>)
      %dma_wait3A = arith.constant 0 : i32
      %dma_wait3A_348 = tpu.memref_slice %arg9[%add3A_160, %dma_wait3A] : memref<10240x128xf32, #tpu.memory_space<vmem_shared>> -> memref<16x128xf32, #tpu.memory_space<vmem_shared>>
      %dma_wait3A_349 = arith.constant 0 : i32
      %dma_wait3A_350 = tpu.memref_slice %arg9[%add3A_160, %dma_wait3A_349] : memref<10240x128xf32, #tpu.memory_space<vmem_shared>> -> memref<16x128xf32, #tpu.memory_space<vmem_shared>>
      tpu.wait_dma2 semaphore(%run_scoped3A_344 : memref<!tpu.dma_semaphore, #tpu.memory_space<semaphore_mem>>) src(%arg8 : memref<16x128xf32, #tpu.memory_space<vmem>>) dst(%dma_wait3A_350 : memref<16x128xf32, #tpu.memory_space<vmem_shared>>)
      tpu.yield
    }) : () -> ()
    %mul3A_161 = arith.constant 640 : i32
    %mul3A_162 = arith.muli %arg1, %mul3A_161 : i32
    %add3A_163 = arith.constant 624 : i32
    %add3A_164 = arith.addi %mul3A_162, %add3A_163 : i32
    "tpu.region"() ({
      %run_scoped3A_344 = tpu.sem_alloc : memref<!tpu.dma_semaphore, #tpu.memory_space<semaphore_mem>>
      %dma_start3A = arith.constant 0 : i32
      %dma_start3A_345 = tpu.memref_slice %arg9[%add3A_164, %dma_start3A] : memref<10240x128xf32, #tpu.memory_space<vmem_shared>> -> memref<16x128xf32, #tpu.memory_space<vmem_shared>>
      %dma_start3A_346 = arith.constant 0 : i32
      %dma_start3A_347 = tpu.memref_slice %arg9[%add3A_164, %dma_start3A_346] : memref<10240x128xf32, #tpu.memory_space<vmem_shared>> -> memref<16x128xf32, #tpu.memory_space<vmem_shared>>
      tpu.enqueue_dma source(%arg8 : memref<16x128xf32, #tpu.memory_space<vmem>>) target(%dma_start3A_347 : memref<16x128xf32, #tpu.memory_space<vmem_shared>>) target_semaphore(%run_scoped3A_344 : memref<!tpu.dma_semaphore, #tpu.memory_space<semaphore_mem>>)
      %dma_wait3A = arith.constant 0 : i32
      %dma_wait3A_348 = tpu.memref_slice %arg9[%add3A_164, %dma_wait3A] : memref<10240x128xf32, #tpu.memory_space<vmem_shared>> -> memref<16x128xf32, #tpu.memory_space<vmem_shared>>
      %dma_wait3A_349 = arith.constant 0 : i32
      %dma_wait3A_350 = tpu.memref_slice %arg9[%add3A_164, %dma_wait3A_349] : memref<10240x128xf32, #tpu.memory_space<vmem_shared>> -> memref<16x128xf32, #tpu.memory_space<vmem_shared>>
      tpu.wait_dma2 semaphore(%run_scoped3A_344 : memref<!tpu.dma_semaphore, #tpu.memory_space<semaphore_mem>>) src(%arg8 : memref<16x128xf32, #tpu.memory_space<vmem>>) dst(%dma_wait3A_350 : memref<16x128xf32, #tpu.memory_space<vmem_shared>>)
      tpu.yield
    }) : () -> ()
    %scan3A_165 = arith.constant 0 : i32
    %scan3A_166 = arith.constant 128 : i32
    %scan3A_167 = arith.addi %scan3A_165, %scan3A_166 : i32
    %scan3A_168 = arith.constant 1 : i32
    scf.for %scan3A_344 = %scan3A_165 to %scan3A_167 step %scan3A_168  : i32 {
      %mul3A_345 = arith.constant 1 : i32
      %mul3A_346 = arith.muli %scan3A_344, %mul3A_345 : i32
      %add3A_347 = arith.constant 0 : i32
      %add3A_348 = arith.addi %add3A_347, %mul3A_346 : i32
      %broadcast_in_dim3A = arith.constant 0.000000e+00 : f32
      %broadcast_in_dim3A_349 = vector.broadcast %broadcast_in_dim3A : f32 to vector<16xf32>
      %swap3A = arith.index_cast %add3A_348 : i32 to index
      %swap3A_350 = arith.constant 0 : index
      %swap3A_351 = tpu.vector_load %arg7[%swap3A, %swap3A_350] {strides = array<i32>} : memref<128x128xf32, #tpu.memory_space<vmem>>, vector<1x16xf32>,
      %swap3A_352 = vector.shape_cast %swap3A_351 : vector<1x16xf32> to vector<16xf32>
      %swap3A_353 = vector.shape_cast %broadcast_in_dim3A_349 : vector<16xf32> to vector<1x16xf32>
      tpu.vector_store %arg7[%swap3A, %swap3A_350], %swap3A_353 {strides = array<i32>} : memref<128x128xf32, #tpu.memory_space<vmem>>, vector<1x16xf32>,
      %broadcast_in_dim3A_354 = arith.constant 0.000000e+00 : f32
      %broadcast_in_dim3A_355 = vector.broadcast %broadcast_in_dim3A_354 : f32 to vector<16xf32>
      %swap3A_356 = arith.index_cast %add3A_348 : i32 to index
      %swap3A_357 = arith.constant 16 : index
      %swap3A_358 = tpu.vector_load %arg7[%swap3A_356, %swap3A_357] {strides = array<i32>} : memref<128x128xf32, #tpu.memory_space<vmem>>, vector<1x16xf32>,
      %swap3A_359 = vector.shape_cast %swap3A_358 : vector<1x16xf32> to vector<16xf32>
      %swap3A_360 = vector.shape_cast %broadcast_in_dim3A_355 : vector<16xf32> to vector<1x16xf32>
      tpu.vector_store %arg7[%swap3A_356, %swap3A_357], %swap3A_360 {strides = array<i32>} : memref<128x128xf32, #tpu.memory_space<vmem>>, vector<1x16xf32>,
      %broadcast_in_dim3A_361 = arith.constant 0.000000e+00 : f32
      %broadcast_in_dim3A_362 = vector.broadcast %broadcast_in_dim3A_361 : f32 to vector<16xf32>
      %swap3A_363 = arith.index_cast %add3A_348 : i32 to index
      %swap3A_364 = arith.constant 32 : index
      %swap3A_365 = tpu.vector_load %arg7[%swap3A_363, %swap3A_364] {strides = array<i32>} : memref<128x128xf32, #tpu.memory_space<vmem>>, vector<1x16xf32>,
      %swap3A_366 = vector.shape_cast %swap3A_365 : vector<1x16xf32> to vector<16xf32>
      %swap3A_367 = vector.shape_cast %broadcast_in_dim3A_362 : vector<16xf32> to vector<1x16xf32>
      tpu.vector_store %arg7[%swap3A_363, %swap3A_364], %swap3A_367 {strides = array<i32>} : memref<128x128xf32, #tpu.memory_space<vmem>>, vector<1x16xf32>,
      %broadcast_in_dim3A_368 = arith.constant 0.000000e+00 : f32
      %broadcast_in_dim3A_369 = vector.broadcast %broadcast_in_dim3A_368 : f32 to vector<16xf32>
      %swap3A_370 = arith.index_cast %add3A_348 : i32 to index
      %swap3A_371 = arith.constant 48 : index
      %swap3A_372 = tpu.vector_load %arg7[%swap3A_370, %swap3A_371] {strides = array<i32>} : memref<128x128xf32, #tpu.memory_space<vmem>>, vector<1x16xf32>,
      %swap3A_373 = vector.shape_cast %swap3A_372 : vector<1x16xf32> to vector<16xf32>
      %swap3A_374 = vector.shape_cast %broadcast_in_dim3A_369 : vector<16xf32> to vector<1x16xf32>
      tpu.vector_store %arg7[%swap3A_370, %swap3A_371], %swap3A_374 {strides = array<i32>} : memref<128x128xf32, #tpu.memory_space<vmem>>, vector<1x16xf32>,
      %broadcast_in_dim3A_375 = arith.constant 0.000000e+00 : f32
      %broadcast_in_dim3A_376 = vector.broadcast %broadcast_in_dim3A_375 : f32 to vector<16xf32>
      %swap3A_377 = arith.index_cast %add3A_348 : i32 to index
      %swap3A_378 = arith.constant 64 : index
      %swap3A_379 = tpu.vector_load %arg7[%swap3A_377, %swap3A_378] {strides = array<i32>} : memref<128x128xf32, #tpu.memory_space<vmem>>, vector<1x16xf32>,
      %swap3A_380 = vector.shape_cast %swap3A_379 : vector<1x16xf32> to vector<16xf32>
      %swap3A_381 = vector.shape_cast %broadcast_in_dim3A_376 : vector<16xf32> to vector<1x16xf32>
      tpu.vector_store %arg7[%swap3A_377, %swap3A_378], %swap3A_381 {strides = array<i32>} : memref<128x128xf32, #tpu.memory_space<vmem>>, vector<1x16xf32>,
      %broadcast_in_dim3A_382 = arith.constant 0.000000e+00 : f32
      %broadcast_in_dim3A_383 = vector.broadcast %broadcast_in_dim3A_382 : f32 to vector<16xf32>
      %swap3A_384 = arith.index_cast %add3A_348 : i32 to index
      %swap3A_385 = arith.constant 80 : index
      %swap3A_386 = tpu.vector_load %arg7[%swap3A_384, %swap3A_385] {strides = array<i32>} : memref<128x128xf32, #tpu.memory_space<vmem>>, vector<1x16xf32>,
      %swap3A_387 = vector.shape_cast %swap3A_386 : vector<1x16xf32> to vector<16xf32>
      %swap3A_388 = vector.shape_cast %broadcast_in_dim3A_383 : vector<16xf32> to vector<1x16xf32>
      tpu.vector_store %arg7[%swap3A_384, %swap3A_385], %swap3A_388 {strides = array<i32>} : memref<128x128xf32, #tpu.memory_space<vmem>>, vector<1x16xf32>,
      %broadcast_in_dim3A_389 = arith.constant 0.000000e+00 : f32
      %broadcast_in_dim3A_390 = vector.broadcast %broadcast_in_dim3A_389 : f32 to vector<16xf32>
      %swap3A_391 = arith.index_cast %add3A_348 : i32 to index
      %swap3A_392 = arith.constant 96 : index
      %swap3A_393 = tpu.vector_load %arg7[%swap3A_391, %swap3A_392] {strides = array<i32>} : memref<128x128xf32, #tpu.memory_space<vmem>>, vector<1x16xf32>,
      %swap3A_394 = vector.shape_cast %swap3A_393 : vector<1x16xf32> to vector<16xf32>
      %swap3A_395 = vector.shape_cast %broadcast_in_dim3A_390 : vector<16xf32> to vector<1x16xf32>
      tpu.vector_store %arg7[%swap3A_391, %swap3A_392], %swap3A_395 {strides = array<i32>} : memref<128x128xf32, #tpu.memory_space<vmem>>, vector<1x16xf32>,
      %broadcast_in_dim3A_396 = arith.constant 0.000000e+00 : f32
      %broadcast_in_dim3A_397 = vector.broadcast %broadcast_in_dim3A_396 : f32 to vector<16xf32>
      %swap3A_398 = arith.index_cast %add3A_348 : i32 to index
      %swap3A_399 = arith.constant 112 : index
      %swap3A_400 = tpu.vector_load %arg7[%swap3A_398, %swap3A_399] {strides = array<i32>} : memref<128x128xf32, #tpu.memory_space<vmem>>, vector<1x16xf32>,
      %swap3A_401 = vector.shape_cast %swap3A_400 : vector<1x16xf32> to vector<16xf32>
      %swap3A_402 = vector.shape_cast %broadcast_in_dim3A_397 : vector<16xf32> to vector<1x16xf32>
      tpu.vector_store %arg7[%swap3A_398, %swap3A_399], %swap3A_402 {strides = array<i32>} : memref<128x128xf32, #tpu.memory_space<vmem>>, vector<1x16xf32>,
    }
    %scan3A_169 = arith.constant 128 : i32
    %barrier3A = arith.constant 0 : index
    tpu.barrier barrier_id(%barrier3A)
    %run_scoped3A = arith.constant 0 : i32
    "tpu.region"() ({
      %run_scoped3A_344 = tpu.sem_alloc : memref<!tpu.dma_semaphore, #tpu.memory_space<semaphore_mem>>
      %dma_start3A = arith.constant 0 : i32
      %dma_start3A_345 = arith.constant 0 : i32
      %dma_start3A_346 = tpu.memref_slice %arg2[%add3A, %run_scoped3A, %dma_start3A, %dma_start3A_345] : memref<32x2x40x128xi32, #tpu.memory_space<hbm>> -> memref<1x1x40x128xi32, #tpu.memory_space<hbm>>
      %dma_start3A_347 = tpu.memref_squeeze %dma_start3A_346 : memref<1x1x40x128xi32, #tpu.memory_space<hbm>> -> memref<40x128xi32, #tpu.memory_space<hbm>>
      %dma_start3A_348 = arith.constant 0 : i32
      %dma_start3A_349 = arith.constant 0 : i32
      %dma_start3A_350 = tpu.memref_slice %arg2[%add3A, %run_scoped3A, %dma_start3A_348, %dma_start3A_349] : memref<32x2x40x128xi32, #tpu.memory_space<hbm>> -> memref<1x1x40x128xi32, #tpu.memory_space<hbm>>
      %dma_start3A_351 = tpu.memref_squeeze %dma_start3A_350 : memref<1x1x40x128xi32, #tpu.memory_space<hbm>> -> memref<40x128xi32, #tpu.memory_space<hbm>>
      tpu.enqueue_dma source(%dma_start3A_351 : memref<40x128xi32, #tpu.memory_space<hbm>>) target(%arg5 : memref<40x128xi32, #tpu.memory_space<vmem>>) target_semaphore(%run_scoped3A_344 : memref<!tpu.dma_semaphore, #tpu.memory_space<semaphore_mem>>)
      %dma_wait3A = arith.constant 0 : i32
      %dma_wait3A_352 = arith.constant 0 : i32
      %dma_wait3A_353 = tpu.memref_slice %arg2[%add3A, %run_scoped3A, %dma_wait3A, %dma_wait3A_352] : memref<32x2x40x128xi32, #tpu.memory_space<hbm>> -> memref<1x1x40x128xi32, #tpu.memory_space<hbm>>
      %dma_wait3A_354 = tpu.memref_squeeze %dma_wait3A_353 : memref<1x1x40x128xi32, #tpu.memory_space<hbm>> -> memref<40x128xi32, #tpu.memory_space<hbm>>
      %dma_wait3A_355 = arith.constant 0 : i32
      %dma_wait3A_356 = arith.constant 0 : i32
      %dma_wait3A_357 = tpu.memref_slice %arg2[%add3A, %run_scoped3A, %dma_wait3A_355, %dma_wait3A_356] : memref<32x2x40x128xi32, #tpu.memory_space<hbm>> -> memref<1x1x40x128xi32, #tpu.memory_space<hbm>>
      %dma_wait3A_358 = tpu.memref_squeeze %dma_wait3A_357 : memref<1x1x40x128xi32, #tpu.memory_space<hbm>> -> memref<40x128xi32, #tpu.memory_space<hbm>>
      tpu.wait_dma2 semaphore(%run_scoped3A_344 : memref<!tpu.dma_semaphore, #tpu.memory_space<semaphore_mem>>) src(%dma_wait3A_358 : memref<40x128xi32, #tpu.memory_space<hbm>>) dst(%arg5 : memref<40x128xi32, #tpu.memory_space<vmem>>)
      tpu.yield
    }) : () -> ()
    %run_scoped3A_170 = arith.constant 0 : i32
    "tpu.region"() ({
      %run_scoped3A_344 = tpu.sem_alloc : memref<!tpu.dma_semaphore, #tpu.memory_space<semaphore_mem>>
      %dma_start3A = arith.constant 0 : i32
      %dma_start3A_345 = arith.constant 0 : i32
      %dma_start3A_346 = tpu.memref_slice %arg3[%add3A, %run_scoped3A_170, %dma_start3A, %dma_start3A_345] : memref<32x2x40x128xf32, #tpu.memory_space<hbm>> -> memref<1x1x40x128xf32, #tpu.memory_space<hbm>>
      %dma_start3A_347 = tpu.memref_squeeze %dma_start3A_346 : memref<1x1x40x128xf32, #tpu.memory_space<hbm>> -> memref<40x128xf32, #tpu.memory_space<hbm>>
      %dma_start3A_348 = arith.constant 0 : i32
      %dma_start3A_349 = arith.constant 0 : i32
      %dma_start3A_350 = tpu.memref_slice %arg3[%add3A, %run_scoped3A_170, %dma_start3A_348, %dma_start3A_349] : memref<32x2x40x128xf32, #tpu.memory_space<hbm>> -> memref<1x1x40x128xf32, #tpu.memory_space<hbm>>
      %dma_start3A_351 = tpu.memref_squeeze %dma_start3A_350 : memref<1x1x40x128xf32, #tpu.memory_space<hbm>> -> memref<40x128xf32, #tpu.memory_space<hbm>>
      tpu.enqueue_dma source(%dma_start3A_351 : memref<40x128xf32, #tpu.memory_space<hbm>>) target(%arg6 : memref<40x128xf32, #tpu.memory_space<vmem>>) target_semaphore(%run_scoped3A_344 : memref<!tpu.dma_semaphore, #tpu.memory_space<semaphore_mem>>)
      %dma_wait3A = arith.constant 0 : i32
      %dma_wait3A_352 = arith.constant 0 : i32
      %dma_wait3A_353 = tpu.memref_slice %arg3[%add3A, %run_scoped3A_170, %dma_wait3A, %dma_wait3A_352] : memref<32x2x40x128xf32, #tpu.memory_space<hbm>> -> memref<1x1x40x128xf32, #tpu.memory_space<hbm>>
      %dma_wait3A_354 = tpu.memref_squeeze %dma_wait3A_353 : memref<1x1x40x128xf32, #tpu.memory_space<hbm>> -> memref<40x128xf32, #tpu.memory_space<hbm>>
      %dma_wait3A_355 = arith.constant 0 : i32
      %dma_wait3A_356 = arith.constant 0 : i32
      %dma_wait3A_357 = tpu.memref_slice %arg3[%add3A, %run_scoped3A_170, %dma_wait3A_355, %dma_wait3A_356] : memref<32x2x40x128xf32, #tpu.memory_space<hbm>> -> memref<1x1x40x128xf32, #tpu.memory_space<hbm>>
      %dma_wait3A_358 = tpu.memref_squeeze %dma_wait3A_357 : memref<1x1x40x128xf32, #tpu.memory_space<hbm>> -> memref<40x128xf32, #tpu.memory_space<hbm>>
      tpu.wait_dma2 semaphore(%run_scoped3A_344 : memref<!tpu.dma_semaphore, #tpu.memory_space<semaphore_mem>>) src(%dma_wait3A_358 : memref<40x128xf32, #tpu.memory_space<hbm>>) dst(%arg6 : memref<40x128xf32, #tpu.memory_space<vmem>>)
      tpu.yield
    }) : () -> ()
    %scan3A_171 = arith.constant 0 : i32
    %scan3A_172 = arith.constant 40 : i32
    %scan3A_173 = arith.addi %scan3A_171, %scan3A_172 : i32
    %scan3A_174 = arith.constant 1 : i32
    scf.for %scan3A_344 = %scan3A_171 to %scan3A_173 step %scan3A_174  : i32 {
      %mul3A_345 = arith.constant 1 : i32
      %mul3A_346 = arith.muli %scan3A_344, %mul3A_345 : i32
      %add3A_347 = arith.constant 0 : i32
      %add3A_348 = arith.addi %add3A_347, %mul3A_346 : i32
      %scan3A_349 = arith.constant 0 : i32
      %scan3A_350 = arith.constant 8 : i32
      %scan3A_351 = arith.addi %scan3A_349, %scan3A_350 : i32
      %scan3A_352 = arith.constant 1 : i32
      scf.for %scan3A_354 = %scan3A_349 to %scan3A_351 step %scan3A_352  : i32 {
        %mul3A_355 = arith.constant 16 : i32
        %mul3A_356 = arith.muli %scan3A_354, %mul3A_355 : i32
        %add3A_357 = arith.constant 0 : i32
        %add3A_358 = arith.addi %add3A_357, %mul3A_356 : i32
        %get3A = arith.index_cast %add3A_348 : i32 to index
        %get3A_359 = arith.index_cast %add3A_358 : i32 to index
        %get3A_360 = tpu.vector_load %arg6[%get3A, %get3A_359] {strides = array<i32>} : memref<40x128xf32, #tpu.memory_space<vmem>>, vector<1x16xf32>,
        %get3A_361 = vector.shape_cast %get3A_360 : vector<1x16xf32> to vector<16xf32>
        %slice3A = vector.extract_strided_slice %get3A_361 {offsets = [0], sizes = [1], strides = [1]} : vector<16xf32> to vector<1xf32>
        %squeeze3A = vector.extract %slice3A[0] : f32 from vector<1xf32>
        %broadcast_in_dim3A = vector.broadcast %squeeze3A : f32 to vector<16xf32>
        %add3A_362 = arith.constant 0 : i32
        %add3A_363 = arith.addi %add3A_358, %add3A_362 : i32
        %swap3A = arith.index_cast %add3A_363 : i32 to index
        %swap3A_364 = arith.constant 0 : index
        %swap3A_365 = tpu.vector_load %arg7[%swap3A, %swap3A_364] {strides = array<i32>} : memref<128x128xf32, #tpu.memory_space<vmem>>, vector<1x16xf32>,
        %swap3A_366 = vector.shape_cast %swap3A_365 : vector<1x16xf32> to vector<16xf32>
        %swap3A_367 = vector.shape_cast %broadcast_in_dim3A : vector<16xf32> to vector<1x16xf32>
        tpu.vector_store %arg7[%swap3A, %swap3A_364], %swap3A_367 {strides = array<i32>} : memref<128x128xf32, #tpu.memory_space<vmem>>, vector<1x16xf32>,
        %slice3A_368 = vector.extract_strided_slice %get3A_361 {offsets = [1], sizes = [1], strides = [1]} : vector<16xf32> to vector<1xf32>
        %squeeze3A_369 = vector.extract %slice3A_368[0] : f32 from vector<1xf32>
        %broadcast_in_dim3A_370 = vector.broadcast %squeeze3A_369 : f32 to vector<16xf32>
        %add3A_371 = arith.constant 1 : i32
        %add3A_372 = arith.addi %add3A_358, %add3A_371 : i32
        %swap3A_373 = arith.index_cast %add3A_372 : i32 to index
        %swap3A_374 = arith.constant 0 : index
        %swap3A_375 = tpu.vector_load %arg7[%swap3A_373, %swap3A_374] {strides = array<i32>} : memref<128x128xf32, #tpu.memory_space<vmem>>, vector<1x16xf32>,
        %swap3A_376 = vector.shape_cast %swap3A_375 : vector<1x16xf32> to vector<16xf32>
        %swap3A_377 = vector.shape_cast %broadcast_in_dim3A_370 : vector<16xf32> to vector<1x16xf32>
        tpu.vector_store %arg7[%swap3A_373, %swap3A_374], %swap3A_377 {strides = array<i32>} : memref<128x128xf32, #tpu.memory_space<vmem>>, vector<1x16xf32>,
        %slice3A_378 = vector.extract_strided_slice %get3A_361 {offsets = [2], sizes = [1], strides = [1]} : vector<16xf32> to vector<1xf32>
        %squeeze3A_379 = vector.extract %slice3A_378[0] : f32 from vector<1xf32>
        %broadcast_in_dim3A_380 = vector.broadcast %squeeze3A_379 : f32 to vector<16xf32>
        %add3A_381 = arith.constant 2 : i32
        %add3A_382 = arith.addi %add3A_358, %add3A_381 : i32
        %swap3A_383 = arith.index_cast %add3A_382 : i32 to index
        %swap3A_384 = arith.constant 0 : index
        %swap3A_385 = tpu.vector_load %arg7[%swap3A_383, %swap3A_384] {strides = array<i32>} : memref<128x128xf32, #tpu.memory_space<vmem>>, vector<1x16xf32>,
        %swap3A_386 = vector.shape_cast %swap3A_385 : vector<1x16xf32> to vector<16xf32>
        %swap3A_387 = vector.shape_cast %broadcast_in_dim3A_380 : vector<16xf32> to vector<1x16xf32>
        tpu.vector_store %arg7[%swap3A_383, %swap3A_384], %swap3A_387 {strides = array<i32>} : memref<128x128xf32, #tpu.memory_space<vmem>>, vector<1x16xf32>,
        %slice3A_388 = vector.extract_strided_slice %get3A_361 {offsets = [3], sizes = [1], strides = [1]} : vector<16xf32> to vector<1xf32>
        %squeeze3A_389 = vector.extract %slice3A_388[0] : f32 from vector<1xf32>
        %broadcast_in_dim3A_390 = vector.broadcast %squeeze3A_389 : f32 to vector<16xf32>
        %add3A_391 = arith.constant 3 : i32
        %add3A_392 = arith.addi %add3A_358, %add3A_391 : i32
        %swap3A_393 = arith.index_cast %add3A_392 : i32 to index
        %swap3A_394 = arith.constant 0 : index
        %swap3A_395 = tpu.vector_load %arg7[%swap3A_393, %swap3A_394] {strides = array<i32>} : memref<128x128xf32, #tpu.memory_space<vmem>>, vector<1x16xf32>,
        %swap3A_396 = vector.shape_cast %swap3A_395 : vector<1x16xf32> to vector<16xf32>
        %swap3A_397 = vector.shape_cast %broadcast_in_dim3A_390 : vector<16xf32> to vector<1x16xf32>
        tpu.vector_store %arg7[%swap3A_393, %swap3A_394], %swap3A_397 {strides = array<i32>} : memref<128x128xf32, #tpu.memory_space<vmem>>, vector<1x16xf32>,
        %slice3A_398 = vector.extract_strided_slice %get3A_361 {offsets = [4], sizes = [1], strides = [1]} : vector<16xf32> to vector<1xf32>
        %squeeze3A_399 = vector.extract %slice3A_398[0] : f32 from vector<1xf32>
        %broadcast_in_dim3A_400 = vector.broadcast %squeeze3A_399 : f32 to vector<16xf32>
        %add3A_401 = arith.constant 4 : i32
        %add3A_402 = arith.addi %add3A_358, %add3A_401 : i32
        %swap3A_403 = arith.index_cast %add3A_402 : i32 to index
        %swap3A_404 = arith.constant 0 : index
        %swap3A_405 = tpu.vector_load %arg7[%swap3A_403, %swap3A_404] {strides = array<i32>} : memref<128x128xf32, #tpu.memory_space<vmem>>, vector<1x16xf32>,
        %swap3A_406 = vector.shape_cast %swap3A_405 : vector<1x16xf32> to vector<16xf32>
        %swap3A_407 = vector.shape_cast %broadcast_in_dim3A_400 : vector<16xf32> to vector<1x16xf32>
        tpu.vector_store %arg7[%swap3A_403, %swap3A_404], %swap3A_407 {strides = array<i32>} : memref<128x128xf32, #tpu.memory_space<vmem>>, vector<1x16xf32>,
        %slice3A_408 = vector.extract_strided_slice %get3A_361 {offsets = [5], sizes = [1], strides = [1]} : vector<16xf32> to vector<1xf32>
        %squeeze3A_409 = vector.extract %slice3A_408[0] : f32 from vector<1xf32>
        %broadcast_in_dim3A_410 = vector.broadcast %squeeze3A_409 : f32 to vector<16xf32>
        %add3A_411 = arith.constant 5 : i32
        %add3A_412 = arith.addi %add3A_358, %add3A_411 : i32
        %swap3A_413 = arith.index_cast %add3A_412 : i32 to index
        %swap3A_414 = arith.constant 0 : index
        %swap3A_415 = tpu.vector_load %arg7[%swap3A_413, %swap3A_414] {strides = array<i32>} : memref<128x128xf32, #tpu.memory_space<vmem>>, vector<1x16xf32>,
        %swap3A_416 = vector.shape_cast %swap3A_415 : vector<1x16xf32> to vector<16xf32>
        %swap3A_417 = vector.shape_cast %broadcast_in_dim3A_410 : vector<16xf32> to vector<1x16xf32>
        tpu.vector_store %arg7[%swap3A_413, %swap3A_414], %swap3A_417 {strides = array<i32>} : memref<128x128xf32, #tpu.memory_space<vmem>>, vector<1x16xf32>,
        %slice3A_418 = vector.extract_strided_slice %get3A_361 {offsets = [6], sizes = [1], strides = [1]} : vector<16xf32> to vector<1xf32>
        %squeeze3A_419 = vector.extract %slice3A_418[0] : f32 from vector<1xf32>
        %broadcast_in_dim3A_420 = vector.broadcast %squeeze3A_419 : f32 to vector<16xf32>
        %add3A_421 = arith.constant 6 : i32
        %add3A_422 = arith.addi %add3A_358, %add3A_421 : i32
        %swap3A_423 = arith.index_cast %add3A_422 : i32 to index
        %swap3A_424 = arith.constant 0 : index
        %swap3A_425 = tpu.vector_load %arg7[%swap3A_423, %swap3A_424] {strides = array<i32>} : memref<128x128xf32, #tpu.memory_space<vmem>>, vector<1x16xf32>,
        %swap3A_426 = vector.shape_cast %swap3A_425 : vector<1x16xf32> to vector<16xf32>
        %swap3A_427 = vector.shape_cast %broadcast_in_dim3A_420 : vector<16xf32> to vector<1x16xf32>
        tpu.vector_store %arg7[%swap3A_423, %swap3A_424], %swap3A_427 {strides = array<i32>} : memref<128x128xf32, #tpu.memory_space<vmem>>, vector<1x16xf32>,
        %slice3A_428 = vector.extract_strided_slice %get3A_361 {offsets = [7], sizes = [1], strides = [1]} : vector<16xf32> to vector<1xf32>
        %squeeze3A_429 = vector.extract %slice3A_428[0] : f32 from vector<1xf32>
        %broadcast_in_dim3A_430 = vector.broadcast %squeeze3A_429 : f32 to vector<16xf32>
        %add3A_431 = arith.constant 7 : i32
        %add3A_432 = arith.addi %add3A_358, %add3A_431 : i32
        %swap3A_433 = arith.index_cast %add3A_432 : i32 to index
        %swap3A_434 = arith.constant 0 : index
        %swap3A_435 = tpu.vector_load %arg7[%swap3A_433, %swap3A_434] {strides = array<i32>} : memref<128x128xf32, #tpu.memory_space<vmem>>, vector<1x16xf32>,
        %swap3A_436 = vector.shape_cast %swap3A_435 : vector<1x16xf32> to vector<16xf32>
        %swap3A_437 = vector.shape_cast %broadcast_in_dim3A_430 : vector<16xf32> to vector<1x16xf32>
        tpu.vector_store %arg7[%swap3A_433, %swap3A_434], %swap3A_437 {strides = array<i32>} : memref<128x128xf32, #tpu.memory_space<vmem>>, vector<1x16xf32>,
        %slice3A_438 = vector.extract_strided_slice %get3A_361 {offsets = [8], sizes = [1], strides = [1]} : vector<16xf32> to vector<1xf32>
        %squeeze3A_439 = vector.extract %slice3A_438[0] : f32 from vector<1xf32>
        %broadcast_in_dim3A_440 = vector.broadcast %squeeze3A_439 : f32 to vector<16xf32>
        %add3A_441 = arith.constant 8 : i32
        %add3A_442 = arith.addi %add3A_358, %add3A_441 : i32
        %swap3A_443 = arith.index_cast %add3A_442 : i32 to index
        %swap3A_444 = arith.constant 0 : index
        %swap3A_445 = tpu.vector_load %arg7[%swap3A_443, %swap3A_444] {strides = array<i32>} : memref<128x128xf32, #tpu.memory_space<vmem>>, vector<1x16xf32>,
        %swap3A_446 = vector.shape_cast %swap3A_445 : vector<1x16xf32> to vector<16xf32>
        %swap3A_447 = vector.shape_cast %broadcast_in_dim3A_440 : vector<16xf32> to vector<1x16xf32>
        tpu.vector_store %arg7[%swap3A_443, %swap3A_444], %swap3A_447 {strides = array<i32>} : memref<128x128xf32, #tpu.memory_space<vmem>>, vector<1x16xf32>,
        %slice3A_448 = vector.extract_strided_slice %get3A_361 {offsets = [9], sizes = [1], strides = [1]} : vector<16xf32> to vector<1xf32>
        %squeeze3A_449 = vector.extract %slice3A_448[0] : f32 from vector<1xf32>
        %broadcast_in_dim3A_450 = vector.broadcast %squeeze3A_449 : f32 to vector<16xf32>
        %add3A_451 = arith.constant 9 : i32
        %add3A_452 = arith.addi %add3A_358, %add3A_451 : i32
        %swap3A_453 = arith.index_cast %add3A_452 : i32 to index
        %swap3A_454 = arith.constant 0 : index
        %swap3A_455 = tpu.vector_load %arg7[%swap3A_453, %swap3A_454] {strides = array<i32>} : memref<128x128xf32, #tpu.memory_space<vmem>>, vector<1x16xf32>,
        %swap3A_456 = vector.shape_cast %swap3A_455 : vector<1x16xf32> to vector<16xf32>
        %swap3A_457 = vector.shape_cast %broadcast_in_dim3A_450 : vector<16xf32> to vector<1x16xf32>
        tpu.vector_store %arg7[%swap3A_453, %swap3A_454], %swap3A_457 {strides = array<i32>} : memref<128x128xf32, #tpu.memory_space<vmem>>, vector<1x16xf32>,
        %slice3A_458 = vector.extract_strided_slice %get3A_361 {offsets = [10], sizes = [1], strides = [1]} : vector<16xf32> to vector<1xf32>
        %squeeze3A_459 = vector.extract %slice3A_458[0] : f32 from vector<1xf32>
        %broadcast_in_dim3A_460 = vector.broadcast %squeeze3A_459 : f32 to vector<16xf32>
        %add3A_461 = arith.constant 10 : i32
        %add3A_462 = arith.addi %add3A_358, %add3A_461 : i32
        %swap3A_463 = arith.index_cast %add3A_462 : i32 to index
        %swap3A_464 = arith.constant 0 : index
        %swap3A_465 = tpu.vector_load %arg7[%swap3A_463, %swap3A_464] {strides = array<i32>} : memref<128x128xf32, #tpu.memory_space<vmem>>, vector<1x16xf32>,
        %swap3A_466 = vector.shape_cast %swap3A_465 : vector<1x16xf32> to vector<16xf32>
        %swap3A_467 = vector.shape_cast %broadcast_in_dim3A_460 : vector<16xf32> to vector<1x16xf32>
        tpu.vector_store %arg7[%swap3A_463, %swap3A_464], %swap3A_467 {strides = array<i32>} : memref<128x128xf32, #tpu.memory_space<vmem>>, vector<1x16xf32>,
        %slice3A_468 = vector.extract_strided_slice %get3A_361 {offsets = [11], sizes = [1], strides = [1]} : vector<16xf32> to vector<1xf32>
        %squeeze3A_469 = vector.extract %slice3A_468[0] : f32 from vector<1xf32>
        %broadcast_in_dim3A_470 = vector.broadcast %squeeze3A_469 : f32 to vector<16xf32>
        %add3A_471 = arith.constant 11 : i32
        %add3A_472 = arith.addi %add3A_358, %add3A_471 : i32
        %swap3A_473 = arith.index_cast %add3A_472 : i32 to index
        %swap3A_474 = arith.constant 0 : index
        %swap3A_475 = tpu.vector_load %arg7[%swap3A_473, %swap3A_474] {strides = array<i32>} : memref<128x128xf32, #tpu.memory_space<vmem>>, vector<1x16xf32>,
        %swap3A_476 = vector.shape_cast %swap3A_475 : vector<1x16xf32> to vector<16xf32>
        %swap3A_477 = vector.shape_cast %broadcast_in_dim3A_470 : vector<16xf32> to vector<1x16xf32>
        tpu.vector_store %arg7[%swap3A_473, %swap3A_474], %swap3A_477 {strides = array<i32>} : memref<128x128xf32, #tpu.memory_space<vmem>>, vector<1x16xf32>,
        %slice3A_478 = vector.extract_strided_slice %get3A_361 {offsets = [12], sizes = [1], strides = [1]} : vector<16xf32> to vector<1xf32>
        %squeeze3A_479 = vector.extract %slice3A_478[0] : f32 from vector<1xf32>
        %broadcast_in_dim3A_480 = vector.broadcast %squeeze3A_479 : f32 to vector<16xf32>
        %add3A_481 = arith.constant 12 : i32
        %add3A_482 = arith.addi %add3A_358, %add3A_481 : i32
        %swap3A_483 = arith.index_cast %add3A_482 : i32 to index
        %swap3A_484 = arith.constant 0 : index
        %swap3A_485 = tpu.vector_load %arg7[%swap3A_483, %swap3A_484] {strides = array<i32>} : memref<128x128xf32, #tpu.memory_space<vmem>>, vector<1x16xf32>,
        %swap3A_486 = vector.shape_cast %swap3A_485 : vector<1x16xf32> to vector<16xf32>
        %swap3A_487 = vector.shape_cast %broadcast_in_dim3A_480 : vector<16xf32> to vector<1x16xf32>
        tpu.vector_store %arg7[%swap3A_483, %swap3A_484], %swap3A_487 {strides = array<i32>} : memref<128x128xf32, #tpu.memory_space<vmem>>, vector<1x16xf32>,
        %slice3A_488 = vector.extract_strided_slice %get3A_361 {offsets = [13], sizes = [1], strides = [1]} : vector<16xf32> to vector<1xf32>
        %squeeze3A_489 = vector.extract %slice3A_488[0] : f32 from vector<1xf32>
        %broadcast_in_dim3A_490 = vector.broadcast %squeeze3A_489 : f32 to vector<16xf32>
        %add3A_491 = arith.constant 13 : i32
        %add3A_492 = arith.addi %add3A_358, %add3A_491 : i32
        %swap3A_493 = arith.index_cast %add3A_492 : i32 to index
        %swap3A_494 = arith.constant 0 : index
        %swap3A_495 = tpu.vector_load %arg7[%swap3A_493, %swap3A_494] {strides = array<i32>} : memref<128x128xf32, #tpu.memory_space<vmem>>, vector<1x16xf32>,
        %swap3A_496 = vector.shape_cast %swap3A_495 : vector<1x16xf32> to vector<16xf32>
        %swap3A_497 = vector.shape_cast %broadcast_in_dim3A_490 : vector<16xf32> to vector<1x16xf32>
        tpu.vector_store %arg7[%swap3A_493, %swap3A_494], %swap3A_497 {strides = array<i32>} : memref<128x128xf32, #tpu.memory_space<vmem>>, vector<1x16xf32>,
        %slice3A_498 = vector.extract_strided_slice %get3A_361 {offsets = [14], sizes = [1], strides = [1]} : vector<16xf32> to vector<1xf32>
        %squeeze3A_499 = vector.extract %slice3A_498[0] : f32 from vector<1xf32>
        %broadcast_in_dim3A_500 = vector.broadcast %squeeze3A_499 : f32 to vector<16xf32>
        %add3A_501 = arith.constant 14 : i32
        %add3A_502 = arith.addi %add3A_358, %add3A_501 : i32
        %swap3A_503 = arith.index_cast %add3A_502 : i32 to index
        %swap3A_504 = arith.constant 0 : index
        %swap3A_505 = tpu.vector_load %arg7[%swap3A_503, %swap3A_504] {strides = array<i32>} : memref<128x128xf32, #tpu.memory_space<vmem>>, vector<1x16xf32>,
        %swap3A_506 = vector.shape_cast %swap3A_505 : vector<1x16xf32> to vector<16xf32>
        %swap3A_507 = vector.shape_cast %broadcast_in_dim3A_500 : vector<16xf32> to vector<1x16xf32>
        tpu.vector_store %arg7[%swap3A_503, %swap3A_504], %swap3A_507 {strides = array<i32>} : memref<128x128xf32, #tpu.memory_space<vmem>>, vector<1x16xf32>,
        %slice3A_508 = vector.extract_strided_slice %get3A_361 {offsets = [15], sizes = [1], strides = [1]} : vector<16xf32> to vector<1xf32>
        %squeeze3A_509 = vector.extract %slice3A_508[0] : f32 from vector<1xf32>
        %broadcast_in_dim3A_510 = vector.broadcast %squeeze3A_509 : f32 to vector<16xf32>
        %add3A_511 = arith.constant 15 : i32
        %add3A_512 = arith.addi %add3A_358, %add3A_511 : i32
        %swap3A_513 = arith.index_cast %add3A_512 : i32 to index
        %swap3A_514 = arith.constant 0 : index
        %swap3A_515 = tpu.vector_load %arg7[%swap3A_513, %swap3A_514] {strides = array<i32>} : memref<128x128xf32, #tpu.memory_space<vmem>>, vector<1x16xf32>,
        %swap3A_516 = vector.shape_cast %swap3A_515 : vector<1x16xf32> to vector<16xf32>
        %swap3A_517 = vector.shape_cast %broadcast_in_dim3A_510 : vector<16xf32> to vector<1x16xf32>
        tpu.vector_store %arg7[%swap3A_513, %swap3A_514], %swap3A_517 {strides = array<i32>} : memref<128x128xf32, #tpu.memory_space<vmem>>, vector<1x16xf32>,
      }
      %scan3A_353 = arith.constant 8 : i32
      "tpu.region"() ({
        %run_scoped3A_354 = tpu.sem_alloc : memref<!tpu.dma_semaphore, #tpu.memory_space<semaphore_mem>>
        %dma_start3A = arith.constant 0 : i32
        %dma_start3A_355 = tpu.memref_slice %arg5[%add3A_348, %dma_start3A] : memref<40x128xi32, #tpu.memory_space<vmem>> -> memref<1x128xi32, #tpu.memory_space<vmem>>
        %dma_start3A_356 = tpu.memref_squeeze %dma_start3A_355 : memref<1x128xi32, #tpu.memory_space<vmem>> -> memref<128xi32, #tpu.memory_space<vmem>>
        %dma_start3A_357 = arith.constant 0 : i32
        %dma_start3A_358 = arith.constant 0 : i32
        %dma_start3A_359 = tpu.memref_slice %arg9[%dma_start3A_357, %dma_start3A_358] : memref<10240x128xf32, #tpu.memory_space<vmem_shared>> -> memref<10240x128xf32, #tpu.memory_space<vmem_shared>>
        tpu.enqueue_indirect_dma source(%arg7 : memref<128x128xf32, #tpu.memory_space<vmem>>) target(%dma_start3A_359 : memref<10240x128xf32, #tpu.memory_space<vmem_shared>>) offsets(%dma_start3A_356 : memref<128xi32, #tpu.memory_space<vmem>>) semaphore(%run_scoped3A_354 : memref<!tpu.dma_semaphore, #tpu.memory_space<semaphore_mem>>) {add = true}
        %dma_wait3A = arith.constant 0 : i32
        %dma_wait3A_360 = tpu.memref_slice %arg5[%add3A_348, %dma_wait3A] : memref<40x128xi32, #tpu.memory_space<vmem>> -> memref<1x128xi32, #tpu.memory_space<vmem>>
        %dma_wait3A_361 = tpu.memref_squeeze %dma_wait3A_360 : memref<1x128xi32, #tpu.memory_space<vmem>> -> memref<128xi32, #tpu.memory_space<vmem>>
        %dma_wait3A_362 = arith.constant 0 : i32
        %dma_wait3A_363 = arith.constant 0 : i32
        %dma_wait3A_364 = tpu.memref_slice %arg9[%dma_wait3A_362, %dma_wait3A_363] : memref<10240x128xf32, #tpu.memory_space<vmem_shared>> -> memref<10240x128xf32, #tpu.memory_space<vmem_shared>>
        tpu.wait_indirect_dma semaphore(%run_scoped3A_354 : memref<!tpu.dma_semaphore, #tpu.memory_space<semaphore_mem>>) src(%arg7 : memref<128x128xf32, #tpu.memory_space<vmem>>) dst(%dma_wait3A_364 : memref<10240x128xf32, #tpu.memory_space<vmem_shared>>)
        tpu.yield
      }) : () -> ()
    }
    %scan3A_175 = arith.constant 40 : i32
    %run_scoped3A_176 = arith.constant 1 : i32
    "tpu.region"() ({
      %run_scoped3A_344 = tpu.sem_alloc : memref<!tpu.dma_semaphore, #tpu.memory_space<semaphore_mem>>
      %dma_start3A = arith.constant 0 : i32
      %dma_start3A_345 = arith.constant 0 : i32
      %dma_start3A_346 = tpu.memref_slice %arg2[%add3A, %run_scoped3A_176, %dma_start3A, %dma_start3A_345] : memref<32x2x40x128xi32, #tpu.memory_space<hbm>> -> memref<1x1x40x128xi32, #tpu.memory_space<hbm>>
      %dma_start3A_347 = tpu.memref_squeeze %dma_start3A_346 : memref<1x1x40x128xi32, #tpu.memory_space<hbm>> -> memref<40x128xi32, #tpu.memory_space<hbm>>
      %dma_start3A_348 = arith.constant 0 : i32
      %dma_start3A_349 = arith.constant 0 : i32
      %dma_start3A_350 = tpu.memref_slice %arg2[%add3A, %run_scoped3A_176, %dma_start3A_348, %dma_start3A_349] : memref<32x2x40x128xi32, #tpu.memory_space<hbm>> -> memref<1x1x40x128xi32, #tpu.memory_space<hbm>>
      %dma_start3A_351 = tpu.memref_squeeze %dma_start3A_350 : memref<1x1x40x128xi32, #tpu.memory_space<hbm>> -> memref<40x128xi32, #tpu.memory_space<hbm>>
      tpu.enqueue_dma source(%dma_start3A_351 : memref<40x128xi32, #tpu.memory_space<hbm>>) target(%arg5 : memref<40x128xi32, #tpu.memory_space<vmem>>) target_semaphore(%run_scoped3A_344 : memref<!tpu.dma_semaphore, #tpu.memory_space<semaphore_mem>>)
      %dma_wait3A = arith.constant 0 : i32
      %dma_wait3A_352 = arith.constant 0 : i32
      %dma_wait3A_353 = tpu.memref_slice %arg2[%add3A, %run_scoped3A_176, %dma_wait3A, %dma_wait3A_352] : memref<32x2x40x128xi32, #tpu.memory_space<hbm>> -> memref<1x1x40x128xi32, #tpu.memory_space<hbm>>
      %dma_wait3A_354 = tpu.memref_squeeze %dma_wait3A_353 : memref<1x1x40x128xi32, #tpu.memory_space<hbm>> -> memref<40x128xi32, #tpu.memory_space<hbm>>
      %dma_wait3A_355 = arith.constant 0 : i32
      %dma_wait3A_356 = arith.constant 0 : i32
      %dma_wait3A_357 = tpu.memref_slice %arg2[%add3A, %run_scoped3A_176, %dma_wait3A_355, %dma_wait3A_356] : memref<32x2x40x128xi32, #tpu.memory_space<hbm>> -> memref<1x1x40x128xi32, #tpu.memory_space<hbm>>
      %dma_wait3A_358 = tpu.memref_squeeze %dma_wait3A_357 : memref<1x1x40x128xi32, #tpu.memory_space<hbm>> -> memref<40x128xi32, #tpu.memory_space<hbm>>
      tpu.wait_dma2 semaphore(%run_scoped3A_344 : memref<!tpu.dma_semaphore, #tpu.memory_space<semaphore_mem>>) src(%dma_wait3A_358 : memref<40x128xi32, #tpu.memory_space<hbm>>) dst(%arg5 : memref<40x128xi32, #tpu.memory_space<vmem>>)
      tpu.yield
    }) : () -> ()
    %run_scoped3A_177 = arith.constant 1 : i32
    "tpu.region"() ({
      %run_scoped3A_344 = tpu.sem_alloc : memref<!tpu.dma_semaphore, #tpu.memory_space<semaphore_mem>>
      %dma_start3A = arith.constant 0 : i32
      %dma_start3A_345 = arith.constant 0 : i32
      %dma_start3A_346 = tpu.memref_slice %arg3[%add3A, %run_scoped3A_177, %dma_start3A, %dma_start3A_345] : memref<32x2x40x128xf32, #tpu.memory_space<hbm>> -> memref<1x1x40x128xf32, #tpu.memory_space<hbm>>
      %dma_start3A_347 = tpu.memref_squeeze %dma_start3A_346 : memref<1x1x40x128xf32, #tpu.memory_space<hbm>> -> memref<40x128xf32, #tpu.memory_space<hbm>>
      %dma_start3A_348 = arith.constant 0 : i32
      %dma_start3A_349 = arith.constant 0 : i32
      %dma_start3A_350 = tpu.memref_slice %arg3[%add3A, %run_scoped3A_177, %dma_start3A_348, %dma_start3A_349] : memref<32x2x40x128xf32, #tpu.memory_space<hbm>> -> memref<1x1x40x128xf32, #tpu.memory_space<hbm>>
      %dma_start3A_351 = tpu.memref_squeeze %dma_start3A_350 : memref<1x1x40x128xf32, #tpu.memory_space<hbm>> -> memref<40x128xf32, #tpu.memory_space<hbm>>
      tpu.enqueue_dma source(%dma_start3A_351 : memref<40x128xf32, #tpu.memory_space<hbm>>) target(%arg6 : memref<40x128xf32, #tpu.memory_space<vmem>>) target_semaphore(%run_scoped3A_344 : memref<!tpu.dma_semaphore, #tpu.memory_space<semaphore_mem>>)
      %dma_wait3A = arith.constant 0 : i32
      %dma_wait3A_352 = arith.constant 0 : i32
      %dma_wait3A_353 = tpu.memref_slice %arg3[%add3A, %run_scoped3A_177, %dma_wait3A, %dma_wait3A_352] : memref<32x2x40x128xf32, #tpu.memory_space<hbm>> -> memref<1x1x40x128xf32, #tpu.memory_space<hbm>>
      %dma_wait3A_354 = tpu.memref_squeeze %dma_wait3A_353 : memref<1x1x40x128xf32, #tpu.memory_space<hbm>> -> memref<40x128xf32, #tpu.memory_space<hbm>>
      %dma_wait3A_355 = arith.constant 0 : i32
      %dma_wait3A_356 = arith.constant 0 : i32
      %dma_wait3A_357 = tpu.memref_slice %arg3[%add3A, %run_scoped3A_177, %dma_wait3A_355, %dma_wait3A_356] : memref<32x2x40x128xf32, #tpu.memory_space<hbm>> -> memref<1x1x40x128xf32, #tpu.memory_space<hbm>>
      %dma_wait3A_358 = tpu.memref_squeeze %dma_wait3A_357 : memref<1x1x40x128xf32, #tpu.memory_space<hbm>> -> memref<40x128xf32, #tpu.memory_space<hbm>>
      tpu.wait_dma2 semaphore(%run_scoped3A_344 : memref<!tpu.dma_semaphore, #tpu.memory_space<semaphore_mem>>) src(%dma_wait3A_358 : memref<40x128xf32, #tpu.memory_space<hbm>>) dst(%arg6 : memref<40x128xf32, #tpu.memory_space<vmem>>)
      tpu.yield
    }) : () -> ()
    %scan3A_178 = arith.constant 0 : i32
    %scan3A_179 = arith.constant 40 : i32
    %scan3A_180 = arith.addi %scan3A_178, %scan3A_179 : i32
    %scan3A_181 = arith.constant 1 : i32
    scf.for %scan3A_344 = %scan3A_178 to %scan3A_180 step %scan3A_181  : i32 {
      %mul3A_345 = arith.constant 1 : i32
      %mul3A_346 = arith.muli %scan3A_344, %mul3A_345 : i32
      %add3A_347 = arith.constant 0 : i32
      %add3A_348 = arith.addi %add3A_347, %mul3A_346 : i32
      %scan3A_349 = arith.constant 0 : i32
      %scan3A_350 = arith.constant 8 : i32
      %scan3A_351 = arith.addi %scan3A_349, %scan3A_350 : i32
      %scan3A_352 = arith.constant 1 : i32
      scf.for %scan3A_354 = %scan3A_349 to %scan3A_351 step %scan3A_352  : i32 {
        %mul3A_355 = arith.constant 16 : i32
        %mul3A_356 = arith.muli %scan3A_354, %mul3A_355 : i32
        %add3A_357 = arith.constant 0 : i32
        %add3A_358 = arith.addi %add3A_357, %mul3A_356 : i32
        %get3A = arith.index_cast %add3A_348 : i32 to index
        %get3A_359 = arith.index_cast %add3A_358 : i32 to index
        %get3A_360 = tpu.vector_load %arg6[%get3A, %get3A_359] {strides = array<i32>} : memref<40x128xf32, #tpu.memory_space<vmem>>, vector<1x16xf32>,
        %get3A_361 = vector.shape_cast %get3A_360 : vector<1x16xf32> to vector<16xf32>
        %slice3A = vector.extract_strided_slice %get3A_361 {offsets = [0], sizes = [1], strides = [1]} : vector<16xf32> to vector<1xf32>
        %squeeze3A = vector.extract %slice3A[0] : f32 from vector<1xf32>
        %broadcast_in_dim3A = vector.broadcast %squeeze3A : f32 to vector<16xf32>
        %add3A_362 = arith.constant 0 : i32
        %add3A_363 = arith.addi %add3A_358, %add3A_362 : i32
        %swap3A = arith.index_cast %add3A_363 : i32 to index
        %swap3A_364 = arith.constant 0 : index
        %swap3A_365 = tpu.vector_load %arg7[%swap3A, %swap3A_364] {strides = array<i32>} : memref<128x128xf32, #tpu.memory_space<vmem>>, vector<1x16xf32>,
        %swap3A_366 = vector.shape_cast %swap3A_365 : vector<1x16xf32> to vector<16xf32>
        %swap3A_367 = vector.shape_cast %broadcast_in_dim3A : vector<16xf32> to vector<1x16xf32>
        tpu.vector_store %arg7[%swap3A, %swap3A_364], %swap3A_367 {strides = array<i32>} : memref<128x128xf32, #tpu.memory_space<vmem>>, vector<1x16xf32>,
        %slice3A_368 = vector.extract_strided_slice %get3A_361 {offsets = [1], sizes = [1], strides = [1]} : vector<16xf32> to vector<1xf32>
        %squeeze3A_369 = vector.extract %slice3A_368[0] : f32 from vector<1xf32>
        %broadcast_in_dim3A_370 = vector.broadcast %squeeze3A_369 : f32 to vector<16xf32>
        %add3A_371 = arith.constant 1 : i32
        %add3A_372 = arith.addi %add3A_358, %add3A_371 : i32
        %swap3A_373 = arith.index_cast %add3A_372 : i32 to index
        %swap3A_374 = arith.constant 0 : index
        %swap3A_375 = tpu.vector_load %arg7[%swap3A_373, %swap3A_374] {strides = array<i32>} : memref<128x128xf32, #tpu.memory_space<vmem>>, vector<1x16xf32>,
        %swap3A_376 = vector.shape_cast %swap3A_375 : vector<1x16xf32> to vector<16xf32>
        %swap3A_377 = vector.shape_cast %broadcast_in_dim3A_370 : vector<16xf32> to vector<1x16xf32>
        tpu.vector_store %arg7[%swap3A_373, %swap3A_374], %swap3A_377 {strides = array<i32>} : memref<128x128xf32, #tpu.memory_space<vmem>>, vector<1x16xf32>,
        %slice3A_378 = vector.extract_strided_slice %get3A_361 {offsets = [2], sizes = [1], strides = [1]} : vector<16xf32> to vector<1xf32>
        %squeeze3A_379 = vector.extract %slice3A_378[0] : f32 from vector<1xf32>
        %broadcast_in_dim3A_380 = vector.broadcast %squeeze3A_379 : f32 to vector<16xf32>
        %add3A_381 = arith.constant 2 : i32
        %add3A_382 = arith.addi %add3A_358, %add3A_381 : i32
        %swap3A_383 = arith.index_cast %add3A_382 : i32 to index
        %swap3A_384 = arith.constant 0 : index
        %swap3A_385 = tpu.vector_load %arg7[%swap3A_383, %swap3A_384] {strides = array<i32>} : memref<128x128xf32, #tpu.memory_space<vmem>>, vector<1x16xf32>,
        %swap3A_386 = vector.shape_cast %swap3A_385 : vector<1x16xf32> to vector<16xf32>
        %swap3A_387 = vector.shape_cast %broadcast_in_dim3A_380 : vector<16xf32> to vector<1x16xf32>
        tpu.vector_store %arg7[%swap3A_383, %swap3A_384], %swap3A_387 {strides = array<i32>} : memref<128x128xf32, #tpu.memory_space<vmem>>, vector<1x16xf32>,
        %slice3A_388 = vector.extract_strided_slice %get3A_361 {offsets = [3], sizes = [1], strides = [1]} : vector<16xf32> to vector<1xf32>
        %squeeze3A_389 = vector.extract %slice3A_388[0] : f32 from vector<1xf32>
        %broadcast_in_dim3A_390 = vector.broadcast %squeeze3A_389 : f32 to vector<16xf32>
        %add3A_391 = arith.constant 3 : i32
        %add3A_392 = arith.addi %add3A_358, %add3A_391 : i32
        %swap3A_393 = arith.index_cast %add3A_392 : i32 to index
        %swap3A_394 = arith.constant 0 : index
        %swap3A_395 = tpu.vector_load %arg7[%swap3A_393, %swap3A_394] {strides = array<i32>} : memref<128x128xf32, #tpu.memory_space<vmem>>, vector<1x16xf32>,
        %swap3A_396 = vector.shape_cast %swap3A_395 : vector<1x16xf32> to vector<16xf32>
        %swap3A_397 = vector.shape_cast %broadcast_in_dim3A_390 : vector<16xf32> to vector<1x16xf32>
        tpu.vector_store %arg7[%swap3A_393, %swap3A_394], %swap3A_397 {strides = array<i32>} : memref<128x128xf32, #tpu.memory_space<vmem>>, vector<1x16xf32>,
        %slice3A_398 = vector.extract_strided_slice %get3A_361 {offsets = [4], sizes = [1], strides = [1]} : vector<16xf32> to vector<1xf32>
        %squeeze3A_399 = vector.extract %slice3A_398[0] : f32 from vector<1xf32>
        %broadcast_in_dim3A_400 = vector.broadcast %squeeze3A_399 : f32 to vector<16xf32>
        %add3A_401 = arith.constant 4 : i32
        %add3A_402 = arith.addi %add3A_358, %add3A_401 : i32
        %swap3A_403 = arith.index_cast %add3A_402 : i32 to index
        %swap3A_404 = arith.constant 0 : index
        %swap3A_405 = tpu.vector_load %arg7[%swap3A_403, %swap3A_404] {strides = array<i32>} : memref<128x128xf32, #tpu.memory_space<vmem>>, vector<1x16xf32>,
        %swap3A_406 = vector.shape_cast %swap3A_405 : vector<1x16xf32> to vector<16xf32>
        %swap3A_407 = vector.shape_cast %broadcast_in_dim3A_400 : vector<16xf32> to vector<1x16xf32>
        tpu.vector_store %arg7[%swap3A_403, %swap3A_404], %swap3A_407 {strides = array<i32>} : memref<128x128xf32, #tpu.memory_space<vmem>>, vector<1x16xf32>,
        %slice3A_408 = vector.extract_strided_slice %get3A_361 {offsets = [5], sizes = [1], strides = [1]} : vector<16xf32> to vector<1xf32>
        %squeeze3A_409 = vector.extract %slice3A_408[0] : f32 from vector<1xf32>
        %broadcast_in_dim3A_410 = vector.broadcast %squeeze3A_409 : f32 to vector<16xf32>
        %add3A_411 = arith.constant 5 : i32
        %add3A_412 = arith.addi %add3A_358, %add3A_411 : i32
        %swap3A_413 = arith.index_cast %add3A_412 : i32 to index
        %swap3A_414 = arith.constant 0 : index
        %swap3A_415 = tpu.vector_load %arg7[%swap3A_413, %swap3A_414] {strides = array<i32>} : memref<128x128xf32, #tpu.memory_space<vmem>>, vector<1x16xf32>,
        %swap3A_416 = vector.shape_cast %swap3A_415 : vector<1x16xf32> to vector<16xf32>
        %swap3A_417 = vector.shape_cast %broadcast_in_dim3A_410 : vector<16xf32> to vector<1x16xf32>
        tpu.vector_store %arg7[%swap3A_413, %swap3A_414], %swap3A_417 {strides = array<i32>} : memref<128x128xf32, #tpu.memory_space<vmem>>, vector<1x16xf32>,
        %slice3A_418 = vector.extract_strided_slice %get3A_361 {offsets = [6], sizes = [1], strides = [1]} : vector<16xf32> to vector<1xf32>
        %squeeze3A_419 = vector.extract %slice3A_418[0] : f32 from vector<1xf32>
        %broadcast_in_dim3A_420 = vector.broadcast %squeeze3A_419 : f32 to vector<16xf32>
        %add3A_421 = arith.constant 6 : i32
        %add3A_422 = arith.addi %add3A_358, %add3A_421 : i32
        %swap3A_423 = arith.index_cast %add3A_422 : i32 to index
        %swap3A_424 = arith.constant 0 : index
        %swap3A_425 = tpu.vector_load %arg7[%swap3A_423, %swap3A_424] {strides = array<i32>} : memref<128x128xf32, #tpu.memory_space<vmem>>, vector<1x16xf32>,
        %swap3A_426 = vector.shape_cast %swap3A_425 : vector<1x16xf32> to vector<16xf32>
        %swap3A_427 = vector.shape_cast %broadcast_in_dim3A_420 : vector<16xf32> to vector<1x16xf32>
        tpu.vector_store %arg7[%swap3A_423, %swap3A_424], %swap3A_427 {strides = array<i32>} : memref<128x128xf32, #tpu.memory_space<vmem>>, vector<1x16xf32>,
        %slice3A_428 = vector.extract_strided_slice %get3A_361 {offsets = [7], sizes = [1], strides = [1]} : vector<16xf32> to vector<1xf32>
        %squeeze3A_429 = vector.extract %slice3A_428[0] : f32 from vector<1xf32>
        %broadcast_in_dim3A_430 = vector.broadcast %squeeze3A_429 : f32 to vector<16xf32>
        %add3A_431 = arith.constant 7 : i32
        %add3A_432 = arith.addi %add3A_358, %add3A_431 : i32
        %swap3A_433 = arith.index_cast %add3A_432 : i32 to index
        %swap3A_434 = arith.constant 0 : index
        %swap3A_435 = tpu.vector_load %arg7[%swap3A_433, %swap3A_434] {strides = array<i32>} : memref<128x128xf32, #tpu.memory_space<vmem>>, vector<1x16xf32>,
        %swap3A_436 = vector.shape_cast %swap3A_435 : vector<1x16xf32> to vector<16xf32>
        %swap3A_437 = vector.shape_cast %broadcast_in_dim3A_430 : vector<16xf32> to vector<1x16xf32>
        tpu.vector_store %arg7[%swap3A_433, %swap3A_434], %swap3A_437 {strides = array<i32>} : memref<128x128xf32, #tpu.memory_space<vmem>>, vector<1x16xf32>,
        %slice3A_438 = vector.extract_strided_slice %get3A_361 {offsets = [8], sizes = [1], strides = [1]} : vector<16xf32> to vector<1xf32>
        %squeeze3A_439 = vector.extract %slice3A_438[0] : f32 from vector<1xf32>
        %broadcast_in_dim3A_440 = vector.broadcast %squeeze3A_439 : f32 to vector<16xf32>
        %add3A_441 = arith.constant 8 : i32
        %add3A_442 = arith.addi %add3A_358, %add3A_441 : i32
        %swap3A_443 = arith.index_cast %add3A_442 : i32 to index
        %swap3A_444 = arith.constant 0 : index
        %swap3A_445 = tpu.vector_load %arg7[%swap3A_443, %swap3A_444] {strides = array<i32>} : memref<128x128xf32, #tpu.memory_space<vmem>>, vector<1x16xf32>,
        %swap3A_446 = vector.shape_cast %swap3A_445 : vector<1x16xf32> to vector<16xf32>
        %swap3A_447 = vector.shape_cast %broadcast_in_dim3A_440 : vector<16xf32> to vector<1x16xf32>
        tpu.vector_store %arg7[%swap3A_443, %swap3A_444], %swap3A_447 {strides = array<i32>} : memref<128x128xf32, #tpu.memory_space<vmem>>, vector<1x16xf32>,
        %slice3A_448 = vector.extract_strided_slice %get3A_361 {offsets = [9], sizes = [1], strides = [1]} : vector<16xf32> to vector<1xf32>
        %squeeze3A_449 = vector.extract %slice3A_448[0] : f32 from vector<1xf32>
        %broadcast_in_dim3A_450 = vector.broadcast %squeeze3A_449 : f32 to vector<16xf32>
        %add3A_451 = arith.constant 9 : i32
        %add3A_452 = arith.addi %add3A_358, %add3A_451 : i32
        %swap3A_453 = arith.index_cast %add3A_452 : i32 to index
        %swap3A_454 = arith.constant 0 : index
        %swap3A_455 = tpu.vector_load %arg7[%swap3A_453, %swap3A_454] {strides = array<i32>} : memref<128x128xf32, #tpu.memory_space<vmem>>, vector<1x16xf32>,
        %swap3A_456 = vector.shape_cast %swap3A_455 : vector<1x16xf32> to vector<16xf32>
        %swap3A_457 = vector.shape_cast %broadcast_in_dim3A_450 : vector<16xf32> to vector<1x16xf32>
        tpu.vector_store %arg7[%swap3A_453, %swap3A_454], %swap3A_457 {strides = array<i32>} : memref<128x128xf32, #tpu.memory_space<vmem>>, vector<1x16xf32>,
        %slice3A_458 = vector.extract_strided_slice %get3A_361 {offsets = [10], sizes = [1], strides = [1]} : vector<16xf32> to vector<1xf32>
        %squeeze3A_459 = vector.extract %slice3A_458[0] : f32 from vector<1xf32>
        %broadcast_in_dim3A_460 = vector.broadcast %squeeze3A_459 : f32 to vector<16xf32>
        %add3A_461 = arith.constant 10 : i32
        %add3A_462 = arith.addi %add3A_358, %add3A_461 : i32
        %swap3A_463 = arith.index_cast %add3A_462 : i32 to index
        %swap3A_464 = arith.constant 0 : index
        %swap3A_465 = tpu.vector_load %arg7[%swap3A_463, %swap3A_464] {strides = array<i32>} : memref<128x128xf32, #tpu.memory_space<vmem>>, vector<1x16xf32>,
        %swap3A_466 = vector.shape_cast %swap3A_465 : vector<1x16xf32> to vector<16xf32>
        %swap3A_467 = vector.shape_cast %broadcast_in_dim3A_460 : vector<16xf32> to vector<1x16xf32>
        tpu.vector_store %arg7[%swap3A_463, %swap3A_464], %swap3A_467 {strides = array<i32>} : memref<128x128xf32, #tpu.memory_space<vmem>>, vector<1x16xf32>,
        %slice3A_468 = vector.extract_strided_slice %get3A_361 {offsets = [11], sizes = [1], strides = [1]} : vector<16xf32> to vector<1xf32>
        %squeeze3A_469 = vector.extract %slice3A_468[0] : f32 from vector<1xf32>
        %broadcast_in_dim3A_470 = vector.broadcast %squeeze3A_469 : f32 to vector<16xf32>
        %add3A_471 = arith.constant 11 : i32
        %add3A_472 = arith.addi %add3A_358, %add3A_471 : i32
        %swap3A_473 = arith.index_cast %add3A_472 : i32 to index
        %swap3A_474 = arith.constant 0 : index
        %swap3A_475 = tpu.vector_load %arg7[%swap3A_473, %swap3A_474] {strides = array<i32>} : memref<128x128xf32, #tpu.memory_space<vmem>>, vector<1x16xf32>,
        %swap3A_476 = vector.shape_cast %swap3A_475 : vector<1x16xf32> to vector<16xf32>
        %swap3A_477 = vector.shape_cast %broadcast_in_dim3A_470 : vector<16xf32> to vector<1x16xf32>
        tpu.vector_store %arg7[%swap3A_473, %swap3A_474], %swap3A_477 {strides = array<i32>} : memref<128x128xf32, #tpu.memory_space<vmem>>, vector<1x16xf32>,
        %slice3A_478 = vector.extract_strided_slice %get3A_361 {offsets = [12], sizes = [1], strides = [1]} : vector<16xf32> to vector<1xf32>
        %squeeze3A_479 = vector.extract %slice3A_478[0] : f32 from vector<1xf32>
        %broadcast_in_dim3A_480 = vector.broadcast %squeeze3A_479 : f32 to vector<16xf32>
        %add3A_481 = arith.constant 12 : i32
        %add3A_482 = arith.addi %add3A_358, %add3A_481 : i32
        %swap3A_483 = arith.index_cast %add3A_482 : i32 to index
        %swap3A_484 = arith.constant 0 : index
        %swap3A_485 = tpu.vector_load %arg7[%swap3A_483, %swap3A_484] {strides = array<i32>} : memref<128x128xf32, #tpu.memory_space<vmem>>, vector<1x16xf32>,
        %swap3A_486 = vector.shape_cast %swap3A_485 : vector<1x16xf32> to vector<16xf32>
        %swap3A_487 = vector.shape_cast %broadcast_in_dim3A_480 : vector<16xf32> to vector<1x16xf32>
        tpu.vector_store %arg7[%swap3A_483, %swap3A_484], %swap3A_487 {strides = array<i32>} : memref<128x128xf32, #tpu.memory_space<vmem>>, vector<1x16xf32>,
        %slice3A_488 = vector.extract_strided_slice %get3A_361 {offsets = [13], sizes = [1], strides = [1]} : vector<16xf32> to vector<1xf32>
        %squeeze3A_489 = vector.extract %slice3A_488[0] : f32 from vector<1xf32>
        %broadcast_in_dim3A_490 = vector.broadcast %squeeze3A_489 : f32 to vector<16xf32>
        %add3A_491 = arith.constant 13 : i32
        %add3A_492 = arith.addi %add3A_358, %add3A_491 : i32
        %swap3A_493 = arith.index_cast %add3A_492 : i32 to index
        %swap3A_494 = arith.constant 0 : index
        %swap3A_495 = tpu.vector_load %arg7[%swap3A_493, %swap3A_494] {strides = array<i32>} : memref<128x128xf32, #tpu.memory_space<vmem>>, vector<1x16xf32>,
        %swap3A_496 = vector.shape_cast %swap3A_495 : vector<1x16xf32> to vector<16xf32>
        %swap3A_497 = vector.shape_cast %broadcast_in_dim3A_490 : vector<16xf32> to vector<1x16xf32>
        tpu.vector_store %arg7[%swap3A_493, %swap3A_494], %swap3A_497 {strides = array<i32>} : memref<128x128xf32, #tpu.memory_space<vmem>>, vector<1x16xf32>,
        %slice3A_498 = vector.extract_strided_slice %get3A_361 {offsets = [14], sizes = [1], strides = [1]} : vector<16xf32> to vector<1xf32>
        %squeeze3A_499 = vector.extract %slice3A_498[0] : f32 from vector<1xf32>
        %broadcast_in_dim3A_500 = vector.broadcast %squeeze3A_499 : f32 to vector<16xf32>
        %add3A_501 = arith.constant 14 : i32
        %add3A_502 = arith.addi %add3A_358, %add3A_501 : i32
        %swap3A_503 = arith.index_cast %add3A_502 : i32 to index
        %swap3A_504 = arith.constant 0 : index
        %swap3A_505 = tpu.vector_load %arg7[%swap3A_503, %swap3A_504] {strides = array<i32>} : memref<128x128xf32, #tpu.memory_space<vmem>>, vector<1x16xf32>,
        %swap3A_506 = vector.shape_cast %swap3A_505 : vector<1x16xf32> to vector<16xf32>
        %swap3A_507 = vector.shape_cast %broadcast_in_dim3A_500 : vector<16xf32> to vector<1x16xf32>
        tpu.vector_store %arg7[%swap3A_503, %swap3A_504], %swap3A_507 {strides = array<i32>} : memref<128x128xf32, #tpu.memory_space<vmem>>, vector<1x16xf32>,
        %slice3A_508 = vector.extract_strided_slice %get3A_361 {offsets = [15], sizes = [1], strides = [1]} : vector<16xf32> to vector<1xf32>
        %squeeze3A_509 = vector.extract %slice3A_508[0] : f32 from vector<1xf32>
        %broadcast_in_dim3A_510 = vector.broadcast %squeeze3A_509 : f32 to vector<16xf32>
        %add3A_511 = arith.constant 15 : i32
        %add3A_512 = arith.addi %add3A_358, %add3A_511 : i32
        %swap3A_513 = arith.index_cast %add3A_512 : i32 to index
        %swap3A_514 = arith.constant 0 : index
        %swap3A_515 = tpu.vector_load %arg7[%swap3A_513, %swap3A_514] {strides = array<i32>} : memref<128x128xf32, #tpu.memory_space<vmem>>, vector<1x16xf32>,
        %swap3A_516 = vector.shape_cast %swap3A_515 : vector<1x16xf32> to vector<16xf32>
        %swap3A_517 = vector.shape_cast %broadcast_in_dim3A_510 : vector<16xf32> to vector<1x16xf32>
        tpu.vector_store %arg7[%swap3A_513, %swap3A_514], %swap3A_517 {strides = array<i32>} : memref<128x128xf32, #tpu.memory_space<vmem>>, vector<1x16xf32>,
      }
      %scan3A_353 = arith.constant 8 : i32
      "tpu.region"() ({
        %run_scoped3A_354 = tpu.sem_alloc : memref<!tpu.dma_semaphore, #tpu.memory_space<semaphore_mem>>
        %dma_start3A = arith.constant 0 : i32
        %dma_start3A_355 = tpu.memref_slice %arg5[%add3A_348, %dma_start3A] : memref<40x128xi32, #tpu.memory_space<vmem>> -> memref<1x128xi32, #tpu.memory_space<vmem>>
        %dma_start3A_356 = tpu.memref_squeeze %dma_start3A_355 : memref<1x128xi32, #tpu.memory_space<vmem>> -> memref<128xi32, #tpu.memory_space<vmem>>
        %dma_start3A_357 = arith.constant 0 : i32
        %dma_start3A_358 = arith.constant 0 : i32
        %dma_start3A_359 = tpu.memref_slice %arg9[%dma_start3A_357, %dma_start3A_358] : memref<10240x128xf32, #tpu.memory_space<vmem_shared>> -> memref<10240x128xf32, #tpu.memory_space<vmem_shared>>
        tpu.enqueue_indirect_dma source(%arg7 : memref<128x128xf32, #tpu.memory_space<vmem>>) target(%dma_start3A_359 : memref<10240x128xf32, #tpu.memory_space<vmem_shared>>) offsets(%dma_start3A_356 : memref<128xi32, #tpu.memory_space<vmem>>) semaphore(%run_scoped3A_354 : memref<!tpu.dma_semaphore, #tpu.memory_space<semaphore_mem>>) {add = true}
        %dma_wait3A = arith.constant 0 : i32
        %dma_wait3A_360 = tpu.memref_slice %arg5[%add3A_348, %dma_wait3A] : memref<40x128xi32, #tpu.memory_space<vmem>> -> memref<1x128xi32, #tpu.memory_space<vmem>>
        %dma_wait3A_361 = tpu.memref_squeeze %dma_wait3A_360 : memref<1x128xi32, #tpu.memory_space<vmem>> -> memref<128xi32, #tpu.memory_space<vmem>>
        %dma_wait3A_362 = arith.constant 0 : i32
        %dma_wait3A_363 = arith.constant 0 : i32
        %dma_wait3A_364 = tpu.memref_slice %arg9[%dma_wait3A_362, %dma_wait3A_363] : memref<10240x128xf32, #tpu.memory_space<vmem_shared>> -> memref<10240x128xf32, #tpu.memory_space<vmem_shared>>
        tpu.wait_indirect_dma semaphore(%run_scoped3A_354 : memref<!tpu.dma_semaphore, #tpu.memory_space<semaphore_mem>>) src(%arg7 : memref<128x128xf32, #tpu.memory_space<vmem>>) dst(%dma_wait3A_364 : memref<10240x128xf32, #tpu.memory_space<vmem_shared>>)
        tpu.yield
      }) : () -> ()
    }
    %scan3A_182 = arith.constant 40 : i32
    %barrier3A_183 = arith.constant 0 : index
    tpu.barrier barrier_id(%barrier3A_183)
    %mul3A_184 = arith.constant 640 : i32
    %mul3A_185 = arith.muli %arg1, %mul3A_184 : i32
    %add3A_186 = arith.constant 0 : i32
    %add3A_187 = arith.addi %mul3A_185, %add3A_186 : i32
    "tpu.region"() ({
      %run_scoped3A_344 = tpu.sem_alloc : memref<!tpu.dma_semaphore, #tpu.memory_space<semaphore_mem>>
      %dma_start3A = arith.constant 0 : i32
      %dma_start3A_345 = tpu.memref_slice %arg4[%arg0, %add3A_187, %dma_start3A] : memref<2x10240x128xf32, #tpu.memory_space<hbm>> -> memref<1x16x128xf32, #tpu.memory_space<hbm>>
      %dma_start3A_346 = tpu.memref_squeeze %dma_start3A_345 : memref<1x16x128xf32, #tpu.memory_space<hbm>> -> memref<16x128xf32, #tpu.memory_space<hbm>>
      %dma_start3A_347 = arith.constant 0 : i32
      %dma_start3A_348 = tpu.memref_slice %arg9[%add3A_187, %dma_start3A_347] : memref<10240x128xf32, #tpu.memory_space<vmem_shared>> -> memref<16x128xf32, #tpu.memory_space<vmem_shared>>
      tpu.enqueue_dma source(%dma_start3A_348 : memref<16x128xf32, #tpu.memory_space<vmem_shared>>) target(%dma_start3A_346 : memref<16x128xf32, #tpu.memory_space<hbm>>) target_semaphore(%run_scoped3A_344 : memref<!tpu.dma_semaphore, #tpu.memory_space<semaphore_mem>>)
      %dma_wait3A = arith.constant 0 : i32
      %dma_wait3A_349 = tpu.memref_slice %arg4[%arg0, %add3A_187, %dma_wait3A] : memref<2x10240x128xf32, #tpu.memory_space<hbm>> -> memref<1x16x128xf32, #tpu.memory_space<hbm>>
      %dma_wait3A_350 = tpu.memref_squeeze %dma_wait3A_349 : memref<1x16x128xf32, #tpu.memory_space<hbm>> -> memref<16x128xf32, #tpu.memory_space<hbm>>
      %dma_wait3A_351 = arith.constant 0 : i32
      %dma_wait3A_352 = tpu.memref_slice %arg9[%add3A_187, %dma_wait3A_351] : memref<10240x128xf32, #tpu.memory_space<vmem_shared>> -> memref<16x128xf32, #tpu.memory_space<vmem_shared>>
      tpu.wait_dma2 semaphore(%run_scoped3A_344 : memref<!tpu.dma_semaphore, #tpu.memory_space<semaphore_mem>>) src(%dma_wait3A_352 : memref<16x128xf32, #tpu.memory_space<vmem_shared>>) dst(%dma_wait3A_350 : memref<16x128xf32, #tpu.memory_space<hbm>>)
      tpu.yield
    }) : () -> ()
    %mul3A_188 = arith.constant 640 : i32
    %mul3A_189 = arith.muli %arg1, %mul3A_188 : i32
    %add3A_190 = arith.constant 16 : i32
    %add3A_191 = arith.addi %mul3A_189, %add3A_190 : i32
    "tpu.region"() ({
      %run_scoped3A_344 = tpu.sem_alloc : memref<!tpu.dma_semaphore, #tpu.memory_space<semaphore_mem>>
      %dma_start3A = arith.constant 0 : i32
      %dma_start3A_345 = tpu.memref_slice %arg4[%arg0, %add3A_191, %dma_start3A] : memref<2x10240x128xf32, #tpu.memory_space<hbm>> -> memref<1x16x128xf32, #tpu.memory_space<hbm>>
      %dma_start3A_346 = tpu.memref_squeeze %dma_start3A_345 : memref<1x16x128xf32, #tpu.memory_space<hbm>> -> memref<16x128xf32, #tpu.memory_space<hbm>>
      %dma_start3A_347 = arith.constant 0 : i32
      %dma_start3A_348 = tpu.memref_slice %arg9[%add3A_191, %dma_start3A_347] : memref<10240x128xf32, #tpu.memory_space<vmem_shared>> -> memref<16x128xf32, #tpu.memory_space<vmem_shared>>
      tpu.enqueue_dma source(%dma_start3A_348 : memref<16x128xf32, #tpu.memory_space<vmem_shared>>) target(%dma_start3A_346 : memref<16x128xf32, #tpu.memory_space<hbm>>) target_semaphore(%run_scoped3A_344 : memref<!tpu.dma_semaphore, #tpu.memory_space<semaphore_mem>>)
      %dma_wait3A = arith.constant 0 : i32
      %dma_wait3A_349 = tpu.memref_slice %arg4[%arg0, %add3A_191, %dma_wait3A] : memref<2x10240x128xf32, #tpu.memory_space<hbm>> -> memref<1x16x128xf32, #tpu.memory_space<hbm>>
      %dma_wait3A_350 = tpu.memref_squeeze %dma_wait3A_349 : memref<1x16x128xf32, #tpu.memory_space<hbm>> -> memref<16x128xf32, #tpu.memory_space<hbm>>
      %dma_wait3A_351 = arith.constant 0 : i32
      %dma_wait3A_352 = tpu.memref_slice %arg9[%add3A_191, %dma_wait3A_351] : memref<10240x128xf32, #tpu.memory_space<vmem_shared>> -> memref<16x128xf32, #tpu.memory_space<vmem_shared>>
      tpu.wait_dma2 semaphore(%run_scoped3A_344 : memref<!tpu.dma_semaphore, #tpu.memory_space<semaphore_mem>>) src(%dma_wait3A_352 : memref<16x128xf32, #tpu.memory_space<vmem_shared>>) dst(%dma_wait3A_350 : memref<16x128xf32, #tpu.memory_space<hbm>>)
      tpu.yield
    }) : () -> ()
    %mul3A_192 = arith.constant 640 : i32
    %mul3A_193 = arith.muli %arg1, %mul3A_192 : i32
    %add3A_194 = arith.constant 32 : i32
    %add3A_195 = arith.addi %mul3A_193, %add3A_194 : i32
    "tpu.region"() ({
      %run_scoped3A_344 = tpu.sem_alloc : memref<!tpu.dma_semaphore, #tpu.memory_space<semaphore_mem>>
      %dma_start3A = arith.constant 0 : i32
      %dma_start3A_345 = tpu.memref_slice %arg4[%arg0, %add3A_195, %dma_start3A] : memref<2x10240x128xf32, #tpu.memory_space<hbm>> -> memref<1x16x128xf32, #tpu.memory_space<hbm>>
      %dma_start3A_346 = tpu.memref_squeeze %dma_start3A_345 : memref<1x16x128xf32, #tpu.memory_space<hbm>> -> memref<16x128xf32, #tpu.memory_space<hbm>>
      %dma_start3A_347 = arith.constant 0 : i32
      %dma_start3A_348 = tpu.memref_slice %arg9[%add3A_195, %dma_start3A_347] : memref<10240x128xf32, #tpu.memory_space<vmem_shared>> -> memref<16x128xf32, #tpu.memory_space<vmem_shared>>
      tpu.enqueue_dma source(%dma_start3A_348 : memref<16x128xf32, #tpu.memory_space<vmem_shared>>) target(%dma_start3A_346 : memref<16x128xf32, #tpu.memory_space<hbm>>) target_semaphore(%run_scoped3A_344 : memref<!tpu.dma_semaphore, #tpu.memory_space<semaphore_mem>>)
      %dma_wait3A = arith.constant 0 : i32
      %dma_wait3A_349 = tpu.memref_slice %arg4[%arg0, %add3A_195, %dma_wait3A] : memref<2x10240x128xf32, #tpu.memory_space<hbm>> -> memref<1x16x128xf32, #tpu.memory_space<hbm>>
      %dma_wait3A_350 = tpu.memref_squeeze %dma_wait3A_349 : memref<1x16x128xf32, #tpu.memory_space<hbm>> -> memref<16x128xf32, #tpu.memory_space<hbm>>
      %dma_wait3A_351 = arith.constant 0 : i32
      %dma_wait3A_352 = tpu.memref_slice %arg9[%add3A_195, %dma_wait3A_351] : memref<10240x128xf32, #tpu.memory_space<vmem_shared>> -> memref<16x128xf32, #tpu.memory_space<vmem_shared>>
      tpu.wait_dma2 semaphore(%run_scoped3A_344 : memref<!tpu.dma_semaphore, #tpu.memory_space<semaphore_mem>>) src(%dma_wait3A_352 : memref<16x128xf32, #tpu.memory_space<vmem_shared>>) dst(%dma_wait3A_350 : memref<16x128xf32, #tpu.memory_space<hbm>>)
      tpu.yield
    }) : () -> ()
    %mul3A_196 = arith.constant 640 : i32
    %mul3A_197 = arith.muli %arg1, %mul3A_196 : i32
    %add3A_198 = arith.constant 48 : i32
    %add3A_199 = arith.addi %mul3A_197, %add3A_198 : i32
    "tpu.region"() ({
      %run_scoped3A_344 = tpu.sem_alloc : memref<!tpu.dma_semaphore, #tpu.memory_space<semaphore_mem>>
      %dma_start3A = arith.constant 0 : i32
      %dma_start3A_345 = tpu.memref_slice %arg4[%arg0, %add3A_199, %dma_start3A] : memref<2x10240x128xf32, #tpu.memory_space<hbm>> -> memref<1x16x128xf32, #tpu.memory_space<hbm>>
      %dma_start3A_346 = tpu.memref_squeeze %dma_start3A_345 : memref<1x16x128xf32, #tpu.memory_space<hbm>> -> memref<16x128xf32, #tpu.memory_space<hbm>>
      %dma_start3A_347 = arith.constant 0 : i32
      %dma_start3A_348 = tpu.memref_slice %arg9[%add3A_199, %dma_start3A_347] : memref<10240x128xf32, #tpu.memory_space<vmem_shared>> -> memref<16x128xf32, #tpu.memory_space<vmem_shared>>
      tpu.enqueue_dma source(%dma_start3A_348 : memref<16x128xf32, #tpu.memory_space<vmem_shared>>) target(%dma_start3A_346 : memref<16x128xf32, #tpu.memory_space<hbm>>) target_semaphore(%run_scoped3A_344 : memref<!tpu.dma_semaphore, #tpu.memory_space<semaphore_mem>>)
      %dma_wait3A = arith.constant 0 : i32
      %dma_wait3A_349 = tpu.memref_slice %arg4[%arg0, %add3A_199, %dma_wait3A] : memref<2x10240x128xf32, #tpu.memory_space<hbm>> -> memref<1x16x128xf32, #tpu.memory_space<hbm>>
      %dma_wait3A_350 = tpu.memref_squeeze %dma_wait3A_349 : memref<1x16x128xf32, #tpu.memory_space<hbm>> -> memref<16x128xf32, #tpu.memory_space<hbm>>
      %dma_wait3A_351 = arith.constant 0 : i32
      %dma_wait3A_352 = tpu.memref_slice %arg9[%add3A_199, %dma_wait3A_351] : memref<10240x128xf32, #tpu.memory_space<vmem_shared>> -> memref<16x128xf32, #tpu.memory_space<vmem_shared>>
      tpu.wait_dma2 semaphore(%run_scoped3A_344 : memref<!tpu.dma_semaphore, #tpu.memory_space<semaphore_mem>>) src(%dma_wait3A_352 : memref<16x128xf32, #tpu.memory_space<vmem_shared>>) dst(%dma_wait3A_350 : memref<16x128xf32, #tpu.memory_space<hbm>>)
      tpu.yield
    }) : () -> ()
    %mul3A_200 = arith.constant 640 : i32
    %mul3A_201 = arith.muli %arg1, %mul3A_200 : i32
    %add3A_202 = arith.constant 64 : i32
    %add3A_203 = arith.addi %mul3A_201, %add3A_202 : i32
    "tpu.region"() ({
      %run_scoped3A_344 = tpu.sem_alloc : memref<!tpu.dma_semaphore, #tpu.memory_space<semaphore_mem>>
      %dma_start3A = arith.constant 0 : i32
      %dma_start3A_345 = tpu.memref_slice %arg4[%arg0, %add3A_203, %dma_start3A] : memref<2x10240x128xf32, #tpu.memory_space<hbm>> -> memref<1x16x128xf32, #tpu.memory_space<hbm>>
      %dma_start3A_346 = tpu.memref_squeeze %dma_start3A_345 : memref<1x16x128xf32, #tpu.memory_space<hbm>> -> memref<16x128xf32, #tpu.memory_space<hbm>>
      %dma_start3A_347 = arith.constant 0 : i32
      %dma_start3A_348 = tpu.memref_slice %arg9[%add3A_203, %dma_start3A_347] : memref<10240x128xf32, #tpu.memory_space<vmem_shared>> -> memref<16x128xf32, #tpu.memory_space<vmem_shared>>
      tpu.enqueue_dma source(%dma_start3A_348 : memref<16x128xf32, #tpu.memory_space<vmem_shared>>) target(%dma_start3A_346 : memref<16x128xf32, #tpu.memory_space<hbm>>) target_semaphore(%run_scoped3A_344 : memref<!tpu.dma_semaphore, #tpu.memory_space<semaphore_mem>>)
      %dma_wait3A = arith.constant 0 : i32
      %dma_wait3A_349 = tpu.memref_slice %arg4[%arg0, %add3A_203, %dma_wait3A] : memref<2x10240x128xf32, #tpu.memory_space<hbm>> -> memref<1x16x128xf32, #tpu.memory_space<hbm>>
      %dma_wait3A_350 = tpu.memref_squeeze %dma_wait3A_349 : memref<1x16x128xf32, #tpu.memory_space<hbm>> -> memref<16x128xf32, #tpu.memory_space<hbm>>
      %dma_wait3A_351 = arith.constant 0 : i32
      %dma_wait3A_352 = tpu.memref_slice %arg9[%add3A_203, %dma_wait3A_351] : memref<10240x128xf32, #tpu.memory_space<vmem_shared>> -> memref<16x128xf32, #tpu.memory_space<vmem_shared>>
      tpu.wait_dma2 semaphore(%run_scoped3A_344 : memref<!tpu.dma_semaphore, #tpu.memory_space<semaphore_mem>>) src(%dma_wait3A_352 : memref<16x128xf32, #tpu.memory_space<vmem_shared>>) dst(%dma_wait3A_350 : memref<16x128xf32, #tpu.memory_space<hbm>>)
      tpu.yield
    }) : () -> ()
    %mul3A_204 = arith.constant 640 : i32
    %mul3A_205 = arith.muli %arg1, %mul3A_204 : i32
    %add3A_206 = arith.constant 80 : i32
    %add3A_207 = arith.addi %mul3A_205, %add3A_206 : i32
    "tpu.region"() ({
      %run_scoped3A_344 = tpu.sem_alloc : memref<!tpu.dma_semaphore, #tpu.memory_space<semaphore_mem>>
      %dma_start3A = arith.constant 0 : i32
      %dma_start3A_345 = tpu.memref_slice %arg4[%arg0, %add3A_207, %dma_start3A] : memref<2x10240x128xf32, #tpu.memory_space<hbm>> -> memref<1x16x128xf32, #tpu.memory_space<hbm>>
      %dma_start3A_346 = tpu.memref_squeeze %dma_start3A_345 : memref<1x16x128xf32, #tpu.memory_space<hbm>> -> memref<16x128xf32, #tpu.memory_space<hbm>>
      %dma_start3A_347 = arith.constant 0 : i32
      %dma_start3A_348 = tpu.memref_slice %arg9[%add3A_207, %dma_start3A_347] : memref<10240x128xf32, #tpu.memory_space<vmem_shared>> -> memref<16x128xf32, #tpu.memory_space<vmem_shared>>
      tpu.enqueue_dma source(%dma_start3A_348 : memref<16x128xf32, #tpu.memory_space<vmem_shared>>) target(%dma_start3A_346 : memref<16x128xf32, #tpu.memory_space<hbm>>) target_semaphore(%run_scoped3A_344 : memref<!tpu.dma_semaphore, #tpu.memory_space<semaphore_mem>>)
      %dma_wait3A = arith.constant 0 : i32
      %dma_wait3A_349 = tpu.memref_slice %arg4[%arg0, %add3A_207, %dma_wait3A] : memref<2x10240x128xf32, #tpu.memory_space<hbm>> -> memref<1x16x128xf32, #tpu.memory_space<hbm>>
      %dma_wait3A_350 = tpu.memref_squeeze %dma_wait3A_349 : memref<1x16x128xf32, #tpu.memory_space<hbm>> -> memref<16x128xf32, #tpu.memory_space<hbm>>
      %dma_wait3A_351 = arith.constant 0 : i32
      %dma_wait3A_352 = tpu.memref_slice %arg9[%add3A_207, %dma_wait3A_351] : memref<10240x128xf32, #tpu.memory_space<vmem_shared>> -> memref<16x128xf32, #tpu.memory_space<vmem_shared>>
      tpu.wait_dma2 semaphore(%run_scoped3A_344 : memref<!tpu.dma_semaphore, #tpu.memory_space<semaphore_mem>>) src(%dma_wait3A_352 : memref<16x128xf32, #tpu.memory_space<vmem_shared>>) dst(%dma_wait3A_350 : memref<16x128xf32, #tpu.memory_space<hbm>>)
      tpu.yield
    }) : () -> ()
    %mul3A_208 = arith.constant 640 : i32
    %mul3A_209 = arith.muli %arg1, %mul3A_208 : i32
    %add3A_210 = arith.constant 96 : i32
    %add3A_211 = arith.addi %mul3A_209, %add3A_210 : i32
    "tpu.region"() ({
      %run_scoped3A_344 = tpu.sem_alloc : memref<!tpu.dma_semaphore, #tpu.memory_space<semaphore_mem>>
      %dma_start3A = arith.constant 0 : i32
      %dma_start3A_345 = tpu.memref_slice %arg4[%arg0, %add3A_211, %dma_start3A] : memref<2x10240x128xf32, #tpu.memory_space<hbm>> -> memref<1x16x128xf32, #tpu.memory_space<hbm>>
      %dma_start3A_346 = tpu.memref_squeeze %dma_start3A_345 : memref<1x16x128xf32, #tpu.memory_space<hbm>> -> memref<16x128xf32, #tpu.memory_space<hbm>>
      %dma_start3A_347 = arith.constant 0 : i32
      %dma_start3A_348 = tpu.memref_slice %arg9[%add3A_211, %dma_start3A_347] : memref<10240x128xf32, #tpu.memory_space<vmem_shared>> -> memref<16x128xf32, #tpu.memory_space<vmem_shared>>
      tpu.enqueue_dma source(%dma_start3A_348 : memref<16x128xf32, #tpu.memory_space<vmem_shared>>) target(%dma_start3A_346 : memref<16x128xf32, #tpu.memory_space<hbm>>) target_semaphore(%run_scoped3A_344 : memref<!tpu.dma_semaphore, #tpu.memory_space<semaphore_mem>>)
      %dma_wait3A = arith.constant 0 : i32
      %dma_wait3A_349 = tpu.memref_slice %arg4[%arg0, %add3A_211, %dma_wait3A] : memref<2x10240x128xf32, #tpu.memory_space<hbm>> -> memref<1x16x128xf32, #tpu.memory_space<hbm>>
      %dma_wait3A_350 = tpu.memref_squeeze %dma_wait3A_349 : memref<1x16x128xf32, #tpu.memory_space<hbm>> -> memref<16x128xf32, #tpu.memory_space<hbm>>
      %dma_wait3A_351 = arith.constant 0 : i32
      %dma_wait3A_352 = tpu.memref_slice %arg9[%add3A_211, %dma_wait3A_351] : memref<10240x128xf32, #tpu.memory_space<vmem_shared>> -> memref<16x128xf32, #tpu.memory_space<vmem_shared>>
      tpu.wait_dma2 semaphore(%run_scoped3A_344 : memref<!tpu.dma_semaphore, #tpu.memory_space<semaphore_mem>>) src(%dma_wait3A_352 : memref<16x128xf32, #tpu.memory_space<vmem_shared>>) dst(%dma_wait3A_350 : memref<16x128xf32, #tpu.memory_space<hbm>>)
      tpu.yield
    }) : () -> ()
    %mul3A_212 = arith.constant 640 : i32
    %mul3A_213 = arith.muli %arg1, %mul3A_212 : i32
    %add3A_214 = arith.constant 112 : i32
    %add3A_215 = arith.addi %mul3A_213, %add3A_214 : i32
    "tpu.region"() ({
      %run_scoped3A_344 = tpu.sem_alloc : memref<!tpu.dma_semaphore, #tpu.memory_space<semaphore_mem>>
      %dma_start3A = arith.constant 0 : i32
      %dma_start3A_345 = tpu.memref_slice %arg4[%arg0, %add3A_215, %dma_start3A] : memref<2x10240x128xf32, #tpu.memory_space<hbm>> -> memref<1x16x128xf32, #tpu.memory_space<hbm>>
      %dma_start3A_346 = tpu.memref_squeeze %dma_start3A_345 : memref<1x16x128xf32, #tpu.memory_space<hbm>> -> memref<16x128xf32, #tpu.memory_space<hbm>>
      %dma_start3A_347 = arith.constant 0 : i32
      %dma_start3A_348 = tpu.memref_slice %arg9[%add3A_215, %dma_start3A_347] : memref<10240x128xf32, #tpu.memory_space<vmem_shared>> -> memref<16x128xf32, #tpu.memory_space<vmem_shared>>
      tpu.enqueue_dma source(%dma_start3A_348 : memref<16x128xf32, #tpu.memory_space<vmem_shared>>) target(%dma_start3A_346 : memref<16x128xf32, #tpu.memory_space<hbm>>) target_semaphore(%run_scoped3A_344 : memref<!tpu.dma_semaphore, #tpu.memory_space<semaphore_mem>>)
      %dma_wait3A = arith.constant 0 : i32
      %dma_wait3A_349 = tpu.memref_slice %arg4[%arg0, %add3A_215, %dma_wait3A] : memref<2x10240x128xf32, #tpu.memory_space<hbm>> -> memref<1x16x128xf32, #tpu.memory_space<hbm>>
      %dma_wait3A_350 = tpu.memref_squeeze %dma_wait3A_349 : memref<1x16x128xf32, #tpu.memory_space<hbm>> -> memref<16x128xf32, #tpu.memory_space<hbm>>
      %dma_wait3A_351 = arith.constant 0 : i32
      %dma_wait3A_352 = tpu.memref_slice %arg9[%add3A_215, %dma_wait3A_351] : memref<10240x128xf32, #tpu.memory_space<vmem_shared>> -> memref<16x128xf32, #tpu.memory_space<vmem_shared>>
      tpu.wait_dma2 semaphore(%run_scoped3A_344 : memref<!tpu.dma_semaphore, #tpu.memory_space<semaphore_mem>>) src(%dma_wait3A_352 : memref<16x128xf32, #tpu.memory_space<vmem_shared>>) dst(%dma_wait3A_350 : memref<16x128xf32, #tpu.memory_space<hbm>>)
      tpu.yield
    }) : () -> ()
    %mul3A_216 = arith.constant 640 : i32
    %mul3A_217 = arith.muli %arg1, %mul3A_216 : i32
    %add3A_218 = arith.constant 128 : i32
    %add3A_219 = arith.addi %mul3A_217, %add3A_218 : i32
    "tpu.region"() ({
      %run_scoped3A_344 = tpu.sem_alloc : memref<!tpu.dma_semaphore, #tpu.memory_space<semaphore_mem>>
      %dma_start3A = arith.constant 0 : i32
      %dma_start3A_345 = tpu.memref_slice %arg4[%arg0, %add3A_219, %dma_start3A] : memref<2x10240x128xf32, #tpu.memory_space<hbm>> -> memref<1x16x128xf32, #tpu.memory_space<hbm>>
      %dma_start3A_346 = tpu.memref_squeeze %dma_start3A_345 : memref<1x16x128xf32, #tpu.memory_space<hbm>> -> memref<16x128xf32, #tpu.memory_space<hbm>>
      %dma_start3A_347 = arith.constant 0 : i32
      %dma_start3A_348 = tpu.memref_slice %arg9[%add3A_219, %dma_start3A_347] : memref<10240x128xf32, #tpu.memory_space<vmem_shared>> -> memref<16x128xf32, #tpu.memory_space<vmem_shared>>
      tpu.enqueue_dma source(%dma_start3A_348 : memref<16x128xf32, #tpu.memory_space<vmem_shared>>) target(%dma_start3A_346 : memref<16x128xf32, #tpu.memory_space<hbm>>) target_semaphore(%run_scoped3A_344 : memref<!tpu.dma_semaphore, #tpu.memory_space<semaphore_mem>>)
      %dma_wait3A = arith.constant 0 : i32
      %dma_wait3A_349 = tpu.memref_slice %arg4[%arg0, %add3A_219, %dma_wait3A] : memref<2x10240x128xf32, #tpu.memory_space<hbm>> -> memref<1x16x128xf32, #tpu.memory_space<hbm>>
      %dma_wait3A_350 = tpu.memref_squeeze %dma_wait3A_349 : memref<1x16x128xf32, #tpu.memory_space<hbm>> -> memref<16x128xf32, #tpu.memory_space<hbm>>
      %dma_wait3A_351 = arith.constant 0 : i32
      %dma_wait3A_352 = tpu.memref_slice %arg9[%add3A_219, %dma_wait3A_351] : memref<10240x128xf32, #tpu.memory_space<vmem_shared>> -> memref<16x128xf32, #tpu.memory_space<vmem_shared>>
      tpu.wait_dma2 semaphore(%run_scoped3A_344 : memref<!tpu.dma_semaphore, #tpu.memory_space<semaphore_mem>>) src(%dma_wait3A_352 : memref<16x128xf32, #tpu.memory_space<vmem_shared>>) dst(%dma_wait3A_350 : memref<16x128xf32, #tpu.memory_space<hbm>>)
      tpu.yield
    }) : () -> ()
    %mul3A_220 = arith.constant 640 : i32
    %mul3A_221 = arith.muli %arg1, %mul3A_220 : i32
    %add3A_222 = arith.constant 144 : i32
    %add3A_223 = arith.addi %mul3A_221, %add3A_222 : i32
    "tpu.region"() ({
      %run_scoped3A_344 = tpu.sem_alloc : memref<!tpu.dma_semaphore, #tpu.memory_space<semaphore_mem>>
      %dma_start3A = arith.constant 0 : i32
      %dma_start3A_345 = tpu.memref_slice %arg4[%arg0, %add3A_223, %dma_start3A] : memref<2x10240x128xf32, #tpu.memory_space<hbm>> -> memref<1x16x128xf32, #tpu.memory_space<hbm>>
      %dma_start3A_346 = tpu.memref_squeeze %dma_start3A_345 : memref<1x16x128xf32, #tpu.memory_space<hbm>> -> memref<16x128xf32, #tpu.memory_space<hbm>>
      %dma_start3A_347 = arith.constant 0 : i32
      %dma_start3A_348 = tpu.memref_slice %arg9[%add3A_223, %dma_start3A_347] : memref<10240x128xf32, #tpu.memory_space<vmem_shared>> -> memref<16x128xf32, #tpu.memory_space<vmem_shared>>
      tpu.enqueue_dma source(%dma_start3A_348 : memref<16x128xf32, #tpu.memory_space<vmem_shared>>) target(%dma_start3A_346 : memref<16x128xf32, #tpu.memory_space<hbm>>) target_semaphore(%run_scoped3A_344 : memref<!tpu.dma_semaphore, #tpu.memory_space<semaphore_mem>>)
      %dma_wait3A = arith.constant 0 : i32
      %dma_wait3A_349 = tpu.memref_slice %arg4[%arg0, %add3A_223, %dma_wait3A] : memref<2x10240x128xf32, #tpu.memory_space<hbm>> -> memref<1x16x128xf32, #tpu.memory_space<hbm>>
      %dma_wait3A_350 = tpu.memref_squeeze %dma_wait3A_349 : memref<1x16x128xf32, #tpu.memory_space<hbm>> -> memref<16x128xf32, #tpu.memory_space<hbm>>
      %dma_wait3A_351 = arith.constant 0 : i32
      %dma_wait3A_352 = tpu.memref_slice %arg9[%add3A_223, %dma_wait3A_351] : memref<10240x128xf32, #tpu.memory_space<vmem_shared>> -> memref<16x128xf32, #tpu.memory_space<vmem_shared>>
      tpu.wait_dma2 semaphore(%run_scoped3A_344 : memref<!tpu.dma_semaphore, #tpu.memory_space<semaphore_mem>>) src(%dma_wait3A_352 : memref<16x128xf32, #tpu.memory_space<vmem_shared>>) dst(%dma_wait3A_350 : memref<16x128xf32, #tpu.memory_space<hbm>>)
      tpu.yield
    }) : () -> ()
    %mul3A_224 = arith.constant 640 : i32
    %mul3A_225 = arith.muli %arg1, %mul3A_224 : i32
    %add3A_226 = arith.constant 160 : i32
    %add3A_227 = arith.addi %mul3A_225, %add3A_226 : i32
    "tpu.region"() ({
      %run_scoped3A_344 = tpu.sem_alloc : memref<!tpu.dma_semaphore, #tpu.memory_space<semaphore_mem>>
      %dma_start3A = arith.constant 0 : i32
      %dma_start3A_345 = tpu.memref_slice %arg4[%arg0, %add3A_227, %dma_start3A] : memref<2x10240x128xf32, #tpu.memory_space<hbm>> -> memref<1x16x128xf32, #tpu.memory_space<hbm>>
      %dma_start3A_346 = tpu.memref_squeeze %dma_start3A_345 : memref<1x16x128xf32, #tpu.memory_space<hbm>> -> memref<16x128xf32, #tpu.memory_space<hbm>>
      %dma_start3A_347 = arith.constant 0 : i32
      %dma_start3A_348 = tpu.memref_slice %arg9[%add3A_227, %dma_start3A_347] : memref<10240x128xf32, #tpu.memory_space<vmem_shared>> -> memref<16x128xf32, #tpu.memory_space<vmem_shared>>
      tpu.enqueue_dma source(%dma_start3A_348 : memref<16x128xf32, #tpu.memory_space<vmem_shared>>) target(%dma_start3A_346 : memref<16x128xf32, #tpu.memory_space<hbm>>) target_semaphore(%run_scoped3A_344 : memref<!tpu.dma_semaphore, #tpu.memory_space<semaphore_mem>>)
      %dma_wait3A = arith.constant 0 : i32
      %dma_wait3A_349 = tpu.memref_slice %arg4[%arg0, %add3A_227, %dma_wait3A] : memref<2x10240x128xf32, #tpu.memory_space<hbm>> -> memref<1x16x128xf32, #tpu.memory_space<hbm>>
      %dma_wait3A_350 = tpu.memref_squeeze %dma_wait3A_349 : memref<1x16x128xf32, #tpu.memory_space<hbm>> -> memref<16x128xf32, #tpu.memory_space<hbm>>
      %dma_wait3A_351 = arith.constant 0 : i32
      %dma_wait3A_352 = tpu.memref_slice %arg9[%add3A_227, %dma_wait3A_351] : memref<10240x128xf32, #tpu.memory_space<vmem_shared>> -> memref<16x128xf32, #tpu.memory_space<vmem_shared>>
      tpu.wait_dma2 semaphore(%run_scoped3A_344 : memref<!tpu.dma_semaphore, #tpu.memory_space<semaphore_mem>>) src(%dma_wait3A_352 : memref<16x128xf32, #tpu.memory_space<vmem_shared>>) dst(%dma_wait3A_350 : memref<16x128xf32, #tpu.memory_space<hbm>>)
      tpu.yield
    }) : () -> ()
    %mul3A_228 = arith.constant 640 : i32
    %mul3A_229 = arith.muli %arg1, %mul3A_228 : i32
    %add3A_230 = arith.constant 176 : i32
    %add3A_231 = arith.addi %mul3A_229, %add3A_230 : i32
    "tpu.region"() ({
      %run_scoped3A_344 = tpu.sem_alloc : memref<!tpu.dma_semaphore, #tpu.memory_space<semaphore_mem>>
      %dma_start3A = arith.constant 0 : i32
      %dma_start3A_345 = tpu.memref_slice %arg4[%arg0, %add3A_231, %dma_start3A] : memref<2x10240x128xf32, #tpu.memory_space<hbm>> -> memref<1x16x128xf32, #tpu.memory_space<hbm>>
      %dma_start3A_346 = tpu.memref_squeeze %dma_start3A_345 : memref<1x16x128xf32, #tpu.memory_space<hbm>> -> memref<16x128xf32, #tpu.memory_space<hbm>>
      %dma_start3A_347 = arith.constant 0 : i32
      %dma_start3A_348 = tpu.memref_slice %arg9[%add3A_231, %dma_start3A_347] : memref<10240x128xf32, #tpu.memory_space<vmem_shared>> -> memref<16x128xf32, #tpu.memory_space<vmem_shared>>
      tpu.enqueue_dma source(%dma_start3A_348 : memref<16x128xf32, #tpu.memory_space<vmem_shared>>) target(%dma_start3A_346 : memref<16x128xf32, #tpu.memory_space<hbm>>) target_semaphore(%run_scoped3A_344 : memref<!tpu.dma_semaphore, #tpu.memory_space<semaphore_mem>>)
      %dma_wait3A = arith.constant 0 : i32
      %dma_wait3A_349 = tpu.memref_slice %arg4[%arg0, %add3A_231, %dma_wait3A] : memref<2x10240x128xf32, #tpu.memory_space<hbm>> -> memref<1x16x128xf32, #tpu.memory_space<hbm>>
      %dma_wait3A_350 = tpu.memref_squeeze %dma_wait3A_349 : memref<1x16x128xf32, #tpu.memory_space<hbm>> -> memref<16x128xf32, #tpu.memory_space<hbm>>
      %dma_wait3A_351 = arith.constant 0 : i32
      %dma_wait3A_352 = tpu.memref_slice %arg9[%add3A_231, %dma_wait3A_351] : memref<10240x128xf32, #tpu.memory_space<vmem_shared>> -> memref<16x128xf32, #tpu.memory_space<vmem_shared>>
      tpu.wait_dma2 semaphore(%run_scoped3A_344 : memref<!tpu.dma_semaphore, #tpu.memory_space<semaphore_mem>>) src(%dma_wait3A_352 : memref<16x128xf32, #tpu.memory_space<vmem_shared>>) dst(%dma_wait3A_350 : memref<16x128xf32, #tpu.memory_space<hbm>>)
      tpu.yield
    }) : () -> ()
    %mul3A_232 = arith.constant 640 : i32
    %mul3A_233 = arith.muli %arg1, %mul3A_232 : i32
    %add3A_234 = arith.constant 192 : i32
    %add3A_235 = arith.addi %mul3A_233, %add3A_234 : i32
    "tpu.region"() ({
      %run_scoped3A_344 = tpu.sem_alloc : memref<!tpu.dma_semaphore, #tpu.memory_space<semaphore_mem>>
      %dma_start3A = arith.constant 0 : i32
      %dma_start3A_345 = tpu.memref_slice %arg4[%arg0, %add3A_235, %dma_start3A] : memref<2x10240x128xf32, #tpu.memory_space<hbm>> -> memref<1x16x128xf32, #tpu.memory_space<hbm>>
      %dma_start3A_346 = tpu.memref_squeeze %dma_start3A_345 : memref<1x16x128xf32, #tpu.memory_space<hbm>> -> memref<16x128xf32, #tpu.memory_space<hbm>>
      %dma_start3A_347 = arith.constant 0 : i32
      %dma_start3A_348 = tpu.memref_slice %arg9[%add3A_235, %dma_start3A_347] : memref<10240x128xf32, #tpu.memory_space<vmem_shared>> -> memref<16x128xf32, #tpu.memory_space<vmem_shared>>
      tpu.enqueue_dma source(%dma_start3A_348 : memref<16x128xf32, #tpu.memory_space<vmem_shared>>) target(%dma_start3A_346 : memref<16x128xf32, #tpu.memory_space<hbm>>) target_semaphore(%run_scoped3A_344 : memref<!tpu.dma_semaphore, #tpu.memory_space<semaphore_mem>>)
      %dma_wait3A = arith.constant 0 : i32
      %dma_wait3A_349 = tpu.memref_slice %arg4[%arg0, %add3A_235, %dma_wait3A] : memref<2x10240x128xf32, #tpu.memory_space<hbm>> -> memref<1x16x128xf32, #tpu.memory_space<hbm>>
      %dma_wait3A_350 = tpu.memref_squeeze %dma_wait3A_349 : memref<1x16x128xf32, #tpu.memory_space<hbm>> -> memref<16x128xf32, #tpu.memory_space<hbm>>
      %dma_wait3A_351 = arith.constant 0 : i32
      %dma_wait3A_352 = tpu.memref_slice %arg9[%add3A_235, %dma_wait3A_351] : memref<10240x128xf32, #tpu.memory_space<vmem_shared>> -> memref<16x128xf32, #tpu.memory_space<vmem_shared>>
      tpu.wait_dma2 semaphore(%run_scoped3A_344 : memref<!tpu.dma_semaphore, #tpu.memory_space<semaphore_mem>>) src(%dma_wait3A_352 : memref<16x128xf32, #tpu.memory_space<vmem_shared>>) dst(%dma_wait3A_350 : memref<16x128xf32, #tpu.memory_space<hbm>>)
      tpu.yield
    }) : () -> ()
    %mul3A_236 = arith.constant 640 : i32
    %mul3A_237 = arith.muli %arg1, %mul3A_236 : i32
    %add3A_238 = arith.constant 208 : i32
    %add3A_239 = arith.addi %mul3A_237, %add3A_238 : i32
    "tpu.region"() ({
      %run_scoped3A_344 = tpu.sem_alloc : memref<!tpu.dma_semaphore, #tpu.memory_space<semaphore_mem>>
      %dma_start3A = arith.constant 0 : i32
      %dma_start3A_345 = tpu.memref_slice %arg4[%arg0, %add3A_239, %dma_start3A] : memref<2x10240x128xf32, #tpu.memory_space<hbm>> -> memref<1x16x128xf32, #tpu.memory_space<hbm>>
      %dma_start3A_346 = tpu.memref_squeeze %dma_start3A_345 : memref<1x16x128xf32, #tpu.memory_space<hbm>> -> memref<16x128xf32, #tpu.memory_space<hbm>>
      %dma_start3A_347 = arith.constant 0 : i32
      %dma_start3A_348 = tpu.memref_slice %arg9[%add3A_239, %dma_start3A_347] : memref<10240x128xf32, #tpu.memory_space<vmem_shared>> -> memref<16x128xf32, #tpu.memory_space<vmem_shared>>
      tpu.enqueue_dma source(%dma_start3A_348 : memref<16x128xf32, #tpu.memory_space<vmem_shared>>) target(%dma_start3A_346 : memref<16x128xf32, #tpu.memory_space<hbm>>) target_semaphore(%run_scoped3A_344 : memref<!tpu.dma_semaphore, #tpu.memory_space<semaphore_mem>>)
      %dma_wait3A = arith.constant 0 : i32
      %dma_wait3A_349 = tpu.memref_slice %arg4[%arg0, %add3A_239, %dma_wait3A] : memref<2x10240x128xf32, #tpu.memory_space<hbm>> -> memref<1x16x128xf32, #tpu.memory_space<hbm>>
      %dma_wait3A_350 = tpu.memref_squeeze %dma_wait3A_349 : memref<1x16x128xf32, #tpu.memory_space<hbm>> -> memref<16x128xf32, #tpu.memory_space<hbm>>
      %dma_wait3A_351 = arith.constant 0 : i32
      %dma_wait3A_352 = tpu.memref_slice %arg9[%add3A_239, %dma_wait3A_351] : memref<10240x128xf32, #tpu.memory_space<vmem_shared>> -> memref<16x128xf32, #tpu.memory_space<vmem_shared>>
      tpu.wait_dma2 semaphore(%run_scoped3A_344 : memref<!tpu.dma_semaphore, #tpu.memory_space<semaphore_mem>>) src(%dma_wait3A_352 : memref<16x128xf32, #tpu.memory_space<vmem_shared>>) dst(%dma_wait3A_350 : memref<16x128xf32, #tpu.memory_space<hbm>>)
      tpu.yield
    }) : () -> ()
    %mul3A_240 = arith.constant 640 : i32
    %mul3A_241 = arith.muli %arg1, %mul3A_240 : i32
    %add3A_242 = arith.constant 224 : i32
    %add3A_243 = arith.addi %mul3A_241, %add3A_242 : i32
    "tpu.region"() ({
      %run_scoped3A_344 = tpu.sem_alloc : memref<!tpu.dma_semaphore, #tpu.memory_space<semaphore_mem>>
      %dma_start3A = arith.constant 0 : i32
      %dma_start3A_345 = tpu.memref_slice %arg4[%arg0, %add3A_243, %dma_start3A] : memref<2x10240x128xf32, #tpu.memory_space<hbm>> -> memref<1x16x128xf32, #tpu.memory_space<hbm>>
      %dma_start3A_346 = tpu.memref_squeeze %dma_start3A_345 : memref<1x16x128xf32, #tpu.memory_space<hbm>> -> memref<16x128xf32, #tpu.memory_space<hbm>>
      %dma_start3A_347 = arith.constant 0 : i32
      %dma_start3A_348 = tpu.memref_slice %arg9[%add3A_243, %dma_start3A_347] : memref<10240x128xf32, #tpu.memory_space<vmem_shared>> -> memref<16x128xf32, #tpu.memory_space<vmem_shared>>
      tpu.enqueue_dma source(%dma_start3A_348 : memref<16x128xf32, #tpu.memory_space<vmem_shared>>) target(%dma_start3A_346 : memref<16x128xf32, #tpu.memory_space<hbm>>) target_semaphore(%run_scoped3A_344 : memref<!tpu.dma_semaphore, #tpu.memory_space<semaphore_mem>>)
      %dma_wait3A = arith.constant 0 : i32
      %dma_wait3A_349 = tpu.memref_slice %arg4[%arg0, %add3A_243, %dma_wait3A] : memref<2x10240x128xf32, #tpu.memory_space<hbm>> -> memref<1x16x128xf32, #tpu.memory_space<hbm>>
      %dma_wait3A_350 = tpu.memref_squeeze %dma_wait3A_349 : memref<1x16x128xf32, #tpu.memory_space<hbm>> -> memref<16x128xf32, #tpu.memory_space<hbm>>
      %dma_wait3A_351 = arith.constant 0 : i32
      %dma_wait3A_352 = tpu.memref_slice %arg9[%add3A_243, %dma_wait3A_351] : memref<10240x128xf32, #tpu.memory_space<vmem_shared>> -> memref<16x128xf32, #tpu.memory_space<vmem_shared>>
      tpu.wait_dma2 semaphore(%run_scoped3A_344 : memref<!tpu.dma_semaphore, #tpu.memory_space<semaphore_mem>>) src(%dma_wait3A_352 : memref<16x128xf32, #tpu.memory_space<vmem_shared>>) dst(%dma_wait3A_350 : memref<16x128xf32, #tpu.memory_space<hbm>>)
      tpu.yield
    }) : () -> ()
    %mul3A_244 = arith.constant 640 : i32
    %mul3A_245 = arith.muli %arg1, %mul3A_244 : i32
    %add3A_246 = arith.constant 240 : i32
    %add3A_247 = arith.addi %mul3A_245, %add3A_246 : i32
    "tpu.region"() ({
      %run_scoped3A_344 = tpu.sem_alloc : memref<!tpu.dma_semaphore, #tpu.memory_space<semaphore_mem>>
      %dma_start3A = arith.constant 0 : i32
      %dma_start3A_345 = tpu.memref_slice %arg4[%arg0, %add3A_247, %dma_start3A] : memref<2x10240x128xf32, #tpu.memory_space<hbm>> -> memref<1x16x128xf32, #tpu.memory_space<hbm>>
      %dma_start3A_346 = tpu.memref_squeeze %dma_start3A_345 : memref<1x16x128xf32, #tpu.memory_space<hbm>> -> memref<16x128xf32, #tpu.memory_space<hbm>>
      %dma_start3A_347 = arith.constant 0 : i32
      %dma_start3A_348 = tpu.memref_slice %arg9[%add3A_247, %dma_start3A_347] : memref<10240x128xf32, #tpu.memory_space<vmem_shared>> -> memref<16x128xf32, #tpu.memory_space<vmem_shared>>
      tpu.enqueue_dma source(%dma_start3A_348 : memref<16x128xf32, #tpu.memory_space<vmem_shared>>) target(%dma_start3A_346 : memref<16x128xf32, #tpu.memory_space<hbm>>) target_semaphore(%run_scoped3A_344 : memref<!tpu.dma_semaphore, #tpu.memory_space<semaphore_mem>>)
      %dma_wait3A = arith.constant 0 : i32
      %dma_wait3A_349 = tpu.memref_slice %arg4[%arg0, %add3A_247, %dma_wait3A] : memref<2x10240x128xf32, #tpu.memory_space<hbm>> -> memref<1x16x128xf32, #tpu.memory_space<hbm>>
      %dma_wait3A_350 = tpu.memref_squeeze %dma_wait3A_349 : memref<1x16x128xf32, #tpu.memory_space<hbm>> -> memref<16x128xf32, #tpu.memory_space<hbm>>
      %dma_wait3A_351 = arith.constant 0 : i32
      %dma_wait3A_352 = tpu.memref_slice %arg9[%add3A_247, %dma_wait3A_351] : memref<10240x128xf32, #tpu.memory_space<vmem_shared>> -> memref<16x128xf32, #tpu.memory_space<vmem_shared>>
      tpu.wait_dma2 semaphore(%run_scoped3A_344 : memref<!tpu.dma_semaphore, #tpu.memory_space<semaphore_mem>>) src(%dma_wait3A_352 : memref<16x128xf32, #tpu.memory_space<vmem_shared>>) dst(%dma_wait3A_350 : memref<16x128xf32, #tpu.memory_space<hbm>>)
      tpu.yield
    }) : () -> ()
    %mul3A_248 = arith.constant 640 : i32
    %mul3A_249 = arith.muli %arg1, %mul3A_248 : i32
    %add3A_250 = arith.constant 256 : i32
    %add3A_251 = arith.addi %mul3A_249, %add3A_250 : i32
    "tpu.region"() ({
      %run_scoped3A_344 = tpu.sem_alloc : memref<!tpu.dma_semaphore, #tpu.memory_space<semaphore_mem>>
      %dma_start3A = arith.constant 0 : i32
      %dma_start3A_345 = tpu.memref_slice %arg4[%arg0, %add3A_251, %dma_start3A] : memref<2x10240x128xf32, #tpu.memory_space<hbm>> -> memref<1x16x128xf32, #tpu.memory_space<hbm>>
      %dma_start3A_346 = tpu.memref_squeeze %dma_start3A_345 : memref<1x16x128xf32, #tpu.memory_space<hbm>> -> memref<16x128xf32, #tpu.memory_space<hbm>>
      %dma_start3A_347 = arith.constant 0 : i32
      %dma_start3A_348 = tpu.memref_slice %arg9[%add3A_251, %dma_start3A_347] : memref<10240x128xf32, #tpu.memory_space<vmem_shared>> -> memref<16x128xf32, #tpu.memory_space<vmem_shared>>
      tpu.enqueue_dma source(%dma_start3A_348 : memref<16x128xf32, #tpu.memory_space<vmem_shared>>) target(%dma_start3A_346 : memref<16x128xf32, #tpu.memory_space<hbm>>) target_semaphore(%run_scoped3A_344 : memref<!tpu.dma_semaphore, #tpu.memory_space<semaphore_mem>>)
      %dma_wait3A = arith.constant 0 : i32
      %dma_wait3A_349 = tpu.memref_slice %arg4[%arg0, %add3A_251, %dma_wait3A] : memref<2x10240x128xf32, #tpu.memory_space<hbm>> -> memref<1x16x128xf32, #tpu.memory_space<hbm>>
      %dma_wait3A_350 = tpu.memref_squeeze %dma_wait3A_349 : memref<1x16x128xf32, #tpu.memory_space<hbm>> -> memref<16x128xf32, #tpu.memory_space<hbm>>
      %dma_wait3A_351 = arith.constant 0 : i32
      %dma_wait3A_352 = tpu.memref_slice %arg9[%add3A_251, %dma_wait3A_351] : memref<10240x128xf32, #tpu.memory_space<vmem_shared>> -> memref<16x128xf32, #tpu.memory_space<vmem_shared>>
      tpu.wait_dma2 semaphore(%run_scoped3A_344 : memref<!tpu.dma_semaphore, #tpu.memory_space<semaphore_mem>>) src(%dma_wait3A_352 : memref<16x128xf32, #tpu.memory_space<vmem_shared>>) dst(%dma_wait3A_350 : memref<16x128xf32, #tpu.memory_space<hbm>>)
      tpu.yield
    }) : () -> ()
    %mul3A_252 = arith.constant 640 : i32
    %mul3A_253 = arith.muli %arg1, %mul3A_252 : i32
    %add3A_254 = arith.constant 272 : i32
    %add3A_255 = arith.addi %mul3A_253, %add3A_254 : i32
    "tpu.region"() ({
      %run_scoped3A_344 = tpu.sem_alloc : memref<!tpu.dma_semaphore, #tpu.memory_space<semaphore_mem>>
      %dma_start3A = arith.constant 0 : i32
      %dma_start3A_345 = tpu.memref_slice %arg4[%arg0, %add3A_255, %dma_start3A] : memref<2x10240x128xf32, #tpu.memory_space<hbm>> -> memref<1x16x128xf32, #tpu.memory_space<hbm>>
      %dma_start3A_346 = tpu.memref_squeeze %dma_start3A_345 : memref<1x16x128xf32, #tpu.memory_space<hbm>> -> memref<16x128xf32, #tpu.memory_space<hbm>>
      %dma_start3A_347 = arith.constant 0 : i32
      %dma_start3A_348 = tpu.memref_slice %arg9[%add3A_255, %dma_start3A_347] : memref<10240x128xf32, #tpu.memory_space<vmem_shared>> -> memref<16x128xf32, #tpu.memory_space<vmem_shared>>
      tpu.enqueue_dma source(%dma_start3A_348 : memref<16x128xf32, #tpu.memory_space<vmem_shared>>) target(%dma_start3A_346 : memref<16x128xf32, #tpu.memory_space<hbm>>) target_semaphore(%run_scoped3A_344 : memref<!tpu.dma_semaphore, #tpu.memory_space<semaphore_mem>>)
      %dma_wait3A = arith.constant 0 : i32
      %dma_wait3A_349 = tpu.memref_slice %arg4[%arg0, %add3A_255, %dma_wait3A] : memref<2x10240x128xf32, #tpu.memory_space<hbm>> -> memref<1x16x128xf32, #tpu.memory_space<hbm>>
      %dma_wait3A_350 = tpu.memref_squeeze %dma_wait3A_349 : memref<1x16x128xf32, #tpu.memory_space<hbm>> -> memref<16x128xf32, #tpu.memory_space<hbm>>
      %dma_wait3A_351 = arith.constant 0 : i32
      %dma_wait3A_352 = tpu.memref_slice %arg9[%add3A_255, %dma_wait3A_351] : memref<10240x128xf32, #tpu.memory_space<vmem_shared>> -> memref<16x128xf32, #tpu.memory_space<vmem_shared>>
      tpu.wait_dma2 semaphore(%run_scoped3A_344 : memref<!tpu.dma_semaphore, #tpu.memory_space<semaphore_mem>>) src(%dma_wait3A_352 : memref<16x128xf32, #tpu.memory_space<vmem_shared>>) dst(%dma_wait3A_350 : memref<16x128xf32, #tpu.memory_space<hbm>>)
      tpu.yield
    }) : () -> ()
    %mul3A_256 = arith.constant 640 : i32
    %mul3A_257 = arith.muli %arg1, %mul3A_256 : i32
    %add3A_258 = arith.constant 288 : i32
    %add3A_259 = arith.addi %mul3A_257, %add3A_258 : i32
    "tpu.region"() ({
      %run_scoped3A_344 = tpu.sem_alloc : memref<!tpu.dma_semaphore, #tpu.memory_space<semaphore_mem>>
      %dma_start3A = arith.constant 0 : i32
      %dma_start3A_345 = tpu.memref_slice %arg4[%arg0, %add3A_259, %dma_start3A] : memref<2x10240x128xf32, #tpu.memory_space<hbm>> -> memref<1x16x128xf32, #tpu.memory_space<hbm>>
      %dma_start3A_346 = tpu.memref_squeeze %dma_start3A_345 : memref<1x16x128xf32, #tpu.memory_space<hbm>> -> memref<16x128xf32, #tpu.memory_space<hbm>>
      %dma_start3A_347 = arith.constant 0 : i32
      %dma_start3A_348 = tpu.memref_slice %arg9[%add3A_259, %dma_start3A_347] : memref<10240x128xf32, #tpu.memory_space<vmem_shared>> -> memref<16x128xf32, #tpu.memory_space<vmem_shared>>
      tpu.enqueue_dma source(%dma_start3A_348 : memref<16x128xf32, #tpu.memory_space<vmem_shared>>) target(%dma_start3A_346 : memref<16x128xf32, #tpu.memory_space<hbm>>) target_semaphore(%run_scoped3A_344 : memref<!tpu.dma_semaphore, #tpu.memory_space<semaphore_mem>>)
      %dma_wait3A = arith.constant 0 : i32
      %dma_wait3A_349 = tpu.memref_slice %arg4[%arg0, %add3A_259, %dma_wait3A] : memref<2x10240x128xf32, #tpu.memory_space<hbm>> -> memref<1x16x128xf32, #tpu.memory_space<hbm>>
      %dma_wait3A_350 = tpu.memref_squeeze %dma_wait3A_349 : memref<1x16x128xf32, #tpu.memory_space<hbm>> -> memref<16x128xf32, #tpu.memory_space<hbm>>
      %dma_wait3A_351 = arith.constant 0 : i32
      %dma_wait3A_352 = tpu.memref_slice %arg9[%add3A_259, %dma_wait3A_351] : memref<10240x128xf32, #tpu.memory_space<vmem_shared>> -> memref<16x128xf32, #tpu.memory_space<vmem_shared>>
      tpu.wait_dma2 semaphore(%run_scoped3A_344 : memref<!tpu.dma_semaphore, #tpu.memory_space<semaphore_mem>>) src(%dma_wait3A_352 : memref<16x128xf32, #tpu.memory_space<vmem_shared>>) dst(%dma_wait3A_350 : memref<16x128xf32, #tpu.memory_space<hbm>>)
      tpu.yield
    }) : () -> ()
    %mul3A_260 = arith.constant 640 : i32
    %mul3A_261 = arith.muli %arg1, %mul3A_260 : i32
    %add3A_262 = arith.constant 304 : i32
    %add3A_263 = arith.addi %mul3A_261, %add3A_262 : i32
    "tpu.region"() ({
      %run_scoped3A_344 = tpu.sem_alloc : memref<!tpu.dma_semaphore, #tpu.memory_space<semaphore_mem>>
      %dma_start3A = arith.constant 0 : i32
      %dma_start3A_345 = tpu.memref_slice %arg4[%arg0, %add3A_263, %dma_start3A] : memref<2x10240x128xf32, #tpu.memory_space<hbm>> -> memref<1x16x128xf32, #tpu.memory_space<hbm>>
      %dma_start3A_346 = tpu.memref_squeeze %dma_start3A_345 : memref<1x16x128xf32, #tpu.memory_space<hbm>> -> memref<16x128xf32, #tpu.memory_space<hbm>>
      %dma_start3A_347 = arith.constant 0 : i32
      %dma_start3A_348 = tpu.memref_slice %arg9[%add3A_263, %dma_start3A_347] : memref<10240x128xf32, #tpu.memory_space<vmem_shared>> -> memref<16x128xf32, #tpu.memory_space<vmem_shared>>
      tpu.enqueue_dma source(%dma_start3A_348 : memref<16x128xf32, #tpu.memory_space<vmem_shared>>) target(%dma_start3A_346 : memref<16x128xf32, #tpu.memory_space<hbm>>) target_semaphore(%run_scoped3A_344 : memref<!tpu.dma_semaphore, #tpu.memory_space<semaphore_mem>>)
      %dma_wait3A = arith.constant 0 : i32
      %dma_wait3A_349 = tpu.memref_slice %arg4[%arg0, %add3A_263, %dma_wait3A] : memref<2x10240x128xf32, #tpu.memory_space<hbm>> -> memref<1x16x128xf32, #tpu.memory_space<hbm>>
      %dma_wait3A_350 = tpu.memref_squeeze %dma_wait3A_349 : memref<1x16x128xf32, #tpu.memory_space<hbm>> -> memref<16x128xf32, #tpu.memory_space<hbm>>
      %dma_wait3A_351 = arith.constant 0 : i32
      %dma_wait3A_352 = tpu.memref_slice %arg9[%add3A_263, %dma_wait3A_351] : memref<10240x128xf32, #tpu.memory_space<vmem_shared>> -> memref<16x128xf32, #tpu.memory_space<vmem_shared>>
      tpu.wait_dma2 semaphore(%run_scoped3A_344 : memref<!tpu.dma_semaphore, #tpu.memory_space<semaphore_mem>>) src(%dma_wait3A_352 : memref<16x128xf32, #tpu.memory_space<vmem_shared>>) dst(%dma_wait3A_350 : memref<16x128xf32, #tpu.memory_space<hbm>>)
      tpu.yield
    }) : () -> ()
    %mul3A_264 = arith.constant 640 : i32
    %mul3A_265 = arith.muli %arg1, %mul3A_264 : i32
    %add3A_266 = arith.constant 320 : i32
    %add3A_267 = arith.addi %mul3A_265, %add3A_266 : i32
    "tpu.region"() ({
      %run_scoped3A_344 = tpu.sem_alloc : memref<!tpu.dma_semaphore, #tpu.memory_space<semaphore_mem>>
      %dma_start3A = arith.constant 0 : i32
      %dma_start3A_345 = tpu.memref_slice %arg4[%arg0, %add3A_267, %dma_start3A] : memref<2x10240x128xf32, #tpu.memory_space<hbm>> -> memref<1x16x128xf32, #tpu.memory_space<hbm>>
      %dma_start3A_346 = tpu.memref_squeeze %dma_start3A_345 : memref<1x16x128xf32, #tpu.memory_space<hbm>> -> memref<16x128xf32, #tpu.memory_space<hbm>>
      %dma_start3A_347 = arith.constant 0 : i32
      %dma_start3A_348 = tpu.memref_slice %arg9[%add3A_267, %dma_start3A_347] : memref<10240x128xf32, #tpu.memory_space<vmem_shared>> -> memref<16x128xf32, #tpu.memory_space<vmem_shared>>
      tpu.enqueue_dma source(%dma_start3A_348 : memref<16x128xf32, #tpu.memory_space<vmem_shared>>) target(%dma_start3A_346 : memref<16x128xf32, #tpu.memory_space<hbm>>) target_semaphore(%run_scoped3A_344 : memref<!tpu.dma_semaphore, #tpu.memory_space<semaphore_mem>>)
      %dma_wait3A = arith.constant 0 : i32
      %dma_wait3A_349 = tpu.memref_slice %arg4[%arg0, %add3A_267, %dma_wait3A] : memref<2x10240x128xf32, #tpu.memory_space<hbm>> -> memref<1x16x128xf32, #tpu.memory_space<hbm>>
      %dma_wait3A_350 = tpu.memref_squeeze %dma_wait3A_349 : memref<1x16x128xf32, #tpu.memory_space<hbm>> -> memref<16x128xf32, #tpu.memory_space<hbm>>
      %dma_wait3A_351 = arith.constant 0 : i32
      %dma_wait3A_352 = tpu.memref_slice %arg9[%add3A_267, %dma_wait3A_351] : memref<10240x128xf32, #tpu.memory_space<vmem_shared>> -> memref<16x128xf32, #tpu.memory_space<vmem_shared>>
      tpu.wait_dma2 semaphore(%run_scoped3A_344 : memref<!tpu.dma_semaphore, #tpu.memory_space<semaphore_mem>>) src(%dma_wait3A_352 : memref<16x128xf32, #tpu.memory_space<vmem_shared>>) dst(%dma_wait3A_350 : memref<16x128xf32, #tpu.memory_space<hbm>>)
      tpu.yield
    }) : () -> ()
    %mul3A_268 = arith.constant 640 : i32
    %mul3A_269 = arith.muli %arg1, %mul3A_268 : i32
    %add3A_270 = arith.constant 336 : i32
    %add3A_271 = arith.addi %mul3A_269, %add3A_270 : i32
    "tpu.region"() ({
      %run_scoped3A_344 = tpu.sem_alloc : memref<!tpu.dma_semaphore, #tpu.memory_space<semaphore_mem>>
      %dma_start3A = arith.constant 0 : i32
      %dma_start3A_345 = tpu.memref_slice %arg4[%arg0, %add3A_271, %dma_start3A] : memref<2x10240x128xf32, #tpu.memory_space<hbm>> -> memref<1x16x128xf32, #tpu.memory_space<hbm>>
      %dma_start3A_346 = tpu.memref_squeeze %dma_start3A_345 : memref<1x16x128xf32, #tpu.memory_space<hbm>> -> memref<16x128xf32, #tpu.memory_space<hbm>>
      %dma_start3A_347 = arith.constant 0 : i32
      %dma_start3A_348 = tpu.memref_slice %arg9[%add3A_271, %dma_start3A_347] : memref<10240x128xf32, #tpu.memory_space<vmem_shared>> -> memref<16x128xf32, #tpu.memory_space<vmem_shared>>
      tpu.enqueue_dma source(%dma_start3A_348 : memref<16x128xf32, #tpu.memory_space<vmem_shared>>) target(%dma_start3A_346 : memref<16x128xf32, #tpu.memory_space<hbm>>) target_semaphore(%run_scoped3A_344 : memref<!tpu.dma_semaphore, #tpu.memory_space<semaphore_mem>>)
      %dma_wait3A = arith.constant 0 : i32
      %dma_wait3A_349 = tpu.memref_slice %arg4[%arg0, %add3A_271, %dma_wait3A] : memref<2x10240x128xf32, #tpu.memory_space<hbm>> -> memref<1x16x128xf32, #tpu.memory_space<hbm>>
      %dma_wait3A_350 = tpu.memref_squeeze %dma_wait3A_349 : memref<1x16x128xf32, #tpu.memory_space<hbm>> -> memref<16x128xf32, #tpu.memory_space<hbm>>
      %dma_wait3A_351 = arith.constant 0 : i32
      %dma_wait3A_352 = tpu.memref_slice %arg9[%add3A_271, %dma_wait3A_351] : memref<10240x128xf32, #tpu.memory_space<vmem_shared>> -> memref<16x128xf32, #tpu.memory_space<vmem_shared>>
      tpu.wait_dma2 semaphore(%run_scoped3A_344 : memref<!tpu.dma_semaphore, #tpu.memory_space<semaphore_mem>>) src(%dma_wait3A_352 : memref<16x128xf32, #tpu.memory_space<vmem_shared>>) dst(%dma_wait3A_350 : memref<16x128xf32, #tpu.memory_space<hbm>>)
      tpu.yield
    }) : () -> ()
    %mul3A_272 = arith.constant 640 : i32
    %mul3A_273 = arith.muli %arg1, %mul3A_272 : i32
    %add3A_274 = arith.constant 352 : i32
    %add3A_275 = arith.addi %mul3A_273, %add3A_274 : i32
    "tpu.region"() ({
      %run_scoped3A_344 = tpu.sem_alloc : memref<!tpu.dma_semaphore, #tpu.memory_space<semaphore_mem>>
      %dma_start3A = arith.constant 0 : i32
      %dma_start3A_345 = tpu.memref_slice %arg4[%arg0, %add3A_275, %dma_start3A] : memref<2x10240x128xf32, #tpu.memory_space<hbm>> -> memref<1x16x128xf32, #tpu.memory_space<hbm>>
      %dma_start3A_346 = tpu.memref_squeeze %dma_start3A_345 : memref<1x16x128xf32, #tpu.memory_space<hbm>> -> memref<16x128xf32, #tpu.memory_space<hbm>>
      %dma_start3A_347 = arith.constant 0 : i32
      %dma_start3A_348 = tpu.memref_slice %arg9[%add3A_275, %dma_start3A_347] : memref<10240x128xf32, #tpu.memory_space<vmem_shared>> -> memref<16x128xf32, #tpu.memory_space<vmem_shared>>
      tpu.enqueue_dma source(%dma_start3A_348 : memref<16x128xf32, #tpu.memory_space<vmem_shared>>) target(%dma_start3A_346 : memref<16x128xf32, #tpu.memory_space<hbm>>) target_semaphore(%run_scoped3A_344 : memref<!tpu.dma_semaphore, #tpu.memory_space<semaphore_mem>>)
      %dma_wait3A = arith.constant 0 : i32
      %dma_wait3A_349 = tpu.memref_slice %arg4[%arg0, %add3A_275, %dma_wait3A] : memref<2x10240x128xf32, #tpu.memory_space<hbm>> -> memref<1x16x128xf32, #tpu.memory_space<hbm>>
      %dma_wait3A_350 = tpu.memref_squeeze %dma_wait3A_349 : memref<1x16x128xf32, #tpu.memory_space<hbm>> -> memref<16x128xf32, #tpu.memory_space<hbm>>
      %dma_wait3A_351 = arith.constant 0 : i32
      %dma_wait3A_352 = tpu.memref_slice %arg9[%add3A_275, %dma_wait3A_351] : memref<10240x128xf32, #tpu.memory_space<vmem_shared>> -> memref<16x128xf32, #tpu.memory_space<vmem_shared>>
      tpu.wait_dma2 semaphore(%run_scoped3A_344 : memref<!tpu.dma_semaphore, #tpu.memory_space<semaphore_mem>>) src(%dma_wait3A_352 : memref<16x128xf32, #tpu.memory_space<vmem_shared>>) dst(%dma_wait3A_350 : memref<16x128xf32, #tpu.memory_space<hbm>>)
      tpu.yield
    }) : () -> ()
    %mul3A_276 = arith.constant 640 : i32
    %mul3A_277 = arith.muli %arg1, %mul3A_276 : i32
    %add3A_278 = arith.constant 368 : i32
    %add3A_279 = arith.addi %mul3A_277, %add3A_278 : i32
    "tpu.region"() ({
      %run_scoped3A_344 = tpu.sem_alloc : memref<!tpu.dma_semaphore, #tpu.memory_space<semaphore_mem>>
      %dma_start3A = arith.constant 0 : i32
      %dma_start3A_345 = tpu.memref_slice %arg4[%arg0, %add3A_279, %dma_start3A] : memref<2x10240x128xf32, #tpu.memory_space<hbm>> -> memref<1x16x128xf32, #tpu.memory_space<hbm>>
      %dma_start3A_346 = tpu.memref_squeeze %dma_start3A_345 : memref<1x16x128xf32, #tpu.memory_space<hbm>> -> memref<16x128xf32, #tpu.memory_space<hbm>>
      %dma_start3A_347 = arith.constant 0 : i32
      %dma_start3A_348 = tpu.memref_slice %arg9[%add3A_279, %dma_start3A_347] : memref<10240x128xf32, #tpu.memory_space<vmem_shared>> -> memref<16x128xf32, #tpu.memory_space<vmem_shared>>
      tpu.enqueue_dma source(%dma_start3A_348 : memref<16x128xf32, #tpu.memory_space<vmem_shared>>) target(%dma_start3A_346 : memref<16x128xf32, #tpu.memory_space<hbm>>) target_semaphore(%run_scoped3A_344 : memref<!tpu.dma_semaphore, #tpu.memory_space<semaphore_mem>>)
      %dma_wait3A = arith.constant 0 : i32
      %dma_wait3A_349 = tpu.memref_slice %arg4[%arg0, %add3A_279, %dma_wait3A] : memref<2x10240x128xf32, #tpu.memory_space<hbm>> -> memref<1x16x128xf32, #tpu.memory_space<hbm>>
      %dma_wait3A_350 = tpu.memref_squeeze %dma_wait3A_349 : memref<1x16x128xf32, #tpu.memory_space<hbm>> -> memref<16x128xf32, #tpu.memory_space<hbm>>
      %dma_wait3A_351 = arith.constant 0 : i32
      %dma_wait3A_352 = tpu.memref_slice %arg9[%add3A_279, %dma_wait3A_351] : memref<10240x128xf32, #tpu.memory_space<vmem_shared>> -> memref<16x128xf32, #tpu.memory_space<vmem_shared>>
      tpu.wait_dma2 semaphore(%run_scoped3A_344 : memref<!tpu.dma_semaphore, #tpu.memory_space<semaphore_mem>>) src(%dma_wait3A_352 : memref<16x128xf32, #tpu.memory_space<vmem_shared>>) dst(%dma_wait3A_350 : memref<16x128xf32, #tpu.memory_space<hbm>>)
      tpu.yield
    }) : () -> ()
    %mul3A_280 = arith.constant 640 : i32
    %mul3A_281 = arith.muli %arg1, %mul3A_280 : i32
    %add3A_282 = arith.constant 384 : i32
    %add3A_283 = arith.addi %mul3A_281, %add3A_282 : i32
    "tpu.region"() ({
      %run_scoped3A_344 = tpu.sem_alloc : memref<!tpu.dma_semaphore, #tpu.memory_space<semaphore_mem>>
      %dma_start3A = arith.constant 0 : i32
      %dma_start3A_345 = tpu.memref_slice %arg4[%arg0, %add3A_283, %dma_start3A] : memref<2x10240x128xf32, #tpu.memory_space<hbm>> -> memref<1x16x128xf32, #tpu.memory_space<hbm>>
      %dma_start3A_346 = tpu.memref_squeeze %dma_start3A_345 : memref<1x16x128xf32, #tpu.memory_space<hbm>> -> memref<16x128xf32, #tpu.memory_space<hbm>>
      %dma_start3A_347 = arith.constant 0 : i32
      %dma_start3A_348 = tpu.memref_slice %arg9[%add3A_283, %dma_start3A_347] : memref<10240x128xf32, #tpu.memory_space<vmem_shared>> -> memref<16x128xf32, #tpu.memory_space<vmem_shared>>
      tpu.enqueue_dma source(%dma_start3A_348 : memref<16x128xf32, #tpu.memory_space<vmem_shared>>) target(%dma_start3A_346 : memref<16x128xf32, #tpu.memory_space<hbm>>) target_semaphore(%run_scoped3A_344 : memref<!tpu.dma_semaphore, #tpu.memory_space<semaphore_mem>>)
      %dma_wait3A = arith.constant 0 : i32
      %dma_wait3A_349 = tpu.memref_slice %arg4[%arg0, %add3A_283, %dma_wait3A] : memref<2x10240x128xf32, #tpu.memory_space<hbm>> -> memref<1x16x128xf32, #tpu.memory_space<hbm>>
      %dma_wait3A_350 = tpu.memref_squeeze %dma_wait3A_349 : memref<1x16x128xf32, #tpu.memory_space<hbm>> -> memref<16x128xf32, #tpu.memory_space<hbm>>
      %dma_wait3A_351 = arith.constant 0 : i32
      %dma_wait3A_352 = tpu.memref_slice %arg9[%add3A_283, %dma_wait3A_351] : memref<10240x128xf32, #tpu.memory_space<vmem_shared>> -> memref<16x128xf32, #tpu.memory_space<vmem_shared>>
      tpu.wait_dma2 semaphore(%run_scoped3A_344 : memref<!tpu.dma_semaphore, #tpu.memory_space<semaphore_mem>>) src(%dma_wait3A_352 : memref<16x128xf32, #tpu.memory_space<vmem_shared>>) dst(%dma_wait3A_350 : memref<16x128xf32, #tpu.memory_space<hbm>>)
      tpu.yield
    }) : () -> ()
    %mul3A_284 = arith.constant 640 : i32
    %mul3A_285 = arith.muli %arg1, %mul3A_284 : i32
    %add3A_286 = arith.constant 400 : i32
    %add3A_287 = arith.addi %mul3A_285, %add3A_286 : i32
    "tpu.region"() ({
      %run_scoped3A_344 = tpu.sem_alloc : memref<!tpu.dma_semaphore, #tpu.memory_space<semaphore_mem>>
      %dma_start3A = arith.constant 0 : i32
      %dma_start3A_345 = tpu.memref_slice %arg4[%arg0, %add3A_287, %dma_start3A] : memref<2x10240x128xf32, #tpu.memory_space<hbm>> -> memref<1x16x128xf32, #tpu.memory_space<hbm>>
      %dma_start3A_346 = tpu.memref_squeeze %dma_start3A_345 : memref<1x16x128xf32, #tpu.memory_space<hbm>> -> memref<16x128xf32, #tpu.memory_space<hbm>>
      %dma_start3A_347 = arith.constant 0 : i32
      %dma_start3A_348 = tpu.memref_slice %arg9[%add3A_287, %dma_start3A_347] : memref<10240x128xf32, #tpu.memory_space<vmem_shared>> -> memref<16x128xf32, #tpu.memory_space<vmem_shared>>
      tpu.enqueue_dma source(%dma_start3A_348 : memref<16x128xf32, #tpu.memory_space<vmem_shared>>) target(%dma_start3A_346 : memref<16x128xf32, #tpu.memory_space<hbm>>) target_semaphore(%run_scoped3A_344 : memref<!tpu.dma_semaphore, #tpu.memory_space<semaphore_mem>>)
      %dma_wait3A = arith.constant 0 : i32
      %dma_wait3A_349 = tpu.memref_slice %arg4[%arg0, %add3A_287, %dma_wait3A] : memref<2x10240x128xf32, #tpu.memory_space<hbm>> -> memref<1x16x128xf32, #tpu.memory_space<hbm>>
      %dma_wait3A_350 = tpu.memref_squeeze %dma_wait3A_349 : memref<1x16x128xf32, #tpu.memory_space<hbm>> -> memref<16x128xf32, #tpu.memory_space<hbm>>
      %dma_wait3A_351 = arith.constant 0 : i32
      %dma_wait3A_352 = tpu.memref_slice %arg9[%add3A_287, %dma_wait3A_351] : memref<10240x128xf32, #tpu.memory_space<vmem_shared>> -> memref<16x128xf32, #tpu.memory_space<vmem_shared>>
      tpu.wait_dma2 semaphore(%run_scoped3A_344 : memref<!tpu.dma_semaphore, #tpu.memory_space<semaphore_mem>>) src(%dma_wait3A_352 : memref<16x128xf32, #tpu.memory_space<vmem_shared>>) dst(%dma_wait3A_350 : memref<16x128xf32, #tpu.memory_space<hbm>>)
      tpu.yield
    }) : () -> ()
    %mul3A_288 = arith.constant 640 : i32
    %mul3A_289 = arith.muli %arg1, %mul3A_288 : i32
    %add3A_290 = arith.constant 416 : i32
    %add3A_291 = arith.addi %mul3A_289, %add3A_290 : i32
    "tpu.region"() ({
      %run_scoped3A_344 = tpu.sem_alloc : memref<!tpu.dma_semaphore, #tpu.memory_space<semaphore_mem>>
      %dma_start3A = arith.constant 0 : i32
      %dma_start3A_345 = tpu.memref_slice %arg4[%arg0, %add3A_291, %dma_start3A] : memref<2x10240x128xf32, #tpu.memory_space<hbm>> -> memref<1x16x128xf32, #tpu.memory_space<hbm>>
      %dma_start3A_346 = tpu.memref_squeeze %dma_start3A_345 : memref<1x16x128xf32, #tpu.memory_space<hbm>> -> memref<16x128xf32, #tpu.memory_space<hbm>>
      %dma_start3A_347 = arith.constant 0 : i32
      %dma_start3A_348 = tpu.memref_slice %arg9[%add3A_291, %dma_start3A_347] : memref<10240x128xf32, #tpu.memory_space<vmem_shared>> -> memref<16x128xf32, #tpu.memory_space<vmem_shared>>
      tpu.enqueue_dma source(%dma_start3A_348 : memref<16x128xf32, #tpu.memory_space<vmem_shared>>) target(%dma_start3A_346 : memref<16x128xf32, #tpu.memory_space<hbm>>) target_semaphore(%run_scoped3A_344 : memref<!tpu.dma_semaphore, #tpu.memory_space<semaphore_mem>>)
      %dma_wait3A = arith.constant 0 : i32
      %dma_wait3A_349 = tpu.memref_slice %arg4[%arg0, %add3A_291, %dma_wait3A] : memref<2x10240x128xf32, #tpu.memory_space<hbm>> -> memref<1x16x128xf32, #tpu.memory_space<hbm>>
      %dma_wait3A_350 = tpu.memref_squeeze %dma_wait3A_349 : memref<1x16x128xf32, #tpu.memory_space<hbm>> -> memref<16x128xf32, #tpu.memory_space<hbm>>
      %dma_wait3A_351 = arith.constant 0 : i32
      %dma_wait3A_352 = tpu.memref_slice %arg9[%add3A_291, %dma_wait3A_351] : memref<10240x128xf32, #tpu.memory_space<vmem_shared>> -> memref<16x128xf32, #tpu.memory_space<vmem_shared>>
      tpu.wait_dma2 semaphore(%run_scoped3A_344 : memref<!tpu.dma_semaphore, #tpu.memory_space<semaphore_mem>>) src(%dma_wait3A_352 : memref<16x128xf32, #tpu.memory_space<vmem_shared>>) dst(%dma_wait3A_350 : memref<16x128xf32, #tpu.memory_space<hbm>>)
      tpu.yield
    }) : () -> ()
    %mul3A_292 = arith.constant 640 : i32
    %mul3A_293 = arith.muli %arg1, %mul3A_292 : i32
    %add3A_294 = arith.constant 432 : i32
    %add3A_295 = arith.addi %mul3A_293, %add3A_294 : i32
    "tpu.region"() ({
      %run_scoped3A_344 = tpu.sem_alloc : memref<!tpu.dma_semaphore, #tpu.memory_space<semaphore_mem>>
      %dma_start3A = arith.constant 0 : i32
      %dma_start3A_345 = tpu.memref_slice %arg4[%arg0, %add3A_295, %dma_start3A] : memref<2x10240x128xf32, #tpu.memory_space<hbm>> -> memref<1x16x128xf32, #tpu.memory_space<hbm>>
      %dma_start3A_346 = tpu.memref_squeeze %dma_start3A_345 : memref<1x16x128xf32, #tpu.memory_space<hbm>> -> memref<16x128xf32, #tpu.memory_space<hbm>>
      %dma_start3A_347 = arith.constant 0 : i32
      %dma_start3A_348 = tpu.memref_slice %arg9[%add3A_295, %dma_start3A_347] : memref<10240x128xf32, #tpu.memory_space<vmem_shared>> -> memref<16x128xf32, #tpu.memory_space<vmem_shared>>
      tpu.enqueue_dma source(%dma_start3A_348 : memref<16x128xf32, #tpu.memory_space<vmem_shared>>) target(%dma_start3A_346 : memref<16x128xf32, #tpu.memory_space<hbm>>) target_semaphore(%run_scoped3A_344 : memref<!tpu.dma_semaphore, #tpu.memory_space<semaphore_mem>>)
      %dma_wait3A = arith.constant 0 : i32
      %dma_wait3A_349 = tpu.memref_slice %arg4[%arg0, %add3A_295, %dma_wait3A] : memref<2x10240x128xf32, #tpu.memory_space<hbm>> -> memref<1x16x128xf32, #tpu.memory_space<hbm>>
      %dma_wait3A_350 = tpu.memref_squeeze %dma_wait3A_349 : memref<1x16x128xf32, #tpu.memory_space<hbm>> -> memref<16x128xf32, #tpu.memory_space<hbm>>
      %dma_wait3A_351 = arith.constant 0 : i32
      %dma_wait3A_352 = tpu.memref_slice %arg9[%add3A_295, %dma_wait3A_351] : memref<10240x128xf32, #tpu.memory_space<vmem_shared>> -> memref<16x128xf32, #tpu.memory_space<vmem_shared>>
      tpu.wait_dma2 semaphore(%run_scoped3A_344 : memref<!tpu.dma_semaphore, #tpu.memory_space<semaphore_mem>>) src(%dma_wait3A_352 : memref<16x128xf32, #tpu.memory_space<vmem_shared>>) dst(%dma_wait3A_350 : memref<16x128xf32, #tpu.memory_space<hbm>>)
      tpu.yield
    }) : () -> ()
    %mul3A_296 = arith.constant 640 : i32
    %mul3A_297 = arith.muli %arg1, %mul3A_296 : i32
    %add3A_298 = arith.constant 448 : i32
    %add3A_299 = arith.addi %mul3A_297, %add3A_298 : i32
    "tpu.region"() ({
      %run_scoped3A_344 = tpu.sem_alloc : memref<!tpu.dma_semaphore, #tpu.memory_space<semaphore_mem>>
      %dma_start3A = arith.constant 0 : i32
      %dma_start3A_345 = tpu.memref_slice %arg4[%arg0, %add3A_299, %dma_start3A] : memref<2x10240x128xf32, #tpu.memory_space<hbm>> -> memref<1x16x128xf32, #tpu.memory_space<hbm>>
      %dma_start3A_346 = tpu.memref_squeeze %dma_start3A_345 : memref<1x16x128xf32, #tpu.memory_space<hbm>> -> memref<16x128xf32, #tpu.memory_space<hbm>>
      %dma_start3A_347 = arith.constant 0 : i32
      %dma_start3A_348 = tpu.memref_slice %arg9[%add3A_299, %dma_start3A_347] : memref<10240x128xf32, #tpu.memory_space<vmem_shared>> -> memref<16x128xf32, #tpu.memory_space<vmem_shared>>
      tpu.enqueue_dma source(%dma_start3A_348 : memref<16x128xf32, #tpu.memory_space<vmem_shared>>) target(%dma_start3A_346 : memref<16x128xf32, #tpu.memory_space<hbm>>) target_semaphore(%run_scoped3A_344 : memref<!tpu.dma_semaphore, #tpu.memory_space<semaphore_mem>>)
      %dma_wait3A = arith.constant 0 : i32
      %dma_wait3A_349 = tpu.memref_slice %arg4[%arg0, %add3A_299, %dma_wait3A] : memref<2x10240x128xf32, #tpu.memory_space<hbm>> -> memref<1x16x128xf32, #tpu.memory_space<hbm>>
      %dma_wait3A_350 = tpu.memref_squeeze %dma_wait3A_349 : memref<1x16x128xf32, #tpu.memory_space<hbm>> -> memref<16x128xf32, #tpu.memory_space<hbm>>
      %dma_wait3A_351 = arith.constant 0 : i32
      %dma_wait3A_352 = tpu.memref_slice %arg9[%add3A_299, %dma_wait3A_351] : memref<10240x128xf32, #tpu.memory_space<vmem_shared>> -> memref<16x128xf32, #tpu.memory_space<vmem_shared>>
      tpu.wait_dma2 semaphore(%run_scoped3A_344 : memref<!tpu.dma_semaphore, #tpu.memory_space<semaphore_mem>>) src(%dma_wait3A_352 : memref<16x128xf32, #tpu.memory_space<vmem_shared>>) dst(%dma_wait3A_350 : memref<16x128xf32, #tpu.memory_space<hbm>>)
      tpu.yield
    }) : () -> ()
    %mul3A_300 = arith.constant 640 : i32
    %mul3A_301 = arith.muli %arg1, %mul3A_300 : i32
    %add3A_302 = arith.constant 464 : i32
    %add3A_303 = arith.addi %mul3A_301, %add3A_302 : i32
    "tpu.region"() ({
      %run_scoped3A_344 = tpu.sem_alloc : memref<!tpu.dma_semaphore, #tpu.memory_space<semaphore_mem>>
      %dma_start3A = arith.constant 0 : i32
      %dma_start3A_345 = tpu.memref_slice %arg4[%arg0, %add3A_303, %dma_start3A] : memref<2x10240x128xf32, #tpu.memory_space<hbm>> -> memref<1x16x128xf32, #tpu.memory_space<hbm>>
      %dma_start3A_346 = tpu.memref_squeeze %dma_start3A_345 : memref<1x16x128xf32, #tpu.memory_space<hbm>> -> memref<16x128xf32, #tpu.memory_space<hbm>>
      %dma_start3A_347 = arith.constant 0 : i32
      %dma_start3A_348 = tpu.memref_slice %arg9[%add3A_303, %dma_start3A_347] : memref<10240x128xf32, #tpu.memory_space<vmem_shared>> -> memref<16x128xf32, #tpu.memory_space<vmem_shared>>
      tpu.enqueue_dma source(%dma_start3A_348 : memref<16x128xf32, #tpu.memory_space<vmem_shared>>) target(%dma_start3A_346 : memref<16x128xf32, #tpu.memory_space<hbm>>) target_semaphore(%run_scoped3A_344 : memref<!tpu.dma_semaphore, #tpu.memory_space<semaphore_mem>>)
      %dma_wait3A = arith.constant 0 : i32
      %dma_wait3A_349 = tpu.memref_slice %arg4[%arg0, %add3A_303, %dma_wait3A] : memref<2x10240x128xf32, #tpu.memory_space<hbm>> -> memref<1x16x128xf32, #tpu.memory_space<hbm>>
      %dma_wait3A_350 = tpu.memref_squeeze %dma_wait3A_349 : memref<1x16x128xf32, #tpu.memory_space<hbm>> -> memref<16x128xf32, #tpu.memory_space<hbm>>
      %dma_wait3A_351 = arith.constant 0 : i32
      %dma_wait3A_352 = tpu.memref_slice %arg9[%add3A_303, %dma_wait3A_351] : memref<10240x128xf32, #tpu.memory_space<vmem_shared>> -> memref<16x128xf32, #tpu.memory_space<vmem_shared>>
      tpu.wait_dma2 semaphore(%run_scoped3A_344 : memref<!tpu.dma_semaphore, #tpu.memory_space<semaphore_mem>>) src(%dma_wait3A_352 : memref<16x128xf32, #tpu.memory_space<vmem_shared>>) dst(%dma_wait3A_350 : memref<16x128xf32, #tpu.memory_space<hbm>>)
      tpu.yield
    }) : () -> ()
    %mul3A_304 = arith.constant 640 : i32
    %mul3A_305 = arith.muli %arg1, %mul3A_304 : i32
    %add3A_306 = arith.constant 480 : i32
    %add3A_307 = arith.addi %mul3A_305, %add3A_306 : i32
    "tpu.region"() ({
      %run_scoped3A_344 = tpu.sem_alloc : memref<!tpu.dma_semaphore, #tpu.memory_space<semaphore_mem>>
      %dma_start3A = arith.constant 0 : i32
      %dma_start3A_345 = tpu.memref_slice %arg4[%arg0, %add3A_307, %dma_start3A] : memref<2x10240x128xf32, #tpu.memory_space<hbm>> -> memref<1x16x128xf32, #tpu.memory_space<hbm>>
      %dma_start3A_346 = tpu.memref_squeeze %dma_start3A_345 : memref<1x16x128xf32, #tpu.memory_space<hbm>> -> memref<16x128xf32, #tpu.memory_space<hbm>>
      %dma_start3A_347 = arith.constant 0 : i32
      %dma_start3A_348 = tpu.memref_slice %arg9[%add3A_307, %dma_start3A_347] : memref<10240x128xf32, #tpu.memory_space<vmem_shared>> -> memref<16x128xf32, #tpu.memory_space<vmem_shared>>
      tpu.enqueue_dma source(%dma_start3A_348 : memref<16x128xf32, #tpu.memory_space<vmem_shared>>) target(%dma_start3A_346 : memref<16x128xf32, #tpu.memory_space<hbm>>) target_semaphore(%run_scoped3A_344 : memref<!tpu.dma_semaphore, #tpu.memory_space<semaphore_mem>>)
      %dma_wait3A = arith.constant 0 : i32
      %dma_wait3A_349 = tpu.memref_slice %arg4[%arg0, %add3A_307, %dma_wait3A] : memref<2x10240x128xf32, #tpu.memory_space<hbm>> -> memref<1x16x128xf32, #tpu.memory_space<hbm>>
      %dma_wait3A_350 = tpu.memref_squeeze %dma_wait3A_349 : memref<1x16x128xf32, #tpu.memory_space<hbm>> -> memref<16x128xf32, #tpu.memory_space<hbm>>
      %dma_wait3A_351 = arith.constant 0 : i32
      %dma_wait3A_352 = tpu.memref_slice %arg9[%add3A_307, %dma_wait3A_351] : memref<10240x128xf32, #tpu.memory_space<vmem_shared>> -> memref<16x128xf32, #tpu.memory_space<vmem_shared>>
      tpu.wait_dma2 semaphore(%run_scoped3A_344 : memref<!tpu.dma_semaphore, #tpu.memory_space<semaphore_mem>>) src(%dma_wait3A_352 : memref<16x128xf32, #tpu.memory_space<vmem_shared>>) dst(%dma_wait3A_350 : memref<16x128xf32, #tpu.memory_space<hbm>>)
      tpu.yield
    }) : () -> ()
    %mul3A_308 = arith.constant 640 : i32
    %mul3A_309 = arith.muli %arg1, %mul3A_308 : i32
    %add3A_310 = arith.constant 496 : i32
    %add3A_311 = arith.addi %mul3A_309, %add3A_310 : i32
    "tpu.region"() ({
      %run_scoped3A_344 = tpu.sem_alloc : memref<!tpu.dma_semaphore, #tpu.memory_space<semaphore_mem>>
      %dma_start3A = arith.constant 0 : i32
      %dma_start3A_345 = tpu.memref_slice %arg4[%arg0, %add3A_311, %dma_start3A] : memref<2x10240x128xf32, #tpu.memory_space<hbm>> -> memref<1x16x128xf32, #tpu.memory_space<hbm>>
      %dma_start3A_346 = tpu.memref_squeeze %dma_start3A_345 : memref<1x16x128xf32, #tpu.memory_space<hbm>> -> memref<16x128xf32, #tpu.memory_space<hbm>>
      %dma_start3A_347 = arith.constant 0 : i32
      %dma_start3A_348 = tpu.memref_slice %arg9[%add3A_311, %dma_start3A_347] : memref<10240x128xf32, #tpu.memory_space<vmem_shared>> -> memref<16x128xf32, #tpu.memory_space<vmem_shared>>
      tpu.enqueue_dma source(%dma_start3A_348 : memref<16x128xf32, #tpu.memory_space<vmem_shared>>) target(%dma_start3A_346 : memref<16x128xf32, #tpu.memory_space<hbm>>) target_semaphore(%run_scoped3A_344 : memref<!tpu.dma_semaphore, #tpu.memory_space<semaphore_mem>>)
      %dma_wait3A = arith.constant 0 : i32
      %dma_wait3A_349 = tpu.memref_slice %arg4[%arg0, %add3A_311, %dma_wait3A] : memref<2x10240x128xf32, #tpu.memory_space<hbm>> -> memref<1x16x128xf32, #tpu.memory_space<hbm>>
      %dma_wait3A_350 = tpu.memref_squeeze %dma_wait3A_349 : memref<1x16x128xf32, #tpu.memory_space<hbm>> -> memref<16x128xf32, #tpu.memory_space<hbm>>
      %dma_wait3A_351 = arith.constant 0 : i32
      %dma_wait3A_352 = tpu.memref_slice %arg9[%add3A_311, %dma_wait3A_351] : memref<10240x128xf32, #tpu.memory_space<vmem_shared>> -> memref<16x128xf32, #tpu.memory_space<vmem_shared>>
      tpu.wait_dma2 semaphore(%run_scoped3A_344 : memref<!tpu.dma_semaphore, #tpu.memory_space<semaphore_mem>>) src(%dma_wait3A_352 : memref<16x128xf32, #tpu.memory_space<vmem_shared>>) dst(%dma_wait3A_350 : memref<16x128xf32, #tpu.memory_space<hbm>>)
      tpu.yield
    }) : () -> ()
    %mul3A_312 = arith.constant 640 : i32
    %mul3A_313 = arith.muli %arg1, %mul3A_312 : i32
    %add3A_314 = arith.constant 512 : i32
    %add3A_315 = arith.addi %mul3A_313, %add3A_314 : i32
    "tpu.region"() ({
      %run_scoped3A_344 = tpu.sem_alloc : memref<!tpu.dma_semaphore, #tpu.memory_space<semaphore_mem>>
      %dma_start3A = arith.constant 0 : i32
      %dma_start3A_345 = tpu.memref_slice %arg4[%arg0, %add3A_315, %dma_start3A] : memref<2x10240x128xf32, #tpu.memory_space<hbm>> -> memref<1x16x128xf32, #tpu.memory_space<hbm>>
      %dma_start3A_346 = tpu.memref_squeeze %dma_start3A_345 : memref<1x16x128xf32, #tpu.memory_space<hbm>> -> memref<16x128xf32, #tpu.memory_space<hbm>>
      %dma_start3A_347 = arith.constant 0 : i32
      %dma_start3A_348 = tpu.memref_slice %arg9[%add3A_315, %dma_start3A_347] : memref<10240x128xf32, #tpu.memory_space<vmem_shared>> -> memref<16x128xf32, #tpu.memory_space<vmem_shared>>
      tpu.enqueue_dma source(%dma_start3A_348 : memref<16x128xf32, #tpu.memory_space<vmem_shared>>) target(%dma_start3A_346 : memref<16x128xf32, #tpu.memory_space<hbm>>) target_semaphore(%run_scoped3A_344 : memref<!tpu.dma_semaphore, #tpu.memory_space<semaphore_mem>>)
      %dma_wait3A = arith.constant 0 : i32
      %dma_wait3A_349 = tpu.memref_slice %arg4[%arg0, %add3A_315, %dma_wait3A] : memref<2x10240x128xf32, #tpu.memory_space<hbm>> -> memref<1x16x128xf32, #tpu.memory_space<hbm>>
      %dma_wait3A_350 = tpu.memref_squeeze %dma_wait3A_349 : memref<1x16x128xf32, #tpu.memory_space<hbm>> -> memref<16x128xf32, #tpu.memory_space<hbm>>
      %dma_wait3A_351 = arith.constant 0 : i32
      %dma_wait3A_352 = tpu.memref_slice %arg9[%add3A_315, %dma_wait3A_351] : memref<10240x128xf32, #tpu.memory_space<vmem_shared>> -> memref<16x128xf32, #tpu.memory_space<vmem_shared>>
      tpu.wait_dma2 semaphore(%run_scoped3A_344 : memref<!tpu.dma_semaphore, #tpu.memory_space<semaphore_mem>>) src(%dma_wait3A_352 : memref<16x128xf32, #tpu.memory_space<vmem_shared>>) dst(%dma_wait3A_350 : memref<16x128xf32, #tpu.memory_space<hbm>>)
      tpu.yield
    }) : () -> ()
    %mul3A_316 = arith.constant 640 : i32
    %mul3A_317 = arith.muli %arg1, %mul3A_316 : i32
    %add3A_318 = arith.constant 528 : i32
    %add3A_319 = arith.addi %mul3A_317, %add3A_318 : i32
    "tpu.region"() ({
      %run_scoped3A_344 = tpu.sem_alloc : memref<!tpu.dma_semaphore, #tpu.memory_space<semaphore_mem>>
      %dma_start3A = arith.constant 0 : i32
      %dma_start3A_345 = tpu.memref_slice %arg4[%arg0, %add3A_319, %dma_start3A] : memref<2x10240x128xf32, #tpu.memory_space<hbm>> -> memref<1x16x128xf32, #tpu.memory_space<hbm>>
      %dma_start3A_346 = tpu.memref_squeeze %dma_start3A_345 : memref<1x16x128xf32, #tpu.memory_space<hbm>> -> memref<16x128xf32, #tpu.memory_space<hbm>>
      %dma_start3A_347 = arith.constant 0 : i32
      %dma_start3A_348 = tpu.memref_slice %arg9[%add3A_319, %dma_start3A_347] : memref<10240x128xf32, #tpu.memory_space<vmem_shared>> -> memref<16x128xf32, #tpu.memory_space<vmem_shared>>
      tpu.enqueue_dma source(%dma_start3A_348 : memref<16x128xf32, #tpu.memory_space<vmem_shared>>) target(%dma_start3A_346 : memref<16x128xf32, #tpu.memory_space<hbm>>) target_semaphore(%run_scoped3A_344 : memref<!tpu.dma_semaphore, #tpu.memory_space<semaphore_mem>>)
      %dma_wait3A = arith.constant 0 : i32
      %dma_wait3A_349 = tpu.memref_slice %arg4[%arg0, %add3A_319, %dma_wait3A] : memref<2x10240x128xf32, #tpu.memory_space<hbm>> -> memref<1x16x128xf32, #tpu.memory_space<hbm>>
      %dma_wait3A_350 = tpu.memref_squeeze %dma_wait3A_349 : memref<1x16x128xf32, #tpu.memory_space<hbm>> -> memref<16x128xf32, #tpu.memory_space<hbm>>
      %dma_wait3A_351 = arith.constant 0 : i32
      %dma_wait3A_352 = tpu.memref_slice %arg9[%add3A_319, %dma_wait3A_351] : memref<10240x128xf32, #tpu.memory_space<vmem_shared>> -> memref<16x128xf32, #tpu.memory_space<vmem_shared>>
      tpu.wait_dma2 semaphore(%run_scoped3A_344 : memref<!tpu.dma_semaphore, #tpu.memory_space<semaphore_mem>>) src(%dma_wait3A_352 : memref<16x128xf32, #tpu.memory_space<vmem_shared>>) dst(%dma_wait3A_350 : memref<16x128xf32, #tpu.memory_space<hbm>>)
      tpu.yield
    }) : () -> ()
    %mul3A_320 = arith.constant 640 : i32
    %mul3A_321 = arith.muli %arg1, %mul3A_320 : i32
    %add3A_322 = arith.constant 544 : i32
    %add3A_323 = arith.addi %mul3A_321, %add3A_322 : i32
    "tpu.region"() ({
      %run_scoped3A_344 = tpu.sem_alloc : memref<!tpu.dma_semaphore, #tpu.memory_space<semaphore_mem>>
      %dma_start3A = arith.constant 0 : i32
      %dma_start3A_345 = tpu.memref_slice %arg4[%arg0, %add3A_323, %dma_start3A] : memref<2x10240x128xf32, #tpu.memory_space<hbm>> -> memref<1x16x128xf32, #tpu.memory_space<hbm>>
      %dma_start3A_346 = tpu.memref_squeeze %dma_start3A_345 : memref<1x16x128xf32, #tpu.memory_space<hbm>> -> memref<16x128xf32, #tpu.memory_space<hbm>>
      %dma_start3A_347 = arith.constant 0 : i32
      %dma_start3A_348 = tpu.memref_slice %arg9[%add3A_323, %dma_start3A_347] : memref<10240x128xf32, #tpu.memory_space<vmem_shared>> -> memref<16x128xf32, #tpu.memory_space<vmem_shared>>
      tpu.enqueue_dma source(%dma_start3A_348 : memref<16x128xf32, #tpu.memory_space<vmem_shared>>) target(%dma_start3A_346 : memref<16x128xf32, #tpu.memory_space<hbm>>) target_semaphore(%run_scoped3A_344 : memref<!tpu.dma_semaphore, #tpu.memory_space<semaphore_mem>>)
      %dma_wait3A = arith.constant 0 : i32
      %dma_wait3A_349 = tpu.memref_slice %arg4[%arg0, %add3A_323, %dma_wait3A] : memref<2x10240x128xf32, #tpu.memory_space<hbm>> -> memref<1x16x128xf32, #tpu.memory_space<hbm>>
      %dma_wait3A_350 = tpu.memref_squeeze %dma_wait3A_349 : memref<1x16x128xf32, #tpu.memory_space<hbm>> -> memref<16x128xf32, #tpu.memory_space<hbm>>
      %dma_wait3A_351 = arith.constant 0 : i32
      %dma_wait3A_352 = tpu.memref_slice %arg9[%add3A_323, %dma_wait3A_351] : memref<10240x128xf32, #tpu.memory_space<vmem_shared>> -> memref<16x128xf32, #tpu.memory_space<vmem_shared>>
      tpu.wait_dma2 semaphore(%run_scoped3A_344 : memref<!tpu.dma_semaphore, #tpu.memory_space<semaphore_mem>>) src(%dma_wait3A_352 : memref<16x128xf32, #tpu.memory_space<vmem_shared>>) dst(%dma_wait3A_350 : memref<16x128xf32, #tpu.memory_space<hbm>>)
      tpu.yield
    }) : () -> ()
    %mul3A_324 = arith.constant 640 : i32
    %mul3A_325 = arith.muli %arg1, %mul3A_324 : i32
    %add3A_326 = arith.constant 560 : i32
    %add3A_327 = arith.addi %mul3A_325, %add3A_326 : i32
    "tpu.region"() ({
      %run_scoped3A_344 = tpu.sem_alloc : memref<!tpu.dma_semaphore, #tpu.memory_space<semaphore_mem>>
      %dma_start3A = arith.constant 0 : i32
      %dma_start3A_345 = tpu.memref_slice %arg4[%arg0, %add3A_327, %dma_start3A] : memref<2x10240x128xf32, #tpu.memory_space<hbm>> -> memref<1x16x128xf32, #tpu.memory_space<hbm>>
      %dma_start3A_346 = tpu.memref_squeeze %dma_start3A_345 : memref<1x16x128xf32, #tpu.memory_space<hbm>> -> memref<16x128xf32, #tpu.memory_space<hbm>>
      %dma_start3A_347 = arith.constant 0 : i32
      %dma_start3A_348 = tpu.memref_slice %arg9[%add3A_327, %dma_start3A_347] : memref<10240x128xf32, #tpu.memory_space<vmem_shared>> -> memref<16x128xf32, #tpu.memory_space<vmem_shared>>
      tpu.enqueue_dma source(%dma_start3A_348 : memref<16x128xf32, #tpu.memory_space<vmem_shared>>) target(%dma_start3A_346 : memref<16x128xf32, #tpu.memory_space<hbm>>) target_semaphore(%run_scoped3A_344 : memref<!tpu.dma_semaphore, #tpu.memory_space<semaphore_mem>>)
      %dma_wait3A = arith.constant 0 : i32
      %dma_wait3A_349 = tpu.memref_slice %arg4[%arg0, %add3A_327, %dma_wait3A] : memref<2x10240x128xf32, #tpu.memory_space<hbm>> -> memref<1x16x128xf32, #tpu.memory_space<hbm>>
      %dma_wait3A_350 = tpu.memref_squeeze %dma_wait3A_349 : memref<1x16x128xf32, #tpu.memory_space<hbm>> -> memref<16x128xf32, #tpu.memory_space<hbm>>
      %dma_wait3A_351 = arith.constant 0 : i32
      %dma_wait3A_352 = tpu.memref_slice %arg9[%add3A_327, %dma_wait3A_351] : memref<10240x128xf32, #tpu.memory_space<vmem_shared>> -> memref<16x128xf32, #tpu.memory_space<vmem_shared>>
      tpu.wait_dma2 semaphore(%run_scoped3A_344 : memref<!tpu.dma_semaphore, #tpu.memory_space<semaphore_mem>>) src(%dma_wait3A_352 : memref<16x128xf32, #tpu.memory_space<vmem_shared>>) dst(%dma_wait3A_350 : memref<16x128xf32, #tpu.memory_space<hbm>>)
      tpu.yield
    }) : () -> ()
    %mul3A_328 = arith.constant 640 : i32
    %mul3A_329 = arith.muli %arg1, %mul3A_328 : i32
    %add3A_330 = arith.constant 576 : i32
    %add3A_331 = arith.addi %mul3A_329, %add3A_330 : i32
    "tpu.region"() ({
      %run_scoped3A_344 = tpu.sem_alloc : memref<!tpu.dma_semaphore, #tpu.memory_space<semaphore_mem>>
      %dma_start3A = arith.constant 0 : i32
      %dma_start3A_345 = tpu.memref_slice %arg4[%arg0, %add3A_331, %dma_start3A] : memref<2x10240x128xf32, #tpu.memory_space<hbm>> -> memref<1x16x128xf32, #tpu.memory_space<hbm>>
      %dma_start3A_346 = tpu.memref_squeeze %dma_start3A_345 : memref<1x16x128xf32, #tpu.memory_space<hbm>> -> memref<16x128xf32, #tpu.memory_space<hbm>>
      %dma_start3A_347 = arith.constant 0 : i32
      %dma_start3A_348 = tpu.memref_slice %arg9[%add3A_331, %dma_start3A_347] : memref<10240x128xf32, #tpu.memory_space<vmem_shared>> -> memref<16x128xf32, #tpu.memory_space<vmem_shared>>
      tpu.enqueue_dma source(%dma_start3A_348 : memref<16x128xf32, #tpu.memory_space<vmem_shared>>) target(%dma_start3A_346 : memref<16x128xf32, #tpu.memory_space<hbm>>) target_semaphore(%run_scoped3A_344 : memref<!tpu.dma_semaphore, #tpu.memory_space<semaphore_mem>>)
      %dma_wait3A = arith.constant 0 : i32
      %dma_wait3A_349 = tpu.memref_slice %arg4[%arg0, %add3A_331, %dma_wait3A] : memref<2x10240x128xf32, #tpu.memory_space<hbm>> -> memref<1x16x128xf32, #tpu.memory_space<hbm>>
      %dma_wait3A_350 = tpu.memref_squeeze %dma_wait3A_349 : memref<1x16x128xf32, #tpu.memory_space<hbm>> -> memref<16x128xf32, #tpu.memory_space<hbm>>
      %dma_wait3A_351 = arith.constant 0 : i32
      %dma_wait3A_352 = tpu.memref_slice %arg9[%add3A_331, %dma_wait3A_351] : memref<10240x128xf32, #tpu.memory_space<vmem_shared>> -> memref<16x128xf32, #tpu.memory_space<vmem_shared>>
      tpu.wait_dma2 semaphore(%run_scoped3A_344 : memref<!tpu.dma_semaphore, #tpu.memory_space<semaphore_mem>>) src(%dma_wait3A_352 : memref<16x128xf32, #tpu.memory_space<vmem_shared>>) dst(%dma_wait3A_350 : memref<16x128xf32, #tpu.memory_space<hbm>>)
      tpu.yield
    }) : () -> ()
    %mul3A_332 = arith.constant 640 : i32
    %mul3A_333 = arith.muli %arg1, %mul3A_332 : i32
    %add3A_334 = arith.constant 592 : i32
    %add3A_335 = arith.addi %mul3A_333, %add3A_334 : i32
    "tpu.region"() ({
      %run_scoped3A_344 = tpu.sem_alloc : memref<!tpu.dma_semaphore, #tpu.memory_space<semaphore_mem>>
      %dma_start3A = arith.constant 0 : i32
      %dma_start3A_345 = tpu.memref_slice %arg4[%arg0, %add3A_335, %dma_start3A] : memref<2x10240x128xf32, #tpu.memory_space<hbm>> -> memref<1x16x128xf32, #tpu.memory_space<hbm>>
      %dma_start3A_346 = tpu.memref_squeeze %dma_start3A_345 : memref<1x16x128xf32, #tpu.memory_space<hbm>> -> memref<16x128xf32, #tpu.memory_space<hbm>>
      %dma_start3A_347 = arith.constant 0 : i32
      %dma_start3A_348 = tpu.memref_slice %arg9[%add3A_335, %dma_start3A_347] : memref<10240x128xf32, #tpu.memory_space<vmem_shared>> -> memref<16x128xf32, #tpu.memory_space<vmem_shared>>
      tpu.enqueue_dma source(%dma_start3A_348 : memref<16x128xf32, #tpu.memory_space<vmem_shared>>) target(%dma_start3A_346 : memref<16x128xf32, #tpu.memory_space<hbm>>) target_semaphore(%run_scoped3A_344 : memref<!tpu.dma_semaphore, #tpu.memory_space<semaphore_mem>>)
      %dma_wait3A = arith.constant 0 : i32
      %dma_wait3A_349 = tpu.memref_slice %arg4[%arg0, %add3A_335, %dma_wait3A] : memref<2x10240x128xf32, #tpu.memory_space<hbm>> -> memref<1x16x128xf32, #tpu.memory_space<hbm>>
      %dma_wait3A_350 = tpu.memref_squeeze %dma_wait3A_349 : memref<1x16x128xf32, #tpu.memory_space<hbm>> -> memref<16x128xf32, #tpu.memory_space<hbm>>
      %dma_wait3A_351 = arith.constant 0 : i32
      %dma_wait3A_352 = tpu.memref_slice %arg9[%add3A_335, %dma_wait3A_351] : memref<10240x128xf32, #tpu.memory_space<vmem_shared>> -> memref<16x128xf32, #tpu.memory_space<vmem_shared>>
      tpu.wait_dma2 semaphore(%run_scoped3A_344 : memref<!tpu.dma_semaphore, #tpu.memory_space<semaphore_mem>>) src(%dma_wait3A_352 : memref<16x128xf32, #tpu.memory_space<vmem_shared>>) dst(%dma_wait3A_350 : memref<16x128xf32, #tpu.memory_space<hbm>>)
      tpu.yield
    }) : () -> ()
    %mul3A_336 = arith.constant 640 : i32
    %mul3A_337 = arith.muli %arg1, %mul3A_336 : i32
    %add3A_338 = arith.constant 608 : i32
    %add3A_339 = arith.addi %mul3A_337, %add3A_338 : i32
    "tpu.region"() ({
      %run_scoped3A_344 = tpu.sem_alloc : memref<!tpu.dma_semaphore, #tpu.memory_space<semaphore_mem>>
      %dma_start3A = arith.constant 0 : i32
      %dma_start3A_345 = tpu.memref_slice %arg4[%arg0, %add3A_339, %dma_start3A] : memref<2x10240x128xf32, #tpu.memory_space<hbm>> -> memref<1x16x128xf32, #tpu.memory_space<hbm>>
      %dma_start3A_346 = tpu.memref_squeeze %dma_start3A_345 : memref<1x16x128xf32, #tpu.memory_space<hbm>> -> memref<16x128xf32, #tpu.memory_space<hbm>>
      %dma_start3A_347 = arith.constant 0 : i32
      %dma_start3A_348 = tpu.memref_slice %arg9[%add3A_339, %dma_start3A_347] : memref<10240x128xf32, #tpu.memory_space<vmem_shared>> -> memref<16x128xf32, #tpu.memory_space<vmem_shared>>
      tpu.enqueue_dma source(%dma_start3A_348 : memref<16x128xf32, #tpu.memory_space<vmem_shared>>) target(%dma_start3A_346 : memref<16x128xf32, #tpu.memory_space<hbm>>) target_semaphore(%run_scoped3A_344 : memref<!tpu.dma_semaphore, #tpu.memory_space<semaphore_mem>>)
      %dma_wait3A = arith.constant 0 : i32
      %dma_wait3A_349 = tpu.memref_slice %arg4[%arg0, %add3A_339, %dma_wait3A] : memref<2x10240x128xf32, #tpu.memory_space<hbm>> -> memref<1x16x128xf32, #tpu.memory_space<hbm>>
      %dma_wait3A_350 = tpu.memref_squeeze %dma_wait3A_349 : memref<1x16x128xf32, #tpu.memory_space<hbm>> -> memref<16x128xf32, #tpu.memory_space<hbm>>
      %dma_wait3A_351 = arith.constant 0 : i32
      %dma_wait3A_352 = tpu.memref_slice %arg9[%add3A_339, %dma_wait3A_351] : memref<10240x128xf32, #tpu.memory_space<vmem_shared>> -> memref<16x128xf32, #tpu.memory_space<vmem_shared>>
      tpu.wait_dma2 semaphore(%run_scoped3A_344 : memref<!tpu.dma_semaphore, #tpu.memory_space<semaphore_mem>>) src(%dma_wait3A_352 : memref<16x128xf32, #tpu.memory_space<vmem_shared>>) dst(%dma_wait3A_350 : memref<16x128xf32, #tpu.memory_space<hbm>>)
      tpu.yield
    }) : () -> ()
    %mul3A_340 = arith.constant 640 : i32
    %mul3A_341 = arith.muli %arg1, %mul3A_340 : i32
    %add3A_342 = arith.constant 624 : i32
    %add3A_343 = arith.addi %mul3A_341, %add3A_342 : i32
    "tpu.region"() ({
      %run_scoped3A_344 = tpu.sem_alloc : memref<!tpu.dma_semaphore, #tpu.memory_space<semaphore_mem>>
      %dma_start3A = arith.constant 0 : i32
      %dma_start3A_345 = tpu.memref_slice %arg4[%arg0, %add3A_343, %dma_start3A] : memref<2x10240x128xf32, #tpu.memory_space<hbm>> -> memref<1x16x128xf32, #tpu.memory_space<hbm>>
      %dma_start3A_346 = tpu.memref_squeeze %dma_start3A_345 : memref<1x16x128xf32, #tpu.memory_space<hbm>> -> memref<16x128xf32, #tpu.memory_space<hbm>>
      %dma_start3A_347 = arith.constant 0 : i32
      %dma_start3A_348 = tpu.memref_slice %arg9[%add3A_343, %dma_start3A_347] : memref<10240x128xf32, #tpu.memory_space<vmem_shared>> -> memref<16x128xf32, #tpu.memory_space<vmem_shared>>
      tpu.enqueue_dma source(%dma_start3A_348 : memref<16x128xf32, #tpu.memory_space<vmem_shared>>) target(%dma_start3A_346 : memref<16x128xf32, #tpu.memory_space<hbm>>) target_semaphore(%run_scoped3A_344 : memref<!tpu.dma_semaphore, #tpu.memory_space<semaphore_mem>>)
      %dma_wait3A = arith.constant 0 : i32
      %dma_wait3A_349 = tpu.memref_slice %arg4[%arg0, %add3A_343, %dma_wait3A] : memref<2x10240x128xf32, #tpu.memory_space<hbm>> -> memref<1x16x128xf32, #tpu.memory_space<hbm>>
      %dma_wait3A_350 = tpu.memref_squeeze %dma_wait3A_349 : memref<1x16x128xf32, #tpu.memory_space<hbm>> -> memref<16x128xf32, #tpu.memory_space<hbm>>
      %dma_wait3A_351 = arith.constant 0 : i32
      %dma_wait3A_352 = tpu.memref_slice %arg9[%add3A_343, %dma_wait3A_351] : memref<10240x128xf32, #tpu.memory_space<vmem_shared>> -> memref<16x128xf32, #tpu.memory_space<vmem_shared>>
      tpu.wait_dma2 semaphore(%run_scoped3A_344 : memref<!tpu.dma_semaphore, #tpu.memory_space<semaphore_mem>>) src(%dma_wait3A_352 : memref<16x128xf32, #tpu.memory_space<vmem_shared>>) dst(%dma_wait3A_350 : memref<16x128xf32, #tpu.memory_space<hbm>>)
      tpu.yield
    }) : () -> ()
    return
  }
}

</mosaic_0001>

<sc_bundles>
// kernel: _sc_deg.3.cloned.1.call-start
scs
__scs_entry_jumppad:
0x0: {  	(pc) =	sbr.rel $0x88, $3  }
0x1: {  	(tag) =	ssettag $0x0;
	lr =	simm.s32 $0x1  }
0x2: {  	[smem:$0x3F9F] =	sst lr;
	_ =	strace $0xD0000000  }
0x3: {  	_ = 	snop  }
0x4: {  	_ = 	snop  }
0x5: {  	_ = 	snop  }
0x6: {  	_ = 	snop  }
0x7: {  	_ = 	snop  }
__scs_overlays_trampoline_lowered:
0x8: {  	[smem:$0x3FAE] =	sst s0  }
0x9: {  	[smem:$0x3FAF] =	sst s1  }
0xa: {  	[smem:$0x3FB0] =	sst s2  }
0xb: {  	[smem:$0x3FB1] =	sst s3  }
0xc: {  	[smem:$0x3FB2] =	sst s4  }
0xd: {  	[smem:$0x3FB3] =	sst s5  }
0xe: {  	[smem:$0x3FB4] =	sst s6  }
0xf: {  	[smem:$0x3FB5] =	sst s7  }
0x10: {  	[smem:$0x3FB6] =	sst s8  }
0x11: {  	[smem:$0x3FB7] =	sst s9;
	s0 =	simm.s32 @!p0 $0x0  }
0x12: {  	s1 =	sld [smem:$0x3F9D];
	s0 =	simm.s32 @p0 $0x1  }
0x13: {  	[smem:$0x3FB8] =	sst s0;
	s0 =	simm.s32 @!p1 $0x0  }
0x14: {  	s2 =	sld [smem:$0x3F9C];
	s0 =	simm.s32 @p1 $0x1  }
0x15: {  	[smem:$0x3FB9] =	sst s0;
	s0 =	simm.s32 @!p2 $0x0  }
0x16: {  	s3 =	sld [smem:$0x3FDB];
	s0 =	simm.s32 @p2 $0x1  }
0x17: {  	s4 =	simm.s32 $0x1BF5;
	[smem:$0x3FBB] =	sst s0  }
0x18: {  	s0 =	sld [smem:$0x3F9E];
	_ =	swait.ge [sflag:s4], $0x0  }
0x19: {  	s7 =	sld [smem:$0x3F9F]  }
0x1a: {  	s8 =	sadd.s32 $0xFFFFE003, lr  }
0x1b: {  	s9 =	sadd.s32 $0xFFFFFEF7, lr;
	s5 =	simm.s32 $0xFFFFFFFF;
	p2 =	slt.u32 s8, $0xFFFFF086  }
0x1c: {  	p1 =	slt.u32 s9, $0xF7A;
	s5 =	simm.s32 @!p2 $0x0  }
0x1d: {  	s5 =	simm.s32 @p1 $0x1;
	p0 =	seq.s32 s7, s2  }
0x1e: {  	s7 =	smul.u32 @!p0 $0xF7A, s2;
	p2 =	seq.s32 @!p0 s5, $0x0  }
0x1f: {  	s9 =	smul.u32 $0xF7A, s1;
	s8 =	simm.s32 @!p0 $0x1BF5;
	p2 =	por !p2, p0  }
0x20: {  	[sflag:s8] =	ssyncset.s32 @!p0 $0xFFFFF086;
	s6 =	sadd.s32 @!p0 s3, s7;
	s7 =	simm.s32 @!p0 $0x108  }
0x21: {  	s3 =	sadd.s32 s3, s9;
	s6 =	sadd.s32 @!p0 $0x88, s6;
	s7 =	simm.s32 @p2 $0x1082  }
0x22: {  	[simem:s7], [sflag:s8] =	dma.local @!p0 [hbm:s6], $0xF7A  }
0x23: {  	s9 =	sor.u32 $0xD0000000, s2;
	s6 =	simm.s32 $0x108;
	_ =	swait.ge @!p0 [sflag:s8], $0x0  }
0x24: {  	s3 =	sadd.s32 $0x88, s3;
	s6 =	simm.s32 @!p1 $0x1082;
	[sflag:s4] =	ssyncset.s32 $0xFFFFF086  }
0x25: {  	[simem:s6], [sflag:s4] =	dma.local [hbm:s3], $0xF7A  }
0x26: {  	[smem:$0x3F9F] =	sst s1;
	(tag) =	ssettag s2;
	_ =	strace s9  }
0x27: {  	s1 =	sld [smem:$0x3FAF]  }
0x28: {  	s2 =	sld [smem:$0x3FB0]  }
0x29: {  	s4 =	sld [smem:$0x3FB2]  }
0x2a: {  	p0 =	seq.s32 s5, $0x0;
	s5 =	sld [smem:$0x3FB3]  }
0x2b: {  	s6 =	sld [smem:$0x3FB4]  }
0x2c: {  	s7 =	sld [smem:$0x3FB5]  }
0x2d: {  	s3 =	simm.s32 $0x108;
	s8 =	sld [smem:$0x3FB6]  }
0x2e: {  	s3 =	simm.s32 @!p0 $0x1082;
	s9 =	sld [smem:$0x3FB7]  }
0x2f: {  	lr =	sadd.s32 s0, s3;
	s0 =	sld [smem:$0x3FAE]  }
0x30: {  	s3 =	sld [smem:$0x3FB1]  }
0x31: {  	[smem:$0x3FBA] =	sst s10  }
0x32: {  	s10 =	sld [smem:$0x3FB8];
	_ =	sdelay $0x3  }
0x33: {  	p0 =	seq.s32 s10, $0x1;
	s10 =	sld [smem:$0x3FBA];
	_ =	sdelay $0x3  }
0x34: {  	[smem:$0x3FBA] =	sst s10  }
0x35: {  	s10 =	sld [smem:$0x3FB9];
	_ =	sdelay $0x3  }
0x36: {  	p1 =	seq.s32 s10, $0x1;
	s10 =	sld [smem:$0x3FBA];
	_ =	sdelay $0x3  }
0x37: {  	[smem:$0x3FBA] =	sst s10  }
0x38: {  	s10 =	sld [smem:$0x3FBB]  }
0x39: {  	_ = 	snop;
	(pc) =	sbr.ind lr, $3  }
0x3a: {  	_ = 	snop  }
0x3b: {  	_ = 	snop  }
0x3c: {  	p2 =	seq.s32 s10, $0x1;
	s10 =	sld [smem:$0x3FBA]  }
0x3d: {  	_ =	shalt  }
0x3e: {  	_ =	shalt  }
0x3f: {  	_ =	shalt  }
0x40: {  	_ =	shalt  }
0x41: {  	_ =	shalt  }
0x42: {  	_ =	shalt  }
0x43: {  	_ =	shalt  }
0x44: {  	_ =	shalt  }
0x45: {  	_ =	shalt  }
0x46: {  	_ =	shalt  }
0x47: {  	_ =	shalt  }
0x48: {  	_ =	shalt  }
0x49: {  	_ =	shalt  }
0x4a: {  	_ =	shalt  }
0x4b: {  	_ =	shalt  }
0x4c: {  	_ =	shalt  }
0x4d: {  	_ =	shalt  }
0x4e: {  	_ =	shalt  }
0x4f: {  	_ =	shalt  }
0x50: {  	_ =	shalt  }
0x51: {  	_ =	shalt  }
0x52: {  	_ =	shalt  }
0x53: {  	_ =	shalt  }
0x54: {  	_ =	shalt  }
0x55: {  	_ =	shalt  }
0x56: {  	_ =	shalt  }
0x57: {  	_ =	shalt  }
0x58: {  	_ =	shalt  }
0x59: {  	_ =	shalt  }
0x5a: {  	_ =	shalt  }
0x5b: {  	_ =	shalt  }
0x5c: {  	_ =	shalt  }
0x5d: {  	_ =	shalt  }
0x5e: {  	_ =	shalt  }
0x5f: {  	_ =	shalt  }
0x60: {  	_ =	shalt  }
0x61: {  	_ =	shalt  }
0x62: {  	_ =	shalt  }
0x63: {  	_ =	shalt  }
0x64: {  	_ =	shalt  }
0x65: {  	_ =	shalt  }
0x66: {  	_ =	shalt  }
0x67: {  	_ =	shalt  }
0x68: {  	_ =	shalt  }
0x69: {  	_ =	shalt  }
0x6a: {  	_ =	shalt  }
0x6b: {  	_ =	shalt  }
0x6c: {  	_ =	shalt  }
0x6d: {  	_ =	shalt  }
0x6e: {  	_ =	shalt  }
0x6f: {  	_ =	shalt  }
0x70: {  	_ =	shalt  }
0x71: {  	_ =	shalt  }
0x72: {  	_ =	shalt  }
0x73: {  	_ =	shalt  }
0x74: {  	_ =	shalt  }
0x75: {  	_ =	shalt  }
0x76: {  	_ =	shalt  }
0x77: {  	_ =	shalt  }
0x78: {  	_ =	shalt  }
0x79: {  	_ =	shalt  }
0x7a: {  	_ =	shalt  }
0x7b: {  	_ =	shalt  }
0x7c: {  	_ =	shalt  }
0x7d: {  	_ =	shalt  }
0x7e: {  	_ =	shalt  }
0x7f: {  	_ =	shalt  }
0x80: {  	_ =	shalt  }
0x81: {  	_ =	shalt  }
0x82: {  	_ =	shalt  }
0x83: {  	_ =	shalt  }
0x84: {  	_ =	shalt  }
0x85: {  	_ =	shalt  }
0x86: {  	_ =	shalt  }
0x87: {  	_ =	shalt  }
.Lfunc_end0:
.L_simem_size_0:
called_computation_lowered:
.L_overlay_start_0:
0x88: {  	s2 =	sld [smem:$0x3FD9]  }
0x89: {  	s3 =	sld [smem:$0x3FFE];
	_ =	sdelay $0x1  }
0x8a: {  	s1 =	srdreg.scid  }
0x8b: {  	s0 =	sand.u32 $0x1, s1  }
0x8c: {  	s18 =	sshll.u32 s0, $0xA;
	s2 =	sadd.s32 s3, s2  }
0x8d: {  	s2 =	sadd.s32 s2, s18  }
0x8e: {  	[smem:$0x3FC6] =	sst s2  }
0x8f: {  	_ = 	snop  }
0x90: {  	s2 =	sld [smem:$0x3FC9]  }
0x91: {  	s19 =	sld [smem:$0x3FC8]  }
0x92: {  	s4 =	sld [smem:$0x3FD0];
	(tm) =	ssettm $0x1  }
0x93: {  	s5 =	sld [smem:$0x3FFB];
	_ =	sdelay $0x3  }
0x94: {  	_ =	strace s5  }
0x95: {  	s5 =	sld [smem:$0x3FFC];
	_ =	sdelay $0x3  }
0x96: {  	_ =	strace s5  }
0x97: {  	s5 =	sld [smem:$0x3FFD];
	_ =	sdelay $0x3  }
0x98: {  	_ =	strace s5  }
0x99: {  	_ =	strace $0x8FFFFFFF  }
0x9a: {  	s20 =	sld [smem:$0x3FDB];
	_ =	sdelay $0x1  }
0x9b: {  	s6 =	simm.s32 $_scs_section_size  }
0x9c: {  	s7 =	simm.s32 $_size__tile_overlayer_lowered;
	s8 =	simm.s32 $_tile_overlayer_lowered  }
0x9d: {  	s23 =	simm.s32 $0x1BFF;
	s22 =	sshll.u32 s8, $0x1;
	s5 =	sadd.s32 s6, s20  }
0x9e: {  	s9 =	simm.s32 $0x0;
	s21 =	sshll.u32 s7, $0x1;
	s7 =	sadd.s32 s22, s5  }
0x9f: {  	[timem:s9], [sflag:s23] =	dma.local [hbm:s7], s21  }
0xa0: {  	_ =	swait.ge [sflag:s23], s21  }
0xa1: {  	s6 =	ssub.s32 $0x0, s21;
	[sflag:s23] =	ssyncset.done $0x0  }
0xa2: {  	[sflag:s23] =	ssyncadd.s32 s6;
	_ =	sdelay $0x1  }
0xa3: {  	s24 =	simm.s32 $0x1B8B  }
0xa4: {  	_ =	swait.ge [sflag:s24], $0x1  }
0xa5: {  	[sflag:s24] =	ssyncset.done $0x0  }
0xa6: {  	s25 =	simm.s32 $0x1B8E;
	[sflag:s24] =	ssyncadd.s32 $0xFFFFFFFF  }
0xa7: {  	s26 =	simm.s32 $execute0_lowered;
	[smem:$0x3FD2] =	sst s25  }
0xa8: {  	s6 =	sshll.u32 s26, $0x1;
	_ =	strace $0x80000046;
	[dreg:$0x1] =	wrdreg $0xFFFFFFFF  }
0xa9: {  	s28 =	simm.s32 $_size_execute0_lowered;
	s5 =	sadd.s32 s5, s6;
	[dreg:$0x0] =	wrdreg $0x0  }
0xaa: {  	s6 =	sshll.u32 s28, $0x1;
	[dreg:$0x2] =	wrdreg s5  }
0xab: {  	[dreg:$0x3] =	wrdreg s6  }
0xac: {  	[dreg:$0x4] =	wrdreg $0xC0  }
0xad: {  	_ =	task [dreg:s9], $0x5FFFF  }
0xae: {  	[dreg:$0x1] =	wrdreg $0xFFFFFFFF  }
0xaf: {  	[dreg:$0x0] =	wrdreg $0x60  }
0xb0: {  	[dreg:$0x2] =	wrdreg s2  }
0xb1: {  	[dreg:$0x3] =	wrdreg s19  }
0xb2: {  	[dreg:$0x4] =	wrdreg s4  }
0xb3: {  	[dreg:$0x5] =	wrdreg $0x70000  }
0xb4: {  	[dreg:$0x6] =	wrdreg $0x9  }
0xb5: {  	_ =	task.clear_ibuf [dreg:s9], $0x7FFFF;
	_ =	strace $0x90000046  }
0xb6: {  	s29 =	simm.s32 $0x9;
	_ =	strace $0x80000048  }
0xb7: {  	_ =	swait.ge [sflag:s29], $0x1  }
0xb8: {  	[sflag:s29] =	ssyncadd.s32 $0xFFFFFFFF  }
0xb9: {  	_ =	strace $0x90000048  }
0xba: {  	_ =	sfence  }
0xbb: {  	s30 =	sld [smem:$0x0];
	_ =	sdelay $0x2  }
0xbc: {  	s31 =	sshll.u32 s1, $0xD;
	s1 =	sshrl.u32 s1, $0x2  }
0xbd: {  	s3 =	sand.u32 $0x4000, s31;
	s1 =	sadd.s32 s1, s30  }
0xbe: {  	s0 =	sor.u32 s3, s0;
	s1 =	sshll.u32 s1, $0x11  }
0xbf: {  	s0 =	sor.u32 s1, s0  }
0xc0: {  	s0 =	sadd.s32 $0x8F2B, s0  }
0xc1: {  	[sflag:s0] =	ssyncadd.remote.s32 $0x1  }
0xc2: {  	_ =	sfence.sel $0xFFFF  }
0xc3: {  	[dreg:$0x0] =	wrdreg $0xFFFFFFFF;
	(pc) =	sbr.abs _section_cstart, $3  }
0xc4: {  	[dreg:$0x1] =	wrdreg $0xFFFFFFFF  }
0xc5: {  	_ =	task.clear_ibuf [dreg:s9], $0x2FFFF;
	_ =	strace $0x9FFFFFFF  }
0xc6: {  	(tm) =	ssettm $0x7FFFFFFF  }
0xc7: {  	_ =	shalt  }
tec
execute0_lowered:
.L_overlay_start_1:
0x0: {  	(tag) =	ssettag $0x1  }
0x1: {  	s6 =	stileid.u32  }
0x2: {  	s2 =	smul.u32 $0x14000, s6  }
0x3: {  	s14 =	rddreg [dreg:$0x0]  }
0x4: {  	s3 =	rddreg [dreg:$0x1];
	s24 =	sshll.u32 s6, $0x1;
	s6 =	sor.u32 $0x800, s2  }
0x5: {  	s7 =	sor.u32 $0x1000, s2;
	[smem:$0x7DA] =	sst s6  }
0x6: {  	s8 =	sor.u32 $0x1800, s2;
	[smem:$0x7DC] =	sst s7  }
0x7: {  	s9 =	sor.u32 $0x2000, s2;
	[smem:$0x7DE] =	sst s8  }
0x8: {  	s10 =	sor.u32 $0x2800, s2;
	[smem:$0x7E0] =	sst s9  }
0x9: {  	s11 =	sor.u32 $0x3800, s2;
	[smem:$0x7E2] =	sst s10  }
0xa: {  	s0 =	srdreg.scid;
	s12 =	sadd.s32 $0x4000, s2;
	[smem:$0x7E5] =	sst s11  }
0xb: {  	s0 =	sand.u32 $0x1, s0;
	s13 =	sadd.s32 $0x4800, s2;
	[smem:$0x7E7] =	sst s12  }
0xc: {  	s4 =	ssub.s32 $0x2, s0;
	s15 =	sadd.s32 $0x5000, s2;
	[smem:$0x7E9] =	sst s13  }
0xd: {  	s5 =	sshrl.u32 s4, $0x1;
	s16 =	sadd.s32 $0x5800, s2;
	[smem:$0x7EB] =	sst s15  }
0xe: {  	s4 =	ssub.s32 s4, s5;
	[smem:$0x7ED] =	sst s16  }
0xf: {  	s18 =	sadd.s32 $0x6000, s2;
	[smem:$0x7FC] =	sst s4;
	s4 =	sor.u32 s0, s24  }
0x10: {  	s19 =	sadd.s32 $0x6800, s2;
	[smem:$0x7EF] =	sst s18;
	s4 =	smul.u32 $0x2800, s4  }
0x11: {  	s20 =	sadd.s32 $0x7000, s2;
	[smem:$0x7F1] =	sst s19  }
0x12: {  	s22 =	sadd.s32 $0x8000, s2;
	[smem:$0x7F3] =	sst s20;
	s4 =	sshrl.u32 s4, $0x3  }
0x13: {  	[smem:$0x7F6] =	sst s22;
	s25 =	sadd.s32 s14, s4  }
0x14: {  	s17 =	sadd.s32 $0x280, s4;
	s4 =	sadd.s32 s3, s4;
	[dreg:$0x5] =	wrdreg s25  }
0x15: {  	[dreg:$0x6] =	wrdreg s4  }
0x16: {  	s26 =	sadd.s32 s14, s17;
	s14 =	smul.u32 $0x140000, s0;
	s0 =	rddreg [dreg:$0x2]  }
0x17: {  	s28 =	sor.u32 $0x3000, s2;
	s3 =	sadd.s32 s3, s17;
	[dreg:$0x7] =	wrdreg s26  }
0x18: {  	s21 =	sadd.s32 $0x7800, s2;
	s4 =	sadd.s32 $0xD800, s2;
	[dreg:$0x8] =	wrdreg s3  }
0x19: {  	s23 =	sadd.s32 $0x8800, s2;
	s3 =	sadd.s32 $0xD000, s2;
	[smem:$0x7BF] =	sst s4  }
0x1a: {  	s29 =	sadd.s32 $0xB800, s2;
	s4 =	sadd.s32 $0xE800, s2;
	[smem:$0x7BB] =	sst s3  }
0x1b: {  	s30 =	sadd.s32 $0xC000, s2;
	s3 =	sadd.s32 $0xE000, s2;
	[smem:$0x7C1] =	sst s4  }
0x1c: {  	s31 =	sadd.s32 $0xC800, s2;
	s4 =	sadd.s32 $0xF800, s2;
	[smem:$0x7C0] =	sst s3  }
0x1d: {  	s5 =	sadd.s32 $0xB000, s2;
	s3 =	sadd.s32 $0xF000, s2;
	[smem:$0x7C6] =	sst s4  }
0x1e: {  	s24 =	sadd.s32 $0x9000, s2;
	s4 =	sadd.s32 $0x10800, s2;
	[smem:$0x7C5] =	sst s3  }
0x1f: {  	s25 =	sadd.s32 $0x9800, s2;
	s3 =	sadd.s32 $0x10000, s2;
	[smem:$0x7CB] =	sst s4  }
0x20: {  	s17 =	sadd.s32 $0xA800, s2;
	s4 =	sadd.s32 $0x11800, s2;
	[smem:$0x7C7] =	sst s3  }
0x21: {  	s26 =	sadd.s32 $0xA000, s2;
	s3 =	sadd.s32 $0x11000, s2;
	[smem:$0x7CD] =	sst s4  }
0x22: {  	s7 =	sadd.s32 s14, s7;
	s4 =	sadd.s32 $0x12800, s2;
	[smem:$0x7CC] =	sst s3  }
0x23: {  	s3 =	sadd.s32 $0x12000, s2;
	[smem:$0x7D2] =	sst s4;
	s4 =	sadd.s32 s2, s14  }
0x24: {  	[smem:$0x7D1] =	sst s3;
	s3 =	sadd.s32 $0x13000, s2;
	s2 =	sadd.s32 $0x13800, s2  }
0x25: {  	s11 =	sadd.s32 s14, s11;
	[smem:$0x7D6] =	sst s2;
	s2 =	sshrl.u32 s4, $0x3  }
0x26: {  	[smem:$0x7D3] =	sst s3;
	s3 =	sadd.s32 s14, s6;
	s4 =	sadd.s32 s0, s2  }
0x27: {  	s6 =	sshrl.u32 s3, $0x3;
	s2 =	sshrl.u32 s7, $0x3;
	[dreg:$0x9] =	wrdreg s4  }
0x28: {  	s3 =	sadd.s32 s0, s6;
	s4 =	sadd.s32 s14, s9;
	s6 =	sadd.s32 s14, s10  }
0x29: {  	s10 =	smov.u32 s28;
	s9 =	sadd.s32 s14, s28;
	s28 =	sld [smem:$0x7C0]  }
0x2a: {  	s2 =	sadd.s32 s0, s2;
	[dreg:$0xa] =	wrdreg s3;
	s3 =	sadd.s32 s14, s8  }
0x2b: {  	s12 =	sadd.s32 s14, s12;
	[dreg:$0xb] =	wrdreg s2;
	s2 =	sshrl.u32 s3, $0x3  }
0x2c: {  	s8 =	sshrl.u32 s6, $0x3;
	s3 =	sshrl.u32 s4, $0x3;
	s2 =	sadd.s32 s0, s2  }
0x2d: {  	s6 =	sshrl.u32 s12, $0x3;
	s7 =	sadd.s32 s0, s3;
	[dreg:$0xc] =	wrdreg s2  }
0x2e: {  	s3 =	sshrl.u32 s11, $0x3;
	[dreg:$0xd] =	wrdreg s7;
	s2 =	sadd.s32 s0, s8  }
0x2f: {  	s3 =	sadd.s32 s0, s3;
	s7 =	sadd.s32 s14, s13;
	s8 =	sadd.s32 s14, s15  }
0x30: {  	s13 =	sadd.s32 s14, s18;
	s15 =	sadd.s32 s14, s19;
	[dreg:$0xe] =	wrdreg s2  }
0x31: {  	s2 =	sshrl.u32 s9, $0x3;
	[dreg:$0x10] =	wrdreg s3;
	s3 =	sshrl.u32 s8, $0x3  }
0x32: {  	s9 =	sadd.s32 s14, s16;
	s16 =	sadd.s32 s14, s20;
	s20 =	sadd.s32 s14, s21  }
0x33: {  	s2 =	sadd.s32 s0, s2;
	s11 =	sadd.s32 s0, s3;
	s12 =	sshrl.u32 s9, $0x3  }
0x34: {  	s3 =	sshrl.u32 s15, $0x3;
	s19 =	sshrl.u32 s16, $0x3;
	s16 =	smov.u32 s21  }
0x35: {  	s21 =	sadd.s32 s14, s22;
	s22 =	sadd.s32 s14, s23;
	[dreg:$0xf] =	wrdreg s2  }
0x36: {  	s15 =	smov.u32 s25;
	s2 =	sadd.s32 s0, s6;
	[dreg:$0x13] =	wrdreg s11  }
0x37: {  	s18 =	sadd.s32 s0, s3;
	s3 =	sshrl.u32 s21, $0x3;
	s6 =	sshrl.u32 s22, $0x3  }
0x38: {  	s11 =	sadd.s32 s14, s25;
	s21 =	sadd.s32 s14, s29;
	[dreg:$0x11] =	wrdreg s2  }
0x39: {  	s2 =	sshrl.u32 s7, $0x3;
	[dreg:$0x16] =	wrdreg s18;
	s3 =	sadd.s32 s0, s3  }
0x3a: {  	s25 =	sadd.s32 s14, s31;
	s2 =	sadd.s32 s0, s2;
	[dreg:$0x19] =	wrdreg s3  }
0x3b: {  	s7 =	sadd.s32 s14, s24;
	[dreg:$0x12] =	wrdreg s2;
	s2 =	sadd.s32 s0, s12  }
0x3c: {  	s3 =	sshrl.u32 s11, $0x3;
	[dreg:$0x14] =	wrdreg s2;
	s2 =	sshrl.u32 s13, $0x3  }
0x3d: {  	s11 =	smov.u32 s26;
	s12 =	sadd.s32 s14, s26;
	s2 =	sadd.s32 s0, s2  }
0x3e: {  	s13 =	sadd.s32 s0, s3;
	[dreg:$0x15] =	wrdreg s2;
	s2 =	sadd.s32 s0, s19  }
0x3f: {  	s18 =	sshrl.u32 s12, $0x3;
	[dreg:$0x17] =	wrdreg s2;
	s2 =	sshrl.u32 s20, $0x3  }
0x40: {  	[dreg:$0x1c] =	wrdreg s13;
	s20 =	sadd.s32 s14, s5;
	s2 =	sadd.s32 s0, s2  }
0x41: {  	s3 =	sshrl.u32 s20, $0x3;
	[dreg:$0x18] =	wrdreg s2;
	s2 =	sadd.s32 s0, s6  }
0x42: {  	s12 =	smov.u32 s17;
	s22 =	sadd.s32 s0, s3;
	[dreg:$0x1a] =	wrdreg s2  }
0x43: {  	s3 =	sshrl.u32 s25, $0x3;
	s2 =	sshrl.u32 s7, $0x3;
	[dreg:$0x1f] =	wrdreg s22  }
0x44: {  	s7 =	smov.u32 s29;
	s29 =	sld [smem:$0x7BB];
	s3 =	sadd.s32 s0, s3  }
0x45: {  	s19 =	sadd.s32 s14, s17;
	s17 =	sadd.s32 s14, s28;
	[smem:$0x7BD] =	sst s3  }
0x46: {  	s2 =	sadd.s32 s0, s2;
	s3 =	sshrl.u32 s17, $0x3;
	s17 =	sld [smem:$0x7C1]  }
0x47: {  	s13 =	smov.u32 s5;
	[dreg:$0x1b] =	wrdreg s2;
	s2 =	sadd.s32 s0, s18  }
0x48: {  	[dreg:$0x1d] =	wrdreg s2;
	s2 =	sshrl.u32 s19, $0x3;
	s26 =	sadd.s32 s14, s29  }
0x49: {  	s19 =	sadd.s32 s0, s3;
	s5 =	sshrl.u32 s26, $0x3;
	s26 =	sld [smem:$0x7BF]  }
0x4a: {  	s8 =	smov.u32 s23;
	s9 =	smov.u32 s24;
	[smem:$0x7C3] =	sst s19  }
0x4b: {  	s23 =	sshrl.u32 s21, $0x3;
	s2 =	sadd.s32 s0, s2;
	s19 =	sld [smem:$0x7C6]  }
0x4c: {  	s24 =	sadd.s32 s14, s30;
	[dreg:$0x1e] =	wrdreg s2;
	s2 =	sadd.s32 s0, s23  }
0x4d: {  	[smem:$0x7BA] =	sst s2;
	s2 =	sshrl.u32 s24, $0x3  }
0x4e: {  	s24 =	sld [smem:$0x7C7];
	s2 =	sadd.s32 s0, s2  }
0x4f: {  	s22 =	sadd.s32 s14, s19;
	[smem:$0x7BC] =	sst s2  }
0x50: {  	s2 =	sadd.s32 s0, s5;
	s3 =	sshrl.u32 s22, $0x3;
	s22 =	sld [smem:$0x7CC]  }
0x51: {  	s18 =	sadd.s32 s14, s17;
	s6 =	sadd.s32 s14, s26;
	[smem:$0x7BE] =	sst s2  }
0x52: {  	s2 =	sshrl.u32 s6, $0x3;
	s6 =	sld [smem:$0x7C5];
	s25 =	sadd.s32 s0, s3  }
0x53: {  	s20 =	sshrl.u32 s18, $0x3;
	s2 =	sadd.s32 s0, s2;
	[smem:$0x7C9] =	sst s25  }
0x54: {  	[smem:$0x7C2] =	sst s2;
	s2 =	sadd.s32 s0, s20  }
0x55: {  	s23 =	sadd.s32 s14, s24;
	[smem:$0x7C4] =	sst s2;
	s21 =	sadd.s32 s14, s6  }
0x56: {  	s3 =	sshrl.u32 s23, $0x3;
	s2 =	sshrl.u32 s21, $0x3;
	s21 =	sld [smem:$0x7CB]  }
0x57: {  	s23 =	sld [smem:$0x7CD];
	s5 =	sadd.s32 s14, s22;
	s2 =	sadd.s32 s0, s2  }
0x58: {  	[smem:$0x7C8] =	sst s2;
	s2 =	sadd.s32 s0, s3;
	s3 =	sshrl.u32 s5, $0x3  }
0x59: {  	[smem:$0x7CA] =	sst s2;
	s4 =	sadd.s32 s14, s21;
	s20 =	sadd.s32 s0, s3  }
0x5a: {  	s2 =	sshrl.u32 s4, $0x3;
	[smem:$0x7CF] =	sst s20  }
0x5b: {  	s18 =	sadd.s32 s14, s23;
	s20 =	sld [smem:$0x7D1];
	s2 =	sadd.s32 s0, s2  }
0x5c: {  	s25 =	sshrl.u32 s18, $0x3;
	[smem:$0x7CE] =	sst s2  }
0x5d: {  	s2 =	sadd.s32 s0, s25;
	s25 =	sld [smem:$0x7D2];
	_ =	sdelay $0x2  }
0x5e: {  	s3 =	sadd.s32 s14, s20;
	s4 =	sadd.s32 s14, s25  }
0x5f: {  	[smem:$0x7D0] =	sst s2;
	s2 =	sshrl.u32 s3, $0x3;
	s3 =	sshrl.u32 s4, $0x3  }
0x60: {  	s18 =	sld [smem:$0x7D3];
	s5 =	sadd.s32 s0, s3  }
0x61: {  	[smem:$0x7D5] =	sst s5  }
0x62: {  	s1 =	simm.s32 $0x0;
	s5 =	sld [smem:$0x7D6]  }
0x63: {  	[smem:$0x7FF] =	sst s1;
	s2 =	sadd.s32 s0, s2;
	s4 =	sadd.s32 s14, s18  }
0x64: {  	[smem:$0x7D4] =	sst s2;
	s2 =	sshrl.u32 s4, $0x3;
	s4 =	stileid.u32  }
0x65: {  	s4 =	smul.u32 $0x50000, s4;
	s2 =	sadd.s32 s0, s2;
	s3 =	sadd.s32 s14, s5  }
0x66: {  	[smem:$0x7D7] =	sst s2;
	s3 =	sshrl.u32 s3, $0x3  }
0x67: {  	s2 =	sshrl.u32 s4, $0x2;
	s14 =	rddreg [dreg:$0x3];
	s0 =	sadd.s32 s0, s3  }
0x68: {  	[smem:$0x7D8] =	sst s0;
	s0 =	sadd.s32 s2, s14  }
0x69: {  	s10 =	sadd.s32 s10, s14;
	_ =	strace $0x80000047;
	[smem:$0x7D9] =	sst s0  }
0x6a: {  	[smem:$0x7E4] =	sst s10  }
0x6b: {  	s3 =	sld [smem:$0x7DA]  }
0x6c: {  	s4 =	sld [smem:$0x7DC]  }
0x6d: {  	s2 =	sld [smem:$0x7DE]  }
0x6e: {  	s10 =	sld [smem:$0x7EB]  }
0x6f: {  	s0 =	sadd.s32 s3, s14;
	s3 =	sld [smem:$0x7E0]  }
0x70: {  	[smem:$0x7DB] =	sst s0  }
0x71: {  	s0 =	sadd.s32 s4, s14;
	s4 =	sld [smem:$0x7E2]  }
0x72: {  	[smem:$0x7DD] =	sst s0  }
0x73: {  	s0 =	sadd.s32 s2, s14;
	s2 =	sld [smem:$0x7E5]  }
0x74: {  	[smem:$0x7DF] =	sst s0  }
0x75: {  	s0 =	sadd.s32 s3, s14;
	s3 =	sld [smem:$0x7E7]  }
0x76: {  	[smem:$0x7E1] =	sst s0  }
0x77: {  	s0 =	sadd.s32 s4, s14;
	s4 =	sld [smem:$0x7E9]  }
0x78: {  	[smem:$0x7E3] =	sst s0  }
0x79: {  	s0 =	sadd.s32 s2, s14;
	s2 =	sld [smem:$0x7ED]  }
0x7a: {  	[smem:$0x7E6] =	sst s0  }
0x7b: {  	s0 =	sadd.s32 s3, s14;
	s3 =	sld [smem:$0x7EF]  }
0x7c: {  	s8 =	sadd.s32 s8, s14;
	s9 =	sadd.s32 s9, s14;
	[smem:$0x7E8] =	sst s0  }
0x7d: {  	s11 =	sadd.s32 s11, s14;
	s0 =	sadd.s32 s4, s14;
	s4 =	sld [smem:$0x7F1]  }
0x7e: {  	s12 =	sadd.s32 s12, s14;
	s13 =	sadd.s32 s13, s14;
	[smem:$0x7EA] =	sst s0  }
0x7f: {  	s17 =	sadd.s32 s17, s14;
	s0 =	sadd.s32 s10, s14;
	s10 =	sld [smem:$0x7F3]  }
0x80: {  	s6 =	sadd.s32 s6, s14;
	[smem:$0x7EC] =	sst s0;
	s0 =	sadd.s32 s2, s14  }
0x81: {  	s19 =	sadd.s32 s19, s14;
	s2 =	sadd.s32 s16, s14;
	[smem:$0x7EE] =	sst s0  }
0x82: {  	s21 =	sadd.s32 s21, s14;
	s22 =	sadd.s32 s22, s14;
	[smem:$0x7F5] =	sst s2  }
0x83: {  	s23 =	sadd.s32 s23, s14;
	s0 =	sadd.s32 s3, s14;
	s3 =	sld [smem:$0x7F6]  }
0x84: {  	s25 =	sadd.s32 s25, s14;
	s2 =	sadd.s32 s26, s14;
	[smem:$0x7F0] =	sst s0  }
0x85: {  	s16 =	sadd.s32 s30, s14;
	s0 =	sadd.s32 s4, s14;
	[smem:$0x7F9] =	sst s2  }
0x86: {  	s30 =	simm.s32 $0x1;
	s4 =	sadd.s32 s29, s14;
	[smem:$0x7F2] =	sst s0  }
0x87: {  	s26 =	sadd.s32 s18, s14;
	s0 =	sadd.s32 s10, s14;
	[smem:$0x7F8] =	sst s4  }
0x88: {  	s4 =	sadd.s32 s24, s14;
	s24 =	sadd.s32 s20, s14;
	s20 =	sld [smem:$0x7FC]  }
0x89: {  	s29 =	simm.s32 $0x6800;
	s10 =	sadd.s32 s15, s14;
	[smem:$0x7F4] =	sst s0  }
0x8a: {  	s15 =	sadd.s32 s7, s14;
	s0 =	sadd.s32 s3, s14;
	[smem:$0x7FB] =	sst s4  }
0x8b: {  	s7 =	sadd.s32 s31, s14;
	s3 =	sadd.s32 s28, s14;
	[smem:$0x7F7] =	sst s0  }
0x8c: {  	s31 =	simm.s32 $0x80;
	[smem:$0x7FA] =	sst s3;
	s0 =	smax.u32 s20, $0x1  }
0x8d: {  	v0 =	vimm.f32 $0.0e+00;
	s28 =	sadd.s32 s5, s14;
	[smem:$0x7FD] =	sst s0;
	s0 =	simm.s32 $0x2800  }
.LBB2_1:
0x8e: {  	s2 =	simm.s32 $0x0;
	s3 =	simm.s32 $0x200  }
.LBB2_2:
0x8f: {  	p0 =	sne.s32 s3, $0x1E00;
	[tilespmem:s2+$0x6870] =	vst v0  }
0x90: {  	[tilespmem:s2+$0x6800] =	vst v0  }
0x91: {  	[tilespmem:s2+$0x6810] =	vst v0  }
.Ltmp0:
0x92: {  	[tilespmem:s2+$0x6820] =	vst v0;
	(pc) =	sbr.rel @p0 .LBB2_2-.Ltmp0, $4  }
0x93: {  	[tilespmem:s2+$0x6830] =	vst v0  }
0x94: {  	[tilespmem:s2+$0x6840] =	vst v0  }
0x95: {  	[tilespmem:s2+$0x6850] =	vst v0  }
0x96: {  	[tilespmem:s2+$0x6860] =	vst v0;
	s2 =	sshra.s32 s3, $0x2;
	s3 =	sadd.s32 $0x200, s3  }
0x97: {  	[tilespmem:s2+$0x6870] =	vst v0  }
0x98: {  	[tilespmem:s2+$0x6800] =	vst v0  }
0x99: {  	[tilespmem:s2+$0x6810] =	vst v0  }
0x9a: {  	[tilespmem:s2+$0x6820] =	vst v0  }
0x9b: {  	[tilespmem:s2+$0x6830] =	vst v0  }
0x9c: {  	[tilespmem:s2+$0x6840] =	vst v0;
	s20 =	sld [smem:$0x7D9]  }
0x9d: {  	[tilespmem:s2+$0x6850] =	vst v0  }
0x9e: {  	[tilespmem:s2+$0x6860] =	vst v0  }
0x9f: {  	[spmem:s20] =	stream.linear.scatter [tilespmem:s29], [sflag:$0x1], $0x800, $0x38;
	[tilespmem:$0x1B000] =	vst v63  }
0xa0: {  	_ =	swait.ge [sflag:s30], $0x800  }
0xa1: {  	s3 =	sld [smem:$0x7DB]  }
0xa2: {  	[sflag:s30] =	ssyncset.done $0x0  }
0xa3: {  	[sflag:s30] =	ssyncadd.s32 $0xFFFFF800  }
0xa4: {  	[spmem:s3] =	stream.linear.scatter [tilespmem:s29], [sflag:$0x1], $0x800, $0x38;
	[tilespmem:$0x1B000] =	vst v63  }
0xa5: {  	_ =	swait.ge [sflag:s30], $0x800  }
0xa6: {  	s4 =	sld [smem:$0x7DD]  }
0xa7: {  	[sflag:s30] =	ssyncset.done $0x0  }
0xa8: {  	[sflag:s30] =	ssyncadd.s32 $0xFFFFF800  }
0xa9: {  	[spmem:s4] =	stream.linear.scatter [tilespmem:s29], [sflag:$0x1], $0x800, $0x38;
	[tilespmem:$0x1B000] =	vst v63  }
0xaa: {  	_ =	swait.ge [sflag:s30], $0x800  }
0xab: {  	s5 =	sld [smem:$0x7DF]  }
0xac: {  	[sflag:s30] =	ssyncset.done $0x0  }
0xad: {  	[sflag:s30] =	ssyncadd.s32 $0xFFFFF800  }
0xae: {  	[spmem:s5] =	stream.linear.scatter [tilespmem:s29], [sflag:$0x1], $0x800, $0x38;
	[tilespmem:$0x1B000] =	vst v63  }
0xaf: {  	_ =	swait.ge [sflag:s30], $0x800  }
0xb0: {  	s18 =	sld [smem:$0x7E1]  }
0xb1: {  	[sflag:s30] =	ssyncset.done $0x0  }
0xb2: {  	[sflag:s30] =	ssyncadd.s32 $0xFFFFF800  }
0xb3: {  	[spmem:s18] =	stream.linear.scatter [tilespmem:s29], [sflag:$0x1], $0x800, $0x38;
	[tilespmem:$0x1B000] =	vst v63  }
0xb4: {  	_ =	swait.ge [sflag:s30], $0x800  }
0xb5: {  	s20 =	sld [smem:$0x7E3]  }
0xb6: {  	[sflag:s30] =	ssyncset.done $0x0  }
0xb7: {  	[sflag:s30] =	ssyncadd.s32 $0xFFFFF800  }
0xb8: {  	[spmem:s20] =	stream.linear.scatter [tilespmem:s29], [sflag:$0x1], $0x800, $0x38;
	[tilespmem:$0x1B000] =	vst v63  }
0xb9: {  	_ =	swait.ge [sflag:s30], $0x800  }
0xba: {  	s3 =	sld [smem:$0x7E4]  }
0xbb: {  	[sflag:s30] =	ssyncset.done $0x0  }
0xbc: {  	[sflag:s30] =	ssyncadd.s32 $0xFFFFF800  }
0xbd: {  	[spmem:s3] =	stream.linear.scatter [tilespmem:s29], [sflag:$0x1], $0x800, $0x38;
	[tilespmem:$0x1B000] =	vst v63  }
0xbe: {  	_ =	swait.ge [sflag:s30], $0x800  }
0xbf: {  	s4 =	sld [smem:$0x7E6]  }
0xc0: {  	[sflag:s30] =	ssyncset.done $0x0  }
0xc1: {  	[sflag:s30] =	ssyncadd.s32 $0xFFFFF800  }
0xc2: {  	[spmem:s4] =	stream.linear.scatter [tilespmem:s29], [sflag:$0x1], $0x800, $0x38;
	[tilespmem:$0x1B000] =	vst v63  }
0xc3: {  	_ =	swait.ge [sflag:s30], $0x800  }
0xc4: {  	s5 =	sld [smem:$0x7E8]  }
0xc5: {  	[sflag:s30] =	ssyncset.done $0x0  }
0xc6: {  	[sflag:s30] =	ssyncadd.s32 $0xFFFFF800  }
0xc7: {  	[spmem:s5] =	stream.linear.scatter [tilespmem:s29], [sflag:$0x1], $0x800, $0x38;
	[tilespmem:$0x1B000] =	vst v63  }
0xc8: {  	_ =	swait.ge [sflag:s30], $0x800  }
0xc9: {  	s18 =	sld [smem:$0x7EA]  }
0xca: {  	[sflag:s30] =	ssyncset.done $0x0  }
0xcb: {  	[sflag:s30] =	ssyncadd.s32 $0xFFFFF800  }
0xcc: {  	[spmem:s18] =	stream.linear.scatter [tilespmem:s29], [sflag:$0x1], $0x800, $0x38;
	[tilespmem:$0x1B000] =	vst v63  }
0xcd: {  	_ =	swait.ge [sflag:s30], $0x800  }
0xce: {  	s20 =	sld [smem:$0x7EC]  }
0xcf: {  	[sflag:s30] =	ssyncset.done $0x0  }
0xd0: {  	[sflag:s30] =	ssyncadd.s32 $0xFFFFF800  }
0xd1: {  	[spmem:s20] =	stream.linear.scatter [tilespmem:s29], [sflag:$0x1], $0x800, $0x38;
	[tilespmem:$0x1B000] =	vst v63  }
0xd2: {  	_ =	swait.ge [sflag:s30], $0x800  }
0xd3: {  	s3 =	sld [smem:$0x7EE]  }
0xd4: {  	[sflag:s30] =	ssyncset.done $0x0  }
0xd5: {  	[sflag:s30] =	ssyncadd.s32 $0xFFFFF800  }
0xd6: {  	[spmem:s3] =	stream.linear.scatter [tilespmem:s29], [sflag:$0x1], $0x800, $0x38;
	[tilespmem:$0x1B000] =	vst v63  }
0xd7: {  	_ =	swait.ge [sflag:s30], $0x800  }
0xd8: {  	s4 =	sld [smem:$0x7F0]  }
0xd9: {  	[sflag:s30] =	ssyncset.done $0x0  }
0xda: {  	[sflag:s30] =	ssyncadd.s32 $0xFFFFF800  }
0xdb: {  	[spmem:s4] =	stream.linear.scatter [tilespmem:s29], [sflag:$0x1], $0x800, $0x38;
	[tilespmem:$0x1B000] =	vst v63  }
0xdc: {  	_ =	swait.ge [sflag:s30], $0x800  }
0xdd: {  	s5 =	sld [smem:$0x7F2]  }
0xde: {  	[sflag:s30] =	ssyncset.done $0x0  }
0xdf: {  	[sflag:s30] =	ssyncadd.s32 $0xFFFFF800  }
0xe0: {  	[spmem:s5] =	stream.linear.scatter [tilespmem:s29], [sflag:$0x1], $0x800, $0x38;
	[tilespmem:$0x1B000] =	vst v63  }
0xe1: {  	_ =	swait.ge [sflag:s30], $0x800  }
0xe2: {  	s18 =	sld [smem:$0x7F4]  }
0xe3: {  	[sflag:s30] =	ssyncset.done $0x0  }
0xe4: {  	[sflag:s30] =	ssyncadd.s32 $0xFFFFF800  }
0xe5: {  	[spmem:s18] =	stream.linear.scatter [tilespmem:s29], [sflag:$0x1], $0x800, $0x38;
	[tilespmem:$0x1B000] =	vst v63  }
0xe6: {  	_ =	swait.ge [sflag:s30], $0x800  }
0xe7: {  	s20 =	sld [smem:$0x7F5]  }
0xe8: {  	[sflag:s30] =	ssyncset.done $0x0  }
0xe9: {  	[sflag:s30] =	ssyncadd.s32 $0xFFFFF800  }
0xea: {  	[spmem:s20] =	stream.linear.scatter [tilespmem:s29], [sflag:$0x1], $0x800, $0x38;
	[tilespmem:$0x1B000] =	vst v63  }
0xeb: {  	_ =	swait.ge [sflag:s30], $0x800  }
0xec: {  	s3 =	sld [smem:$0x7F7]  }
0xed: {  	[sflag:s30] =	ssyncset.done $0x0  }
0xee: {  	[sflag:s30] =	ssyncadd.s32 $0xFFFFF800  }
0xef: {  	[spmem:s3] =	stream.linear.scatter [tilespmem:s29], [sflag:$0x1], $0x800, $0x38;
	[tilespmem:$0x1B000] =	vst v63  }
0xf0: {  	_ =	swait.ge [sflag:s30], $0x800  }
0xf1: {  	[sflag:s30] =	ssyncset.done $0x0  }
0xf2: {  	[sflag:s30] =	ssyncadd.s32 $0xFFFFF800  }
0xf3: {  	[spmem:s8] =	stream.linear.scatter [tilespmem:s29], [sflag:$0x1], $0x800, $0x38;
	[tilespmem:$0x1B000] =	vst v63  }
0xf4: {  	_ =	swait.ge [sflag:s30], $0x800  }
0xf5: {  	[sflag:s30] =	ssyncset.done $0x0  }
0xf6: {  	[sflag:s30] =	ssyncadd.s32 $0xFFFFF800  }
0xf7: {  	[spmem:s9] =	stream.linear.scatter [tilespmem:s29], [sflag:$0x1], $0x800, $0x38;
	[tilespmem:$0x1B000] =	vst v63  }
0xf8: {  	_ =	swait.ge [sflag:s30], $0x800  }
0xf9: {  	[sflag:s30] =	ssyncset.done $0x0  }
0xfa: {  	[sflag:s30] =	ssyncadd.s32 $0xFFFFF800  }
0xfb: {  	[spmem:s10] =	stream.linear.scatter [tilespmem:s29], [sflag:$0x1], $0x800, $0x38;
	[tilespmem:$0x1B000] =	vst v63  }
0xfc: {  	_ =	swait.ge [sflag:s30], $0x800  }
0xfd: {  	[sflag:s30] =	ssyncset.done $0x0  }
0xfe: {  	[sflag:s30] =	ssyncadd.s32 $0xFFFFF800  }
0xff: {  	[spmem:s11] =	stream.linear.scatter [tilespmem:s29], [sflag:$0x1], $0x800, $0x38;
	[tilespmem:$0x1B000] =	vst v63  }
0x100: {  	_ =	swait.ge [sflag:s30], $0x800  }
0x101: {  	[sflag:s30] =	ssyncset.done $0x0  }
0x102: {  	[sflag:s30] =	ssyncadd.s32 $0xFFFFF800  }
0x103: {  	[spmem:s12] =	stream.linear.scatter [tilespmem:s29], [sflag:$0x1], $0x800, $0x38;
	[tilespmem:$0x1B000] =	vst v63  }
0x104: {  	_ =	swait.ge [sflag:s30], $0x800  }
0x105: {  	[sflag:s30] =	ssyncset.done $0x0  }
0x106: {  	[sflag:s30] =	ssyncadd.s32 $0xFFFFF800  }
0x107: {  	[spmem:s13] =	stream.linear.scatter [tilespmem:s29], [sflag:$0x1], $0x800, $0x38;
	[tilespmem:$0x1B000] =	vst v63  }
0x108: {  	_ =	swait.ge [sflag:s30], $0x800  }
0x109: {  	[sflag:s30] =	ssyncset.done $0x0  }
0x10a: {  	[sflag:s30] =	ssyncadd.s32 $0xFFFFF800  }
0x10b: {  	[spmem:s15] =	stream.linear.scatter [tilespmem:s29], [sflag:$0x1], $0x800, $0x38;
	[tilespmem:$0x1B000] =	vst v63  }
0x10c: {  	_ =	swait.ge [sflag:s30], $0x800  }
0x10d: {  	[sflag:s30] =	ssyncset.done $0x0  }
0x10e: {  	[sflag:s30] =	ssyncadd.s32 $0xFFFFF800  }
0x10f: {  	[spmem:s16] =	stream.linear.scatter [tilespmem:s29], [sflag:$0x1], $0x800, $0x38;
	[tilespmem:$0x1B000] =	vst v63  }
0x110: {  	_ =	swait.ge [sflag:s30], $0x800  }
0x111: {  	[sflag:s30] =	ssyncset.done $0x0  }
0x112: {  	[sflag:s30] =	ssyncadd.s32 $0xFFFFF800  }
0x113: {  	[spmem:s7] =	stream.linear.scatter [tilespmem:s29], [sflag:$0x1], $0x800, $0x38;
	[tilespmem:$0x1B000] =	vst v63  }
0x114: {  	_ =	swait.ge [sflag:s30], $0x800  }
0x115: {  	s4 =	sld [smem:$0x7F8]  }
0x116: {  	[sflag:s30] =	ssyncset.done $0x0  }
0x117: {  	[sflag:s30] =	ssyncadd.s32 $0xFFFFF800  }
0x118: {  	[spmem:s4] =	stream.linear.scatter [tilespmem:s29], [sflag:$0x1], $0x800, $0x38;
	[tilespmem:$0x1B000] =	vst v63  }
0x119: {  	_ =	swait.ge [sflag:s30], $0x800  }
0x11a: {  	s5 =	sld [smem:$0x7F9]  }
0x11b: {  	[sflag:s30] =	ssyncset.done $0x0  }
0x11c: {  	[sflag:s30] =	ssyncadd.s32 $0xFFFFF800  }
0x11d: {  	[spmem:s5] =	stream.linear.scatter [tilespmem:s29], [sflag:$0x1], $0x800, $0x38;
	[tilespmem:$0x1B000] =	vst v63  }
0x11e: {  	_ =	swait.ge [sflag:s30], $0x800  }
0x11f: {  	s18 =	sld [smem:$0x7FA]  }
0x120: {  	[sflag:s30] =	ssyncset.done $0x0  }
0x121: {  	[sflag:s30] =	ssyncadd.s32 $0xFFFFF800  }
0x122: {  	[spmem:s18] =	stream.linear.scatter [tilespmem:s29], [sflag:$0x1], $0x800, $0x38;
	[tilespmem:$0x1B000] =	vst v63  }
0x123: {  	_ =	swait.ge [sflag:s30], $0x800  }
0x124: {  	[sflag:s30] =	ssyncset.done $0x0  }
0x125: {  	[sflag:s30] =	ssyncadd.s32 $0xFFFFF800  }
0x126: {  	[spmem:s17] =	stream.linear.scatter [tilespmem:s29], [sflag:$0x1], $0x800, $0x38;
	[tilespmem:$0x1B000] =	vst v63  }
0x127: {  	_ =	swait.ge [sflag:s30], $0x800  }
0x128: {  	[sflag:s30] =	ssyncset.done $0x0  }
0x129: {  	[sflag:s30] =	ssyncadd.s32 $0xFFFFF800  }
0x12a: {  	[spmem:s6] =	stream.linear.scatter [tilespmem:s29], [sflag:$0x1], $0x800, $0x38;
	[tilespmem:$0x1B000] =	vst v63  }
0x12b: {  	_ =	swait.ge [sflag:s30], $0x800  }
0x12c: {  	[sflag:s30] =	ssyncset.done $0x0  }
0x12d: {  	[sflag:s30] =	ssyncadd.s32 $0xFFFFF800  }
0x12e: {  	[spmem:s19] =	stream.linear.scatter [tilespmem:s29], [sflag:$0x1], $0x800, $0x38;
	[tilespmem:$0x1B000] =	vst v63  }
0x12f: {  	_ =	swait.ge [sflag:s30], $0x800  }
0x130: {  	s20 =	smov.u32 s19;
	s19 =	sld [smem:$0x7FB]  }
0x131: {  	[sflag:s30] =	ssyncset.done $0x0  }
0x132: {  	[sflag:s30] =	ssyncadd.s32 $0xFFFFF800  }
0x133: {  	[spmem:s19] =	stream.linear.scatter [tilespmem:s29], [sflag:$0x1], $0x800, $0x38;
	[tilespmem:$0x1B000] =	vst v63  }
0x134: {  	_ =	swait.ge [sflag:s30], $0x800  }
0x135: {  	[sflag:s30] =	ssyncset.done $0x0  }
0x136: {  	[sflag:s30] =	ssyncadd.s32 $0xFFFFF800  }
0x137: {  	[spmem:s21] =	stream.linear.scatter [tilespmem:s29], [sflag:$0x1], $0x800, $0x38;
	[tilespmem:$0x1B000] =	vst v63  }
0x138: {  	_ =	swait.ge [sflag:s30], $0x800  }
0x139: {  	[sflag:s30] =	ssyncset.done $0x0  }
0x13a: {  	[sflag:s30] =	ssyncadd.s32 $0xFFFFF800  }
0x13b: {  	[spmem:s22] =	stream.linear.scatter [tilespmem:s29], [sflag:$0x1], $0x800, $0x38;
	[tilespmem:$0x1B000] =	vst v63  }
0x13c: {  	_ =	swait.ge [sflag:s30], $0x800  }
0x13d: {  	[sflag:s30] =	ssyncset.done $0x0  }
0x13e: {  	[sflag:s30] =	ssyncadd.s32 $0xFFFFF800  }
0x13f: {  	[spmem:s23] =	stream.linear.scatter [tilespmem:s29], [sflag:$0x1], $0x800, $0x38;
	[tilespmem:$0x1B000] =	vst v63  }
0x140: {  	_ =	swait.ge [sflag:s30], $0x800  }
0x141: {  	[sflag:s30] =	ssyncset.done $0x0  }
0x142: {  	[sflag:s30] =	ssyncadd.s32 $0xFFFFF800  }
0x143: {  	[spmem:s24] =	stream.linear.scatter [tilespmem:s29], [sflag:$0x1], $0x800, $0x38;
	[tilespmem:$0x1B000] =	vst v63  }
0x144: {  	_ =	swait.ge [sflag:s30], $0x800  }
0x145: {  	[sflag:s30] =	ssyncset.done $0x0  }
0x146: {  	[sflag:s30] =	ssyncadd.s32 $0xFFFFF800  }
0x147: {  	[spmem:s25] =	stream.linear.scatter [tilespmem:s29], [sflag:$0x1], $0x800, $0x38;
	[tilespmem:$0x1B000] =	vst v63  }
0x148: {  	_ =	swait.ge [sflag:s30], $0x800  }
0x149: {  	[sflag:s30] =	ssyncset.done $0x0  }
0x14a: {  	[sflag:s30] =	ssyncadd.s32 $0xFFFFF800  }
0x14b: {  	[spmem:s26] =	stream.linear.scatter [tilespmem:s29], [sflag:$0x1], $0x800, $0x38;
	[tilespmem:$0x1B000] =	vst v63  }
0x14c: {  	_ =	swait.ge [sflag:s30], $0x800  }
0x14d: {  	[sflag:s30] =	ssyncset.done $0x0  }
0x14e: {  	[sflag:s30] =	ssyncadd.s32 $0xFFFFF800  }
0x14f: {  	[spmem:s28] =	stream.linear.scatter [tilespmem:s29], [sflag:$0x1], $0x800, $0x38;
	[tilespmem:$0x1B000] =	vst v63  }
0x150: {  	_ =	swait.ge [sflag:s30], $0x800  }
0x151: {  	s2 =	simm.s32 $0x0;
	[sflag:s30] =	ssyncset.done $0x0  }
0x152: {  	s3 =	simm.s32 $0x200;
	s18 =	smov.u32 s17;
	[sflag:s30] =	ssyncadd.s32 $0xFFFFF800  }
.LBB2_4:
0x153: {  	p0 =	sne.s32 s3, $0xFE00;
	[tilespmem:s2+$0x2870] =	vst v0  }
0x154: {  	[tilespmem:s2+$0x2800] =	vst v0  }
0x155: {  	[tilespmem:s2+$0x2810] =	vst v0  }
.Ltmp1:
0x156: {  	[tilespmem:s2+$0x2820] =	vst v0;
	(pc) =	sbr.rel @p0 .LBB2_4-.Ltmp1, $4  }
0x157: {  	[tilespmem:s2+$0x2830] =	vst v0  }
0x158: {  	[tilespmem:s2+$0x2840] =	vst v0  }
0x159: {  	[tilespmem:s2+$0x2850] =	vst v0  }
0x15a: {  	[tilespmem:s2+$0x2860] =	vst v0;
	s2 =	sshra.s32 s3, $0x2;
	s3 =	sadd.s32 $0x200, s3  }
0x15b: {  	[tilespmem:s2+$0x2870] =	vst v0  }
0x15c: {  	[tilespmem:s2+$0x2800] =	vst v0  }
0x15d: {  	[tilespmem:s2+$0x2810] =	vst v0  }
0x15e: {  	[tilespmem:s2+$0x2820] =	vst v0  }
0x15f: {  	[tilespmem:s2+$0x2830] =	vst v0  }
0x160: {  	[tilespmem:s2+$0x2840] =	vst v0  }
0x161: {  	[tilespmem:s2+$0x2850] =	vst v0  }
0x162: {  	[tilespmem:s2+$0x2860] =	vst v0  }
0x163: {  	[bflag:$0x0] =	sbarrier.arrive $0xFFFF  }
0x164: {  	s2 =	simm.s32 $0x0;
	s3 =	rddreg [dreg:$0x5]  }
0x165: {  	[tilespmem:s2], [sflag:$0x1] =	stream.linear.gather [hbm4b:s3+s2], $0x1400, $0x38;
	[tilespmem:$0x1B000] =	vst v63  }
0x166: {  	_ =	swait.ge [sflag:s30], $0x1400  }
0x167: {  	[sflag:s30] =	ssyncset.done $0x0  }
0x168: {  	s3 =	simm.s32 $0x1400;
	s4 =	rddreg [dreg:$0x6];
	[sflag:s30] =	ssyncadd.s32 $0xFFFFEC00  }
0x169: {  	[tilespmem:s3], [sflag:$0x1] =	stream.linear.gather [hbm4b:s4+s2], $0x1400, $0x38;
	[tilespmem:$0x1B000] =	vst v63  }
0x16a: {  	_ =	swait.ge [sflag:s30], $0x1400  }
0x16b: {  	[sflag:s30] =	ssyncset.done $0x0  }
0x16c: {  	s19 =	smov.u32 s6;
	s17 =	smov.u32 s7;
	[sflag:s30] =	ssyncadd.s32 $0xFFFFEC00  }
.LBB2_6:
0x16d: {  	v1 =	vmov s3;
	_ =	sdelay $0x3  }
0x16e: {  	s4 =	simm.s32 $0x0  }
0x16f: {  	v2 =	vld.idx.msk [tilespmem:v1+s4+$0x0 ss:$0x1], $0xffff;
	_ =	sdelay $0x4  }
0x170: {  	v3 =	vbroadcast v2, $0x0  }
0x171: {  	s5 =	simm.s32 $0x2C00;
	v4 =	vbroadcast v2, $0x1  }
0x172: {  	v5 =	vbroadcast v2, $0x2;
	[tilespmem:s5+$0xFFFFFC00] =	vst v3  }
0x173: {  	v56 =	vbroadcast v2, $0x4;
	[tilespmem:s5+$0xFFFFFC80] =	vst v4  }
0x174: {  	v57 =	vbroadcast v2, $0x5;
	[tilespmem:s5+$0xFFFFFD00] =	vst v5  }
0x175: {  	v58 =	vbroadcast v2, $0x7;
	[tilespmem:s5+$0xFFFFFE00] =	vst v56  }
0x176: {  	v59 =	vbroadcast v2, $0x8;
	[tilespmem:s5+$0xFFFFFE80] =	vst v57  }
0x177: {  	v60 =	vbroadcast v2, $0xA;
	[tilespmem:s5+$0xFFFFFF80] =	vst v58  }
0x178: {  	v3 =	vbroadcast v2, $0x3;
	[tilespmem:s5+$0x0] =	vst v59  }
0x179: {  	v61 =	vbroadcast v2, $0xB;
	[tilespmem:s5+$0x100] =	vst v60  }
0x17a: {  	[tilespmem:s5+$0xFFFFFD80] =	vst v3;
	v3 =	vbroadcast v2, $0x6  }
0x17b: {  	v62 =	vbroadcast v2, $0xD;
	[tilespmem:s5+$0x180] =	vst v61  }
0x17c: {  	[tilespmem:s5+$0xFFFFFF00] =	vst v3;
	v3 =	vbroadcast v2, $0x9  }
0x17d: {  	v63 =	vbroadcast v2, $0xE;
	[tilespmem:s5+$0x280] =	vst v62  }
0x17e: {  	[tilespmem:s5+$0x80] =	vst v3;
	v3 =	vbroadcast v2, $0xC  }
0x17f: {  	[tilespmem:s5+$0x300] =	vst v63;
	v2 =	vbroadcast v2, $0xF  }
0x180: {  	[tilespmem:s5+$0x200] =	vst v3  }
0x181: {  	s7 =	simm.s32 $0x10;
	s6 =	simm.s32 $0x80;
	s4 =	sshll.u32 s2, $0x9;
	[tilespmem:s5+$0x380] =	vst v2  }
.LBB2_7:
0x182: {  	p0 =	sne.s32 s6, $0x1C0;
	v2 =	vld.idx.msk [tilespmem:v1+s7+$0x0 ss:$0x1], $0xffff;
	_ =	sdelay $0x5  }
0x183: {  	v3 =	vbroadcast v2, $0x0;
	v4 =	vbroadcast v2, $0x1  }
0x184: {  	s5 =	sadd.s32 $0x800, s5;
	v5 =	vbroadcast v2, $0x2;
	v6 =	vbroadcast v2, $0x3  }
0x185: {  	v7 =	vbroadcast v2, $0x5;
	[tilespmem:s5+$0xFFFFFC00] =	vst v3;
	v3 =	vbroadcast v2, $0x4  }
0x186: {  	v8 =	vbroadcast v2, $0x7;
	[tilespmem:s5+$0xFFFFFC80] =	vst v4;
	v4 =	vbroadcast v2, $0x6  }
0x187: {  	v9 =	vbroadcast v2, $0x9;
	[tilespmem:s5+$0xFFFFFD00] =	vst v5;
	v5 =	vbroadcast v2, $0x8  }
0x188: {  	v10 =	vbroadcast v2, $0xB;
	[tilespmem:s5+$0xFFFFFD80] =	vst v6;
	v6 =	vbroadcast v2, $0xA  }
0x189: {  	v11 =	vbroadcast v2, $0xD;
	[tilespmem:s5+$0xFFFFFE00] =	vst v3;
	v3 =	vbroadcast v2, $0xC  }
0x18a: {  	[tilespmem:s5+$0xFFFFFE80] =	vst v7;
	v7 =	vbroadcast v2, $0xE;
	v2 =	vbroadcast v2, $0xF  }
0x18b: {  	[tilespmem:s5+$0xFFFFFF00] =	vst v4  }
0x18c: {  	[tilespmem:s5+$0xFFFFFF80] =	vst v8  }
0x18d: {  	[tilespmem:s5+$0x0] =	vst v5  }
0x18e: {  	[tilespmem:s5+$0x80] =	vst v9  }
0x18f: {  	[tilespmem:s5+$0x100] =	vst v6  }
.Ltmp2:
0x190: {  	[tilespmem:s5+$0x180] =	vst v10;
	(pc) =	sbr.rel @p0 .LBB2_7-.Ltmp2, $4  }
0x191: {  	[tilespmem:s5+$0x200] =	vst v3  }
0x192: {  	[tilespmem:s5+$0x280] =	vst v11  }
0x193: {  	[tilespmem:s5+$0x300] =	vst v7  }
0x194: {  	s7 =	sshra.s32 s6, $0x2;
	s6 =	sadd.s32 $0x40, s6;
	[tilespmem:s5+$0x380] =	vst v2  }
0x195: {  	_ =	sdelay $0x3  }
0x196: {  	v1 =	vld.idx.msk [tilespmem:v1+s7+$0x0 ss:$0x1], $0xffff;
	_ =	sdelay $0x4  }
0x197: {  	v2 =	vbroadcast v1, $0x0  }
0x198: {  	s5 =	sadd.s32 $0x800, s5;
	v3 =	vbroadcast v1, $0x1  }
0x199: {  	v4 =	vbroadcast v1, $0x2;
	[tilespmem:s5+$0xFFFFFC00] =	vst v2  }
0x19a: {  	v60 =	vbroadcast v1, $0x5;
	[tilespmem:s5+$0xFFFFFC80] =	vst v3  }
0x19b: {  	v61 =	vbroadcast v1, $0x8;
	[tilespmem:s5+$0xFFFFFD00] =	vst v4  }
0x19c: {  	v62 =	vbroadcast v1, $0xB;
	[tilespmem:s5+$0xFFFFFE80] =	vst v60  }
0x19d: {  	v63 =	vbroadcast v1, $0xE;
	[tilespmem:s5+$0x0] =	vst v61  }
0x19e: {  	v2 =	vbroadcast v1, $0x3;
	[tilespmem:s5+$0x180] =	vst v62  }
0x19f: {  	v3 =	vbroadcast v1, $0x4;
	[tilespmem:s5+$0x300] =	vst v63  }
0x1a0: {  	[tilespmem:s5+$0xFFFFFD80] =	vst v2;
	v2 =	vbroadcast v1, $0x6  }
0x1a1: {  	[tilespmem:s5+$0xFFFFFE00] =	vst v3;
	v3 =	vbroadcast v1, $0x7  }
0x1a2: {  	[tilespmem:s5+$0xFFFFFF00] =	vst v2;
	v2 =	vbroadcast v1, $0x9  }
0x1a3: {  	[tilespmem:s5+$0xFFFFFF80] =	vst v3;
	v3 =	vbroadcast v1, $0xA  }
0x1a4: {  	[tilespmem:s5+$0x80] =	vst v2;
	v2 =	vbroadcast v1, $0xC  }
0x1a5: {  	[tilespmem:s5+$0x100] =	vst v3;
	v3 =	vbroadcast v1, $0xD  }
0x1a6: {  	s2 =	sadd.s32 $0x1, s2;
	v1 =	vbroadcast v1, $0xF;
	[tilespmem:s5+$0x200] =	vst v2  }
0x1a7: {  	p0 =	sne.s32 s2, $0x28;
	[tilespmem:s5+$0x280] =	vst v3  }
.Ltmp3:
0x1a8: {  	s4 =	sshrl.u32 s4, $0x2;
	[tilespmem:s5+$0x380] =	vst v1;
	(pc) =	sbr.rel @p0 .LBB2_6-.Ltmp3, $4  }
0x1a9: {  	[spmem:s14] =	stream.indirect.scatter.add.f32 [tilespmem:s0], [sflag:$0x1], $0x80, s4, s31, $0xb8;
	[tilespmem:$0x1B000] =	vst v63  }
0x1aa: {  	_ =	swait.ge [sflag:s30], $0x4000  }
0x1ab: {  	[sflag:s30] =	ssyncset.done $0x0  }
0x1ac: {  	s3 =	sadd.s32 $0x80, s3;
	[sflag:s30] =	ssyncadd.s32 $0xFFFFC000  }
0x1ad: {  	s2 =	simm.s32 $0x0;
	s3 =	rddreg [dreg:$0x7]  }
0x1ae: {  	[tilespmem:s2], [sflag:$0x1] =	stream.linear.gather [hbm4b:s3+s2], $0x1400, $0x38;
	[tilespmem:$0x1B000] =	vst v63  }
0x1af: {  	_ =	swait.ge [sflag:s30], $0x1400  }
0x1b0: {  	[sflag:s30] =	ssyncset.done $0x0  }
0x1b1: {  	s3 =	simm.s32 $0x1400;
	s4 =	rddreg [dreg:$0x8];
	[sflag:s30] =	ssyncadd.s32 $0xFFFFEC00  }
0x1b2: {  	[tilespmem:s3], [sflag:$0x1] =	stream.linear.gather [hbm4b:s4+s2], $0x1400, $0x38;
	[tilespmem:$0x1B000] =	vst v63  }
0x1b3: {  	_ =	swait.ge [sflag:s30], $0x1400  }
0x1b4: {  	[sflag:s30] =	ssyncset.done $0x0  }
0x1b5: {  	[sflag:s30] =	ssyncadd.s32 $0xFFFFEC00  }
.LBB2_10:
0x1b6: {  	v1 =	vmov s3;
	_ =	sdelay $0x3  }
0x1b7: {  	s4 =	simm.s32 $0x0  }
0x1b8: {  	v2 =	vld.idx.msk [tilespmem:v1+s4+$0x0 ss:$0x1], $0xffff;
	_ =	sdelay $0x4  }
0x1b9: {  	v3 =	vbroadcast v2, $0x0  }
0x1ba: {  	s5 =	simm.s32 $0x2C00;
	v4 =	vbroadcast v2, $0x1  }
0x1bb: {  	v5 =	vbroadcast v2, $0x2;
	[tilespmem:s5+$0xFFFFFC00] =	vst v3  }
0x1bc: {  	v56 =	vbroadcast v2, $0x4;
	[tilespmem:s5+$0xFFFFFC80] =	vst v4  }
0x1bd: {  	v57 =	vbroadcast v2, $0x5;
	[tilespmem:s5+$0xFFFFFD00] =	vst v5  }
0x1be: {  	v58 =	vbroadcast v2, $0x7;
	[tilespmem:s5+$0xFFFFFE00] =	vst v56  }
0x1bf: {  	v59 =	vbroadcast v2, $0x8;
	[tilespmem:s5+$0xFFFFFE80] =	vst v57  }
0x1c0: {  	v60 =	vbroadcast v2, $0xA;
	[tilespmem:s5+$0xFFFFFF80] =	vst v58  }
0x1c1: {  	v3 =	vbroadcast v2, $0x3;
	[tilespmem:s5+$0x0] =	vst v59  }
0x1c2: {  	v61 =	vbroadcast v2, $0xB;
	[tilespmem:s5+$0x100] =	vst v60  }
0x1c3: {  	[tilespmem:s5+$0xFFFFFD80] =	vst v3;
	v3 =	vbroadcast v2, $0x6  }
0x1c4: {  	v62 =	vbroadcast v2, $0xD;
	[tilespmem:s5+$0x180] =	vst v61  }
0x1c5: {  	[tilespmem:s5+$0xFFFFFF00] =	vst v3;
	v3 =	vbroadcast v2, $0x9  }
0x1c6: {  	v63 =	vbroadcast v2, $0xE;
	[tilespmem:s5+$0x280] =	vst v62  }
0x1c7: {  	[tilespmem:s5+$0x80] =	vst v3;
	v3 =	vbroadcast v2, $0xC  }
0x1c8: {  	[tilespmem:s5+$0x300] =	vst v63;
	v2 =	vbroadcast v2, $0xF  }
0x1c9: {  	[tilespmem:s5+$0x200] =	vst v3  }
0x1ca: {  	s7 =	simm.s32 $0x10;
	s6 =	simm.s32 $0x80;
	s4 =	sshll.u32 s2, $0x9;
	[tilespmem:s5+$0x380] =	vst v2  }
.LBB2_11:
0x1cb: {  	p0 =	sne.s32 s6, $0x1C0;
	v2 =	vld.idx.msk [tilespmem:v1+s7+$0x0 ss:$0x1], $0xffff;
	_ =	sdelay $0x5  }
0x1cc: {  	v3 =	vbroadcast v2, $0x0;
	v4 =	vbroadcast v2, $0x1  }
0x1cd: {  	s5 =	sadd.s32 $0x800, s5;
	v5 =	vbroadcast v2, $0x2;
	v6 =	vbroadcast v2, $0x3  }
0x1ce: {  	v7 =	vbroadcast v2, $0x5;
	[tilespmem:s5+$0xFFFFFC00] =	vst v3;
	v3 =	vbroadcast v2, $0x4  }
0x1cf: {  	v8 =	vbroadcast v2, $0x7;
	[tilespmem:s5+$0xFFFFFC80] =	vst v4;
	v4 =	vbroadcast v2, $0x6  }
0x1d0: {  	v9 =	vbroadcast v2, $0x9;
	[tilespmem:s5+$0xFFFFFD00] =	vst v5;
	v5 =	vbroadcast v2, $0x8  }
0x1d1: {  	v10 =	vbroadcast v2, $0xB;
	[tilespmem:s5+$0xFFFFFD80] =	vst v6;
	v6 =	vbroadcast v2, $0xA  }
0x1d2: {  	v11 =	vbroadcast v2, $0xD;
	[tilespmem:s5+$0xFFFFFE00] =	vst v3;
	v3 =	vbroadcast v2, $0xC  }
0x1d3: {  	[tilespmem:s5+$0xFFFFFE80] =	vst v7;
	v7 =	vbroadcast v2, $0xE;
	v2 =	vbroadcast v2, $0xF  }
0x1d4: {  	[tilespmem:s5+$0xFFFFFF00] =	vst v4  }
0x1d5: {  	[tilespmem:s5+$0xFFFFFF80] =	vst v8  }
0x1d6: {  	[tilespmem:s5+$0x0] =	vst v5  }
0x1d7: {  	[tilespmem:s5+$0x80] =	vst v9  }
0x1d8: {  	[tilespmem:s5+$0x100] =	vst v6  }
.Ltmp4:
0x1d9: {  	[tilespmem:s5+$0x180] =	vst v10;
	(pc) =	sbr.rel @p0 .LBB2_11-.Ltmp4, $4  }
0x1da: {  	[tilespmem:s5+$0x200] =	vst v3  }
0x1db: {  	[tilespmem:s5+$0x280] =	vst v11  }
0x1dc: {  	[tilespmem:s5+$0x300] =	vst v7  }
0x1dd: {  	s7 =	sshra.s32 s6, $0x2;
	s6 =	sadd.s32 $0x40, s6;
	[tilespmem:s5+$0x380] =	vst v2  }
0x1de: {  	_ =	sdelay $0x3  }
0x1df: {  	v1 =	vld.idx.msk [tilespmem:v1+s7+$0x0 ss:$0x1], $0xffff;
	_ =	sdelay $0x4  }
0x1e0: {  	v2 =	vbroadcast v1, $0x0  }
0x1e1: {  	s5 =	sadd.s32 $0x800, s5;
	v3 =	vbroadcast v1, $0x1  }
0x1e2: {  	v4 =	vbroadcast v1, $0x2;
	[tilespmem:s5+$0xFFFFFC00] =	vst v2  }
0x1e3: {  	v60 =	vbroadcast v1, $0x5;
	[tilespmem:s5+$0xFFFFFC80] =	vst v3  }
0x1e4: {  	v61 =	vbroadcast v1, $0x8;
	[tilespmem:s5+$0xFFFFFD00] =	vst v4  }
0x1e5: {  	v62 =	vbroadcast v1, $0xB;
	[tilespmem:s5+$0xFFFFFE80] =	vst v60  }
0x1e6: {  	v63 =	vbroadcast v1, $0xE;
	[tilespmem:s5+$0x0] =	vst v61  }
0x1e7: {  	v2 =	vbroadcast v1, $0x3;
	[tilespmem:s5+$0x180] =	vst v62  }
0x1e8: {  	v3 =	vbroadcast v1, $0x4;
	[tilespmem:s5+$0x300] =	vst v63  }
0x1e9: {  	[tilespmem:s5+$0xFFFFFD80] =	vst v2;
	v2 =	vbroadcast v1, $0x6  }
0x1ea: {  	[tilespmem:s5+$0xFFFFFE00] =	vst v3;
	v3 =	vbroadcast v1, $0x7  }
0x1eb: {  	[tilespmem:s5+$0xFFFFFF00] =	vst v2;
	v2 =	vbroadcast v1, $0x9  }
0x1ec: {  	[tilespmem:s5+$0xFFFFFF80] =	vst v3;
	v3 =	vbroadcast v1, $0xA  }
0x1ed: {  	[tilespmem:s5+$0x80] =	vst v2;
	v2 =	vbroadcast v1, $0xC  }
0x1ee: {  	[tilespmem:s5+$0x100] =	vst v3;
	v3 =	vbroadcast v1, $0xD  }
0x1ef: {  	s2 =	sadd.s32 $0x1, s2;
	v1 =	vbroadcast v1, $0xF;
	[tilespmem:s5+$0x200] =	vst v2  }
0x1f0: {  	p0 =	sne.s32 s2, $0x28;
	[tilespmem:s5+$0x280] =	vst v3  }
.Ltmp5:
0x1f1: {  	s4 =	sshrl.u32 s4, $0x2;
	[tilespmem:s5+$0x380] =	vst v1;
	(pc) =	sbr.rel @p0 .LBB2_10-.Ltmp5, $4  }
0x1f2: {  	[spmem:s14] =	stream.indirect.scatter.add.f32 [tilespmem:s0], [sflag:$0x1], $0x80, s4, s31, $0xb8;
	[tilespmem:$0x1B000] =	vst v63  }
0x1f3: {  	_ =	swait.ge [sflag:s30], $0x4000  }
0x1f4: {  	[sflag:s30] =	ssyncset.done $0x0  }
0x1f5: {  	s3 =	sadd.s32 $0x80, s3;
	[sflag:s30] =	ssyncadd.s32 $0xFFFFC000  }
0x1f6: {  	[bflag:$0x0] =	sbarrier.arrive $0xFFFF  }
0x1f7: {  	s3 =	sld [smem:$0x7D9]  }
0x1f8: {  	s2 =	stileid.u32  }
0x1f9: {  	s2 =	sshll.u32 s2, $0x6  }
0x1fa: {  	s4 =	rddreg [dreg:$0x9];
	s2 =	sor.u32 $0x1C01, s2;
	s3 =	sshrl.u32 s3, $0x3  }
0x1fb: {  	[hbm:s4], [sflag:s2] =	dma.local [spmem:s3], $0x100  }
0x1fc: {  	_ =	swait.ge [sflag:s30], $0x100  }
0x1fd: {  	s4 =	sld [smem:$0x7DB];
	_ =	sdelay $0x1  }
0x1fe: {  	[sflag:s30] =	ssyncset.done $0x0  }
0x1ff: {  	s5 =	rddreg [dreg:$0xa];
	[sflag:s30] =	ssyncadd.s32 $0xFFFFFF00;
	s3 =	sshrl.u32 s4, $0x3  }
0x200: {  	[hbm:s5], [sflag:s2] =	dma.local [spmem:s3], $0x100  }
0x201: {  	_ =	swait.ge [sflag:s30], $0x100  }
0x202: {  	s6 =	sld [smem:$0x7DD];
	_ =	sdelay $0x1  }
0x203: {  	[sflag:s30] =	ssyncset.done $0x0  }
0x204: {  	s7 =	rddreg [dreg:$0xb];
	[sflag:s30] =	ssyncadd.s32 $0xFFFFFF00;
	s3 =	sshrl.u32 s6, $0x3  }
0x205: {  	[hbm:s7], [sflag:s2] =	dma.local [spmem:s3], $0x100  }
0x206: {  	_ =	swait.ge [sflag:s30], $0x100  }
0x207: {  	s4 =	sld [smem:$0x7DF];
	_ =	sdelay $0x1  }
0x208: {  	[sflag:s30] =	ssyncset.done $0x0  }
0x209: {  	s5 =	rddreg [dreg:$0xc];
	[sflag:s30] =	ssyncadd.s32 $0xFFFFFF00;
	s3 =	sshrl.u32 s4, $0x3  }
0x20a: {  	[hbm:s5], [sflag:s2] =	dma.local [spmem:s3], $0x100  }
0x20b: {  	_ =	swait.ge [sflag:s30], $0x100  }
0x20c: {  	s6 =	sld [smem:$0x7E1];
	_ =	sdelay $0x1  }
0x20d: {  	[sflag:s30] =	ssyncset.done $0x0  }
0x20e: {  	s7 =	rddreg [dreg:$0xd];
	[sflag:s30] =	ssyncadd.s32 $0xFFFFFF00;
	s3 =	sshrl.u32 s6, $0x3  }
0x20f: {  	[hbm:s7], [sflag:s2] =	dma.local [spmem:s3], $0x100  }
0x210: {  	_ =	swait.ge [sflag:s30], $0x100  }
0x211: {  	s4 =	sld [smem:$0x7E3];
	_ =	sdelay $0x1  }
0x212: {  	[sflag:s30] =	ssyncset.done $0x0  }
0x213: {  	s5 =	rddreg [dreg:$0xe];
	[sflag:s30] =	ssyncadd.s32 $0xFFFFFF00;
	s3 =	sshrl.u32 s4, $0x3  }
0x214: {  	[hbm:s5], [sflag:s2] =	dma.local [spmem:s3], $0x100  }
0x215: {  	_ =	swait.ge [sflag:s30], $0x100  }
0x216: {  	s6 =	sld [smem:$0x7E4];
	_ =	sdelay $0x1  }
0x217: {  	[sflag:s30] =	ssyncset.done $0x0  }
0x218: {  	s7 =	rddreg [dreg:$0xf];
	[sflag:s30] =	ssyncadd.s32 $0xFFFFFF00;
	s3 =	sshrl.u32 s6, $0x3  }
0x219: {  	[hbm:s7], [sflag:s2] =	dma.local [spmem:s3], $0x100  }
0x21a: {  	_ =	swait.ge [sflag:s30], $0x100  }
0x21b: {  	s4 =	sld [smem:$0x7E6];
	_ =	sdelay $0x1  }
0x21c: {  	[sflag:s30] =	ssyncset.done $0x0  }
0x21d: {  	s5 =	rddreg [dreg:$0x10];
	[sflag:s30] =	ssyncadd.s32 $0xFFFFFF00;
	s3 =	sshrl.u32 s4, $0x3  }
0x21e: {  	[hbm:s5], [sflag:s2] =	dma.local [spmem:s3], $0x100  }
0x21f: {  	_ =	swait.ge [sflag:s30], $0x100  }
0x220: {  	s6 =	sld [smem:$0x7E8];
	_ =	sdelay $0x1  }
0x221: {  	[sflag:s30] =	ssyncset.done $0x0  }
0x222: {  	s7 =	rddreg [dreg:$0x11];
	[sflag:s30] =	ssyncadd.s32 $0xFFFFFF00;
	s3 =	sshrl.u32 s6, $0x3  }
0x223: {  	[hbm:s7], [sflag:s2] =	dma.local [spmem:s3], $0x100  }
0x224: {  	_ =	swait.ge [sflag:s30], $0x100  }
0x225: {  	s4 =	sld [smem:$0x7EA];
	_ =	sdelay $0x1  }
0x226: {  	[sflag:s30] =	ssyncset.done $0x0  }
0x227: {  	s5 =	rddreg [dreg:$0x12];
	[sflag:s30] =	ssyncadd.s32 $0xFFFFFF00;
	s3 =	sshrl.u32 s4, $0x3  }
0x228: {  	[hbm:s5], [sflag:s2] =	dma.local [spmem:s3], $0x100  }
0x229: {  	_ =	swait.ge [sflag:s30], $0x100  }
0x22a: {  	s6 =	sld [smem:$0x7EC];
	_ =	sdelay $0x1  }
0x22b: {  	[sflag:s30] =	ssyncset.done $0x0  }
0x22c: {  	s7 =	rddreg [dreg:$0x13];
	[sflag:s30] =	ssyncadd.s32 $0xFFFFFF00;
	s3 =	sshrl.u32 s6, $0x3  }
0x22d: {  	[hbm:s7], [sflag:s2] =	dma.local [spmem:s3], $0x100  }
0x22e: {  	_ =	swait.ge [sflag:s30], $0x100  }
0x22f: {  	s4 =	sld [smem:$0x7EE];
	_ =	sdelay $0x1  }
0x230: {  	[sflag:s30] =	ssyncset.done $0x0  }
0x231: {  	s5 =	rddreg [dreg:$0x14];
	[sflag:s30] =	ssyncadd.s32 $0xFFFFFF00;
	s3 =	sshrl.u32 s4, $0x3  }
0x232: {  	[hbm:s5], [sflag:s2] =	dma.local [spmem:s3], $0x100  }
0x233: {  	_ =	swait.ge [sflag:s30], $0x100  }
0x234: {  	s6 =	sld [smem:$0x7F0];
	_ =	sdelay $0x1  }
0x235: {  	[sflag:s30] =	ssyncset.done $0x0  }
0x236: {  	s7 =	rddreg [dreg:$0x15];
	[sflag:s30] =	ssyncadd.s32 $0xFFFFFF00;
	s3 =	sshrl.u32 s6, $0x3  }
0x237: {  	[hbm:s7], [sflag:s2] =	dma.local [spmem:s3], $0x100  }
0x238: {  	_ =	swait.ge [sflag:s30], $0x100  }
0x239: {  	s4 =	sld [smem:$0x7F2];
	_ =	sdelay $0x1  }
0x23a: {  	[sflag:s30] =	ssyncset.done $0x0  }
0x23b: {  	s5 =	rddreg [dreg:$0x16];
	[sflag:s30] =	ssyncadd.s32 $0xFFFFFF00;
	s3 =	sshrl.u32 s4, $0x3  }
0x23c: {  	[hbm:s5], [sflag:s2] =	dma.local [spmem:s3], $0x100  }
0x23d: {  	_ =	swait.ge [sflag:s30], $0x100  }
0x23e: {  	s6 =	sld [smem:$0x7F4];
	_ =	sdelay $0x1  }
0x23f: {  	[sflag:s30] =	ssyncset.done $0x0  }
0x240: {  	s7 =	rddreg [dreg:$0x17];
	[sflag:s30] =	ssyncadd.s32 $0xFFFFFF00;
	s3 =	sshrl.u32 s6, $0x3  }
0x241: {  	[hbm:s7], [sflag:s2] =	dma.local [spmem:s3], $0x100  }
0x242: {  	_ =	swait.ge [sflag:s30], $0x100  }
0x243: {  	s4 =	sld [smem:$0x7F5];
	_ =	sdelay $0x1  }
0x244: {  	[sflag:s30] =	ssyncset.done $0x0  }
0x245: {  	s5 =	rddreg [dreg:$0x18];
	[sflag:s30] =	ssyncadd.s32 $0xFFFFFF00;
	s3 =	sshrl.u32 s4, $0x3  }
0x246: {  	[hbm:s5], [sflag:s2] =	dma.local [spmem:s3], $0x100  }
0x247: {  	_ =	swait.ge [sflag:s30], $0x100  }
0x248: {  	s6 =	sld [smem:$0x7F7];
	_ =	sdelay $0x1  }
0x249: {  	[sflag:s30] =	ssyncset.done $0x0  }
0x24a: {  	s7 =	rddreg [dreg:$0x19];
	[sflag:s30] =	ssyncadd.s32 $0xFFFFFF00;
	s3 =	sshrl.u32 s6, $0x3  }
0x24b: {  	[hbm:s7], [sflag:s2] =	dma.local [spmem:s3], $0x100  }
0x24c: {  	_ =	swait.ge [sflag:s30], $0x100  }
0x24d: {  	[sflag:s30] =	ssyncset.done $0x0  }
0x24e: {  	s4 =	sshrl.u32 s8, $0x3;
	s5 =	rddreg [dreg:$0x1a];
	[sflag:s30] =	ssyncadd.s32 $0xFFFFFF00  }
0x24f: {  	[hbm:s5], [sflag:s2] =	dma.local [spmem:s4], $0x100  }
0x250: {  	_ =	swait.ge [sflag:s30], $0x100  }
0x251: {  	[sflag:s30] =	ssyncset.done $0x0  }
0x252: {  	s6 =	sshrl.u32 s9, $0x3;
	s7 =	rddreg [dreg:$0x1b];
	[sflag:s30] =	ssyncadd.s32 $0xFFFFFF00  }
0x253: {  	[hbm:s7], [sflag:s2] =	dma.local [spmem:s6], $0x100  }
0x254: {  	_ =	swait.ge [sflag:s30], $0x100  }
0x255: {  	[sflag:s30] =	ssyncset.done $0x0  }
0x256: {  	s4 =	sshrl.u32 s10, $0x3;
	s5 =	rddreg [dreg:$0x1c];
	[sflag:s30] =	ssyncadd.s32 $0xFFFFFF00  }
0x257: {  	[hbm:s5], [sflag:s2] =	dma.local [spmem:s4], $0x100  }
0x258: {  	_ =	swait.ge [sflag:s30], $0x100  }
0x259: {  	[sflag:s30] =	ssyncset.done $0x0  }
0x25a: {  	s6 =	sshrl.u32 s11, $0x3;
	s7 =	rddreg [dreg:$0x1d];
	[sflag:s30] =	ssyncadd.s32 $0xFFFFFF00  }
0x25b: {  	[hbm:s7], [sflag:s2] =	dma.local [spmem:s6], $0x100  }
0x25c: {  	_ =	swait.ge [sflag:s30], $0x100  }
0x25d: {  	[sflag:s30] =	ssyncset.done $0x0  }
0x25e: {  	s4 =	sshrl.u32 s12, $0x3;
	s5 =	rddreg [dreg:$0x1e];
	[sflag:s30] =	ssyncadd.s32 $0xFFFFFF00  }
0x25f: {  	[hbm:s5], [sflag:s2] =	dma.local [spmem:s4], $0x100  }
0x260: {  	_ =	swait.ge [sflag:s30], $0x100  }
0x261: {  	[sflag:s30] =	ssyncset.done $0x0  }
0x262: {  	s6 =	sshrl.u32 s13, $0x3;
	s7 =	rddreg [dreg:$0x1f];
	[sflag:s30] =	ssyncadd.s32 $0xFFFFFF00  }
0x263: {  	[hbm:s7], [sflag:s2] =	dma.local [spmem:s6], $0x100  }
0x264: {  	_ =	swait.ge [sflag:s30], $0x100  }
0x265: {  	s5 =	sld [smem:$0x7BA]  }
0x266: {  	[sflag:s30] =	ssyncset.done $0x0  }
0x267: {  	s4 =	sshrl.u32 s15, $0x3;
	[sflag:s30] =	ssyncadd.s32 $0xFFFFFF00  }
0x268: {  	[hbm:s5], [sflag:s2] =	dma.local [spmem:s4], $0x100  }
0x269: {  	_ =	swait.ge [sflag:s30], $0x100  }
0x26a: {  	s7 =	sld [smem:$0x7BC]  }
0x26b: {  	[sflag:s30] =	ssyncset.done $0x0  }
0x26c: {  	s6 =	sshrl.u32 s16, $0x3;
	[sflag:s30] =	ssyncadd.s32 $0xFFFFFF00  }
0x26d: {  	[hbm:s7], [sflag:s2] =	dma.local [spmem:s6], $0x100  }
0x26e: {  	_ =	swait.ge [sflag:s30], $0x100  }
0x26f: {  	s5 =	sld [smem:$0x7BD]  }
0x270: {  	[sflag:s30] =	ssyncset.done $0x0  }
0x271: {  	s4 =	sshrl.u32 s17, $0x3;
	[sflag:s30] =	ssyncadd.s32 $0xFFFFFF00  }
0x272: {  	[hbm:s5], [sflag:s2] =	dma.local [spmem:s4], $0x100  }
0x273: {  	_ =	swait.ge [sflag:s30], $0x100  }
0x274: {  	s6 =	sld [smem:$0x7F8]  }
0x275: {  	s7 =	smov.u32 s17;
	s17 =	sld [smem:$0x7BE]  }
0x276: {  	[sflag:s30] =	ssyncset.done $0x0  }
0x277: {  	[sflag:s30] =	ssyncadd.s32 $0xFFFFFF00;
	s3 =	sshrl.u32 s6, $0x3  }
0x278: {  	[hbm:s17], [sflag:s2] =	dma.local [spmem:s3], $0x100  }
0x279: {  	_ =	swait.ge [sflag:s30], $0x100  }
0x27a: {  	s4 =	sld [smem:$0x7F9]  }
0x27b: {  	s5 =	sld [smem:$0x7C2]  }
0x27c: {  	[sflag:s30] =	ssyncset.done $0x0  }
0x27d: {  	[sflag:s30] =	ssyncadd.s32 $0xFFFFFF00;
	s3 =	sshrl.u32 s4, $0x3  }
0x27e: {  	[hbm:s5], [sflag:s2] =	dma.local [spmem:s3], $0x100  }
0x27f: {  	_ =	swait.ge [sflag:s30], $0x100  }
0x280: {  	s6 =	sld [smem:$0x7FA]  }
0x281: {  	s17 =	sld [smem:$0x7C3]  }
0x282: {  	[sflag:s30] =	ssyncset.done $0x0  }
0x283: {  	[sflag:s30] =	ssyncadd.s32 $0xFFFFFF00;
	s3 =	sshrl.u32 s6, $0x3  }
0x284: {  	[hbm:s17], [sflag:s2] =	dma.local [spmem:s3], $0x100  }
0x285: {  	_ =	swait.ge [sflag:s30], $0x100  }
0x286: {  	s6 =	sld [smem:$0x7C4]  }
0x287: {  	[sflag:s30] =	ssyncset.done $0x0  }
0x288: {  	s5 =	sshrl.u32 s18, $0x3;
	[sflag:s30] =	ssyncadd.s32 $0xFFFFFF00  }
0x289: {  	[hbm:s6], [sflag:s2] =	dma.local [spmem:s5], $0x100  }
0x28a: {  	s17 =	smov.u32 s18;
	_ =	swait.ge [sflag:s30], $0x100  }
0x28b: {  	s18 =	sshrl.u32 s19, $0x3;
	s6 =	smov.u32 s19;
	s19 =	sld [smem:$0x7C8]  }
0x28c: {  	[sflag:s30] =	ssyncset.done $0x0  }
0x28d: {  	[sflag:s30] =	ssyncadd.s32 $0xFFFFFF00  }
0x28e: {  	[hbm:s19], [sflag:s2] =	dma.local [spmem:s18], $0x100  }
0x28f: {  	_ =	swait.ge [sflag:s30], $0x100  }
0x290: {  	s5 =	sld [smem:$0x7C9]  }
0x291: {  	[sflag:s30] =	ssyncset.done $0x0  }
0x292: {  	s4 =	sshrl.u32 s20, $0x3;
	[sflag:s30] =	ssyncadd.s32 $0xFFFFFF00  }
0x293: {  	[hbm:s5], [sflag:s2] =	dma.local [spmem:s4], $0x100  }
0x294: {  	_ =	swait.ge [sflag:s30], $0x100  }
0x295: {  	s18 =	sld [smem:$0x7FB]  }
0x296: {  	s19 =	smov.u32 s20;
	s20 =	sld [smem:$0x7CA]  }
0x297: {  	[sflag:s30] =	ssyncset.done $0x0  }
0x298: {  	[sflag:s30] =	ssyncadd.s32 $0xFFFFFF00;
	s3 =	sshrl.u32 s18, $0x3  }
0x299: {  	[hbm:s20], [sflag:s2] =	dma.local [spmem:s3], $0x100  }
0x29a: {  	_ =	swait.ge [sflag:s30], $0x100  }
0x29b: {  	s5 =	sld [smem:$0x7CE]  }
0x29c: {  	[sflag:s30] =	ssyncset.done $0x0  }
0x29d: {  	s4 =	sshrl.u32 s21, $0x3;
	[sflag:s30] =	ssyncadd.s32 $0xFFFFFF00  }
0x29e: {  	[hbm:s5], [sflag:s2] =	dma.local [spmem:s4], $0x100  }
0x29f: {  	_ =	swait.ge [sflag:s30], $0x100  }
0x2a0: {  	s20 =	sld [smem:$0x7CF]  }
0x2a1: {  	[sflag:s30] =	ssyncset.done $0x0  }
0x2a2: {  	s18 =	sshrl.u32 s22, $0x3;
	[sflag:s30] =	ssyncadd.s32 $0xFFFFFF00  }
0x2a3: {  	[hbm:s20], [sflag:s2] =	dma.local [spmem:s18], $0x100  }
0x2a4: {  	_ =	swait.ge [sflag:s30], $0x100  }
0x2a5: {  	s5 =	sld [smem:$0x7D0]  }
0x2a6: {  	[sflag:s30] =	ssyncset.done $0x0  }
0x2a7: {  	s4 =	sshrl.u32 s23, $0x3;
	[sflag:s30] =	ssyncadd.s32 $0xFFFFFF00  }
0x2a8: {  	[hbm:s5], [sflag:s2] =	dma.local [spmem:s4], $0x100  }
0x2a9: {  	_ =	swait.ge [sflag:s30], $0x100  }
0x2aa: {  	s20 =	sld [smem:$0x7D4]  }
0x2ab: {  	[sflag:s30] =	ssyncset.done $0x0  }
0x2ac: {  	s18 =	sshrl.u32 s24, $0x3;
	[sflag:s30] =	ssyncadd.s32 $0xFFFFFF00  }
0x2ad: {  	[hbm:s20], [sflag:s2] =	dma.local [spmem:s18], $0x100  }
0x2ae: {  	_ =	swait.ge [sflag:s30], $0x100  }
0x2af: {  	s5 =	sld [smem:$0x7D5]  }
0x2b0: {  	[sflag:s30] =	ssyncset.done $0x0  }
0x2b1: {  	s4 =	sshrl.u32 s25, $0x3;
	[sflag:s30] =	ssyncadd.s32 $0xFFFFFF00  }
0x2b2: {  	[hbm:s5], [sflag:s2] =	dma.local [spmem:s4], $0x100  }
0x2b3: {  	_ =	swait.ge [sflag:s30], $0x100  }
0x2b4: {  	s20 =	sld [smem:$0x7D7]  }
0x2b5: {  	[sflag:s30] =	ssyncset.done $0x0  }
0x2b6: {  	s18 =	sshrl.u32 s26, $0x3;
	[sflag:s30] =	ssyncadd.s32 $0xFFFFFF00  }
0x2b7: {  	[hbm:s20], [sflag:s2] =	dma.local [spmem:s18], $0x100  }
0x2b8: {  	_ =	swait.ge [sflag:s30], $0x100  }
0x2b9: {  	s18 =	sld [smem:$0x7D8]  }
0x2ba: {  	[sflag:s30] =	ssyncset.done $0x0  }
0x2bb: {  	s5 =	sshrl.u32 s28, $0x3;
	[sflag:s30] =	ssyncadd.s32 $0xFFFFFF00  }
0x2bc: {  	[hbm:s18], [sflag:s2] =	dma.local [spmem:s5], $0x100  }
0x2bd: {  	_ =	swait.ge [sflag:s30], $0x100  }
0x2be: {  	s20 =	sld [smem:$0x7FD];
	_ =	sdelay $0x1  }
0x2bf: {  	s1 =	sadd.s32 $0x1, s1  }
0x2c0: {  	p0 =	sne.s32 s1, s20  }
.Ltmp6:
0x2c1: {  	_ = 	snop;
	(pc) =	sbr.rel @p0 .LBB2_1-.Ltmp6, $3  }
0x2c2: {  	_ =	sdelay $0x1  }
0x2c3: {  	[sflag:s30] =	ssyncset.done $0x0  }
0x2c4: {  	[sflag:s30] =	ssyncadd.s32 $0xFFFFFF00  }
0x2c5: {  	_ =	sfence.sel $0x180000  }
0x2c6: {  	[bflag:$0x0] =	sbarrier.arrive $0xFFFF  }
0x2c7: {  	_ =	strace $0x90000047  }
0x2c8: {  	s0 =	stileid.u32;
	[bflag:$0x2] =	sbarrier.arrive $0xFFFF  }
0x2c9: {  	p0 =	sne.s32 s0, $0x0;
	s0 =	rddreg [dreg:$0x4]  }
0x2ca: {  	s0 =	sadd.s32 @!p0 $0x100000, s0  }
0x2cb: {  	[sflag:s0] =	ssyncadd.tile.s32 @!p0 $0x1;
	_ =	shalt  }
.Lfunc_end2:
_tile_overlayer_lowered:
.L_overlay_start_2:
0x2cc: {  	(tag) =	ssettag $0x2  }
0x2cd: {  	s0 =	rddreg [dreg:$0x0];
	s2 =	stileid.u32  }
0x2ce: {  	s1 =	rddreg [dreg:$0x1];
	p0 =	sne.s32 s2, $0x0  }
0x2cf: {  	s3 =	rddreg [dreg:$0x2];
	[bflag:$0x3] =	sbarrier.arrive $0xFFFF;
	s2 =	simm.s32 @!p0 $0x1C01  }
0x2d0: {  	[timem:s3], [sflag:s2] =	dma.local @!p0 [hbm:s0], s1  }
0x2d1: {  	s0 =	simm.s32 @!p0 $0x1  }
0x2d2: {  	_ =	swait.ge @!p0 [sflag:s0], s1  }
0x2d3: {  	s1 =	ssub.s32 @!p0 $0x0, s1;
	[sflag:s0] =	ssyncset.done @!p0 $0x0  }
0x2d4: {  	[sflag:s0] =	ssyncadd.s32 @!p0 s1  }
0x2d5: {  	[bflag:$0x3] =	sbarrier.arrive $0xFFFF  }
0x2d6: {  	_ =	shalt  }

</sc_bundles>
